<compile_context>
chip_gen: v7x
topology: tpu7x:2x2x1
jax: 0.10.2.dev20260603
libtpu: 0.0.44.dev20260713+nightly
codegen_flags: <defaults>
</compile_context>

<pallas_src>
import functools

import jax
import jax.numpy as jnp
from jax import lax
from jax.experimental import pallas as pl
from jax.experimental.pallas import tpu as pltpu
from jax.experimental.pallas import tpu_sc as plsc

EMBED_DIM = 64
PAD_DIM = 128
NUM_CORES = 2
NUM_SUBCORES = 16
NUM_WORKERS = NUM_CORES * NUM_SUBCORES
CHUNK = 320
IDXW = 256
NBUF = 2


def kernel(x, weight):
    batch, hist = x.shape
    num_indices = batch * hist
    per_worker = num_indices // NUM_WORKERS
    rows_per_worker = batch // NUM_WORKERS
    rows_per_chunk = CHUNK // hist
    n_chunks = per_worker // CHUNK
    w128 = jnp.pad(weight, ((0, 0), (0, PAD_DIM - EMBED_DIM)))
    idx = x.reshape(num_indices).astype(jnp.int32)

    mesh = plsc.VectorSubcoreMesh(core_axis_name="c", subcore_axis_name="s")

    row_buf = pltpu.VMEM((CHUNK, PAD_DIM), jnp.float32)

    @functools.partial(
        pl.kernel,
        mesh=mesh,
        out_type=jax.ShapeDtypeStruct((batch, hist, PAD_DIM), weight.dtype),
        scratch_types=[
            pltpu.VMEM((per_worker,), jnp.int32),
            *([row_buf] * NBUF),
            *([pltpu.SemaphoreType.DMA] * (2 * NBUF)),
        ],
        compiler_params=pltpu.CompilerParams(use_tc_tiling_on_sc=True),
    )
    def gather_kernel(idx_hbm, table_hbm, out_hbm, idx_v, *bufs_sems):
        rbufs = bufs_sems[:NBUF]
        gsems = bufs_sems[NBUF:2 * NBUF]
        wsems = bufs_sems[2 * NBUF:]

        wid = lax.axis_index("s") * NUM_CORES + lax.axis_index("c")
        base = wid * per_worker
        row_base = wid * rows_per_worker

        pltpu.sync_copy(idx_hbm.at[pl.ds(base, per_worker)], idx_v)

        def idx_slice(c):
            return idx_v.at[pl.ds(c * CHUNK, CHUNK)]

        def wb_start(b, c):
            for r in range(rows_per_chunk):
                pltpu.async_copy(
                    rbufs[b].at[pl.ds(r * hist, hist), :],
                    out_hbm.at[row_base + c * rows_per_chunk + r],
                    wsems[b])

        def wb_wait(b, c):
            for r in range(rows_per_chunk):
                pltpu.make_async_copy(
                    rbufs[b].at[pl.ds(r * hist, hist), :],
                    out_hbm.at[row_base + c * rows_per_chunk + r],
                    wsems[b]).wait()

        pltpu.async_copy(table_hbm.at[idx_slice(0)], rbufs[0], gsems[0])

        @pl.loop(0, n_chunks, step=NBUF)
        def _(k):
            for b in range(NBUF):
                c = k + b
                nb = 1 - b
                pltpu.make_async_copy(table_hbm.at[idx_slice(c)],
                                      rbufs[b], gsems[b]).wait()
                wb_start(b, c)

                @pl.when(c + 1 < n_chunks)
                def _():
                    @pl.when(c >= 1)
                    def _():
                        wb_wait(nb, c - 1)

                    pltpu.async_copy(table_hbm.at[idx_slice(c + 1)],
                                     rbufs[nb], gsems[nb])

        wb_wait(0, n_chunks - 2)
        wb_wait(1, n_chunks - 1)

    return gather_kernel(idx, w128)[:, :, :EMBED_DIM]

# --- scband reference (transcript-rebuilt; emitter-appended) ---
"""Pipeline reference for scband-embedding-18373870092457 (READ-ONLY COPY).

The authoritative reference and input builder live on the scoring server;
editing this copy changes nothing except your own understanding.
"""

import jax, jax.numpy as jnp
import numpy as np

DICT_SIZE = 1000000
EMBED_DIM = 64
BATCH = 16384
HIST = 20

def setup_inputs(seed: int = 0) -> dict:
    key = jax.random.key(seed)
    k_idx, k_w = jax.random.split(key)
    x = jax.random.randint(k_idx, (BATCH, HIST), 0, DICT_SIZE, dtype=jnp.int64 if jax.config.jax_enable_x64 else jnp.int32)
    weight = jax.random.normal(k_w, (DICT_SIZE, EMBED_DIM), dtype=jnp.float32) * 0.02
    return {"x": x, "weight": weight}

def reference(x, weight):
    # ttnn.embedding == row gather from embedding table
    return jnp.take(weight, x, axis=0)

if __name__ == "__main__":
    import jax
    _d = setup_inputs()
    print(jax.jit(kernel)(*tuple(_d.values())))

</pallas_src>

<mosaic_0001>
#map = affine_map<(d0, d1) -> (0)>
#map1 = affine_map<(d0, d1) -> (0, 0)>
#map2 = affine_map<(d0, d1) -> (0, 0, 0)>
module attributes {stable_mosaic.version = 14 : i64} {
  func.func @gather_kernel(%arg0: i32, %arg1: i32, %arg2: memref<327680xi32, #tpu.memory_space<hbm>>, %arg3: memref<1000000x128xf32, #tpu.memory_space<hbm>>, %arg4: memref<16384x20x128xf32, #tpu.memory_space<hbm>>, %arg5: memref<10240xi32, #tpu.memory_space<vmem>>, %arg6: memref<320x128xf32, #tpu.memory_space<vmem>>, %arg7: memref<320x128xf32, #tpu.memory_space<vmem>>, %arg8: memref<!tpu.dma_semaphore, #tpu.memory_space<semaphore_mem>>, %arg9: memref<!tpu.dma_semaphore, #tpu.memory_space<semaphore_mem>>, %arg10: memref<!tpu.dma_semaphore, #tpu.memory_space<semaphore_mem>>, %arg11: memref<!tpu.dma_semaphore, #tpu.memory_space<semaphore_mem>>) attributes {dimension_semantics = [#tpu.dimension_semantics<core_parallel>, #tpu.dimension_semantics<subcore_parallel>], iteration_bounds = array<i64: 2, 16>, scalar_prefetch = 0 : i64, scratch_operands = 7 : i64, tpu.core_type = #tpu.core_type<sc_vector_subcore>, window_params = [{transform_indices = #map}, {transform_indices = #map1}, {transform_indices = #map2}]} {
    %mul3A = arith.constant 2 : i32
    %mul3A_0 = arith.muli %arg1, %mul3A : i32
    %add3A = arith.addi %mul3A_0, %arg0 : i32
    %mul3A_1 = arith.constant 10240 : i32
    %mul3A_2 = arith.muli %add3A, %mul3A_1 : i32
    %mul3A_3 = arith.constant 512 : i32
    %mul3A_4 = arith.muli %add3A, %mul3A_3 : i32
    "tpu.region"() ({
      %run_scoped3A = tpu.sem_alloc : memref<!tpu.dma_semaphore, #tpu.memory_space<semaphore_mem>>
      %dma_start3A_588 = tpu.memref_slice %arg2[%mul3A_2] : memref<327680xi32, #tpu.memory_space<hbm>> -> memref<10240xi32, #tpu.memory_space<hbm>>
      %dma_start3A_589 = tpu.memref_slice %arg2[%mul3A_2] : memref<327680xi32, #tpu.memory_space<hbm>> -> memref<10240xi32, #tpu.memory_space<hbm>>
      tpu.enqueue_dma source(%dma_start3A_589 : memref<10240xi32, #tpu.memory_space<hbm>>) target(%arg5 : memref<10240xi32, #tpu.memory_space<vmem>>) target_semaphore(%run_scoped3A : memref<!tpu.dma_semaphore, #tpu.memory_space<semaphore_mem>>)
      %dma_wait3A_590 = tpu.memref_slice %arg2[%mul3A_2] : memref<327680xi32, #tpu.memory_space<hbm>> -> memref<10240xi32, #tpu.memory_space<hbm>>
      %dma_wait3A_591 = tpu.memref_slice %arg2[%mul3A_2] : memref<327680xi32, #tpu.memory_space<hbm>> -> memref<10240xi32, #tpu.memory_space<hbm>>
      tpu.wait_dma2 semaphore(%run_scoped3A : memref<!tpu.dma_semaphore, #tpu.memory_space<semaphore_mem>>) src(%dma_wait3A_591 : memref<10240xi32, #tpu.memory_space<hbm>>) dst(%arg5 : memref<10240xi32, #tpu.memory_space<vmem>>)
      tpu.yield
    }) : () -> ()
    %dma_start3A = arith.constant 0 : i32
    %dma_start3A_5 = tpu.memref_slice %arg5[%dma_start3A] : memref<10240xi32, #tpu.memory_space<vmem>> -> memref<320xi32, #tpu.memory_space<vmem>>
    %dma_start3A_6 = arith.constant 0 : i32
    %dma_start3A_7 = arith.constant 0 : i32
    %dma_start3A_8 = tpu.memref_slice %arg3[%dma_start3A_6, %dma_start3A_7] : memref<1000000x128xf32, #tpu.memory_space<hbm>> -> memref<1000000x128xf32, #tpu.memory_space<hbm>>
    tpu.enqueue_indirect_dma source(%dma_start3A_8 : memref<1000000x128xf32, #tpu.memory_space<hbm>>) target(%arg6 : memref<320x128xf32, #tpu.memory_space<vmem>>) offsets(%dma_start3A_5 : memref<320xi32, #tpu.memory_space<vmem>>) semaphore(%arg8 : memref<!tpu.dma_semaphore, #tpu.memory_space<semaphore_mem>>)
    %scan3A = arith.constant 0 : i32
    %scan3A_9 = arith.constant 16 : i32
    %scan3A_10 = arith.addi %scan3A, %scan3A_9 : i32
    %scan3A_11 = arith.constant 1 : i32
    scf.for %scan3A_588 = %scan3A to %scan3A_10 step %scan3A_11  : i32 {
      %mul3A_589 = arith.constant 2 : i32
      %mul3A_590 = arith.muli %scan3A_588, %mul3A_589 : i32
      %add3A_591 = arith.constant 0 : i32
      %add3A_592 = arith.addi %add3A_591, %mul3A_590 : i32
      %add3A_593 = arith.constant 0 : i32
      %add3A_594 = arith.addi %add3A_592, %add3A_593 : i32
      %mul3A_595 = arith.constant 320 : i32
      %mul3A_596 = arith.muli %add3A_594, %mul3A_595 : i32
      %dma_wait3A_597 = tpu.memref_slice %arg5[%mul3A_596] : memref<10240xi32, #tpu.memory_space<vmem>> -> memref<320xi32, #tpu.memory_space<vmem>>
      %dma_wait3A_598 = arith.constant 0 : i32
      %dma_wait3A_599 = arith.constant 0 : i32
      %dma_wait3A_600 = tpu.memref_slice %arg3[%dma_wait3A_598, %dma_wait3A_599] : memref<1000000x128xf32, #tpu.memory_space<hbm>> -> memref<1000000x128xf32, #tpu.memory_space<hbm>>
      tpu.wait_indirect_dma semaphore(%arg8 : memref<!tpu.dma_semaphore, #tpu.memory_space<semaphore_mem>>) src(%dma_wait3A_600 : memref<1000000x128xf32, #tpu.memory_space<hbm>>) dst(%arg6 : memref<320x128xf32, #tpu.memory_space<vmem>>)
      %mul3A_601 = arith.constant 16 : i32
      %mul3A_602 = arith.muli %add3A_594, %mul3A_601 : i32
      %add3A_603 = arith.addi %mul3A_4, %mul3A_602 : i32
      %add3A_604 = arith.constant 0 : i32
      %add3A_605 = arith.addi %add3A_603, %add3A_604 : i32
      %dma_start3A_606 = arith.constant 0 : i32
      %dma_start3A_607 = arith.constant 0 : i32
      %dma_start3A_608 = tpu.memref_slice %arg6[%dma_start3A_606, %dma_start3A_607] : memref<320x128xf32, #tpu.memory_space<vmem>> -> memref<20x128xf32, #tpu.memory_space<vmem>>
      %dma_start3A_609 = arith.constant 0 : i32
      %dma_start3A_610 = arith.constant 0 : i32
      %dma_start3A_611 = tpu.memref_slice %arg4[%add3A_605, %dma_start3A_609, %dma_start3A_610] : memref<16384x20x128xf32, #tpu.memory_space<hbm>> -> memref<1x20x128xf32, #tpu.memory_space<hbm>>
      %dma_start3A_612 = tpu.memref_squeeze %dma_start3A_611 : memref<1x20x128xf32, #tpu.memory_space<hbm>> -> memref<20x128xf32, #tpu.memory_space<hbm>>
      %dma_start3A_613 = arith.constant 0 : i32
      %dma_start3A_614 = arith.constant 0 : i32
      %dma_start3A_615 = tpu.memref_slice %arg4[%add3A_605, %dma_start3A_613, %dma_start3A_614] : memref<16384x20x128xf32, #tpu.memory_space<hbm>> -> memref<1x20x128xf32, #tpu.memory_space<hbm>>
      %dma_start3A_616 = tpu.memref_squeeze %dma_start3A_615 : memref<1x20x128xf32, #tpu.memory_space<hbm>> -> memref<20x128xf32, #tpu.memory_space<hbm>>
      %dma_start3A_617 = arith.constant 0 : i32
      %dma_start3A_618 = arith.constant 0 : i32
      %dma_start3A_619 = tpu.memref_slice %arg6[%dma_start3A_617, %dma_start3A_618] : memref<320x128xf32, #tpu.memory_space<vmem>> -> memref<20x128xf32, #tpu.memory_space<vmem>>
      tpu.enqueue_dma source(%dma_start3A_619 : memref<20x128xf32, #tpu.memory_space<vmem>>) target(%dma_start3A_616 : memref<20x128xf32, #tpu.memory_space<hbm>>) target_semaphore(%arg10 : memref<!tpu.dma_semaphore, #tpu.memory_space<semaphore_mem>>)
      %mul3A_620 = arith.constant 16 : i32
      %mul3A_621 = arith.muli %add3A_594, %mul3A_620 : i32
      %add3A_622 = arith.addi %mul3A_4, %mul3A_621 : i32
      %add3A_623 = arith.constant 1 : i32
      %add3A_624 = arith.addi %add3A_622, %add3A_623 : i32
      %dma_start3A_625 = arith.constant 20 : i32
      %dma_start3A_626 = arith.constant 0 : i32
      %dma_start3A_627 = tpu.memref_slice %arg6[%dma_start3A_625, %dma_start3A_626] : memref<320x128xf32, #tpu.memory_space<vmem>> -> memref<20x128xf32, #tpu.memory_space<vmem>>
      %dma_start3A_628 = arith.constant 0 : i32
      %dma_start3A_629 = arith.constant 0 : i32
      %dma_start3A_630 = tpu.memref_slice %arg4[%add3A_624, %dma_start3A_628, %dma_start3A_629] : memref<16384x20x128xf32, #tpu.memory_space<hbm>> -> memref<1x20x128xf32, #tpu.memory_space<hbm>>
      %dma_start3A_631 = tpu.memref_squeeze %dma_start3A_630 : memref<1x20x128xf32, #tpu.memory_space<hbm>> -> memref<20x128xf32, #tpu.memory_space<hbm>>
      %dma_start3A_632 = arith.constant 0 : i32
      %dma_start3A_633 = arith.constant 0 : i32
      %dma_start3A_634 = tpu.memref_slice %arg4[%add3A_624, %dma_start3A_632, %dma_start3A_633] : memref<16384x20x128xf32, #tpu.memory_space<hbm>> -> memref<1x20x128xf32, #tpu.memory_space<hbm>>
      %dma_start3A_635 = tpu.memref_squeeze %dma_start3A_634 : memref<1x20x128xf32, #tpu.memory_space<hbm>> -> memref<20x128xf32, #tpu.memory_space<hbm>>
      %dma_start3A_636 = arith.constant 20 : i32
      %dma_start3A_637 = arith.constant 0 : i32
      %dma_start3A_638 = tpu.memref_slice %arg6[%dma_start3A_636, %dma_start3A_637] : memref<320x128xf32, #tpu.memory_space<vmem>> -> memref<20x128xf32, #tpu.memory_space<vmem>>
      tpu.enqueue_dma source(%dma_start3A_638 : memref<20x128xf32, #tpu.memory_space<vmem>>) target(%dma_start3A_635 : memref<20x128xf32, #tpu.memory_space<hbm>>) target_semaphore(%arg10 : memref<!tpu.dma_semaphore, #tpu.memory_space<semaphore_mem>>)
      %mul3A_639 = arith.constant 16 : i32
      %mul3A_640 = arith.muli %add3A_594, %mul3A_639 : i32
      %add3A_641 = arith.addi %mul3A_4, %mul3A_640 : i32
      %add3A_642 = arith.constant 2 : i32
      %add3A_643 = arith.addi %add3A_641, %add3A_642 : i32
      %dma_start3A_644 = arith.constant 40 : i32
      %dma_start3A_645 = arith.constant 0 : i32
      %dma_start3A_646 = tpu.memref_slice %arg6[%dma_start3A_644, %dma_start3A_645] : memref<320x128xf32, #tpu.memory_space<vmem>> -> memref<20x128xf32, #tpu.memory_space<vmem>>
      %dma_start3A_647 = arith.constant 0 : i32
      %dma_start3A_648 = arith.constant 0 : i32
      %dma_start3A_649 = tpu.memref_slice %arg4[%add3A_643, %dma_start3A_647, %dma_start3A_648] : memref<16384x20x128xf32, #tpu.memory_space<hbm>> -> memref<1x20x128xf32, #tpu.memory_space<hbm>>
      %dma_start3A_650 = tpu.memref_squeeze %dma_start3A_649 : memref<1x20x128xf32, #tpu.memory_space<hbm>> -> memref<20x128xf32, #tpu.memory_space<hbm>>
      %dma_start3A_651 = arith.constant 0 : i32
      %dma_start3A_652 = arith.constant 0 : i32
      %dma_start3A_653 = tpu.memref_slice %arg4[%add3A_643, %dma_start3A_651, %dma_start3A_652] : memref<16384x20x128xf32, #tpu.memory_space<hbm>> -> memref<1x20x128xf32, #tpu.memory_space<hbm>>
      %dma_start3A_654 = tpu.memref_squeeze %dma_start3A_653 : memref<1x20x128xf32, #tpu.memory_space<hbm>> -> memref<20x128xf32, #tpu.memory_space<hbm>>
      %dma_start3A_655 = arith.constant 40 : i32
      %dma_start3A_656 = arith.constant 0 : i32
      %dma_start3A_657 = tpu.memref_slice %arg6[%dma_start3A_655, %dma_start3A_656] : memref<320x128xf32, #tpu.memory_space<vmem>> -> memref<20x128xf32, #tpu.memory_space<vmem>>
      tpu.enqueue_dma source(%dma_start3A_657 : memref<20x128xf32, #tpu.memory_space<vmem>>) target(%dma_start3A_654 : memref<20x128xf32, #tpu.memory_space<hbm>>) target_semaphore(%arg10 : memref<!tpu.dma_semaphore, #tpu.memory_space<semaphore_mem>>)
      %mul3A_658 = arith.constant 16 : i32
      %mul3A_659 = arith.muli %add3A_594, %mul3A_658 : i32
      %add3A_660 = arith.addi %mul3A_4, %mul3A_659 : i32
      %add3A_661 = arith.constant 3 : i32
      %add3A_662 = arith.addi %add3A_660, %add3A_661 : i32
      %dma_start3A_663 = arith.constant 60 : i32
      %dma_start3A_664 = arith.constant 0 : i32
      %dma_start3A_665 = tpu.memref_slice %arg6[%dma_start3A_663, %dma_start3A_664] : memref<320x128xf32, #tpu.memory_space<vmem>> -> memref<20x128xf32, #tpu.memory_space<vmem>>
      %dma_start3A_666 = arith.constant 0 : i32
      %dma_start3A_667 = arith.constant 0 : i32
      %dma_start3A_668 = tpu.memref_slice %arg4[%add3A_662, %dma_start3A_666, %dma_start3A_667] : memref<16384x20x128xf32, #tpu.memory_space<hbm>> -> memref<1x20x128xf32, #tpu.memory_space<hbm>>
      %dma_start3A_669 = tpu.memref_squeeze %dma_start3A_668 : memref<1x20x128xf32, #tpu.memory_space<hbm>> -> memref<20x128xf32, #tpu.memory_space<hbm>>
      %dma_start3A_670 = arith.constant 0 : i32
      %dma_start3A_671 = arith.constant 0 : i32
      %dma_start3A_672 = tpu.memref_slice %arg4[%add3A_662, %dma_start3A_670, %dma_start3A_671] : memref<16384x20x128xf32, #tpu.memory_space<hbm>> -> memref<1x20x128xf32, #tpu.memory_space<hbm>>
      %dma_start3A_673 = tpu.memref_squeeze %dma_start3A_672 : memref<1x20x128xf32, #tpu.memory_space<hbm>> -> memref<20x128xf32, #tpu.memory_space<hbm>>
      %dma_start3A_674 = arith.constant 60 : i32
      %dma_start3A_675 = arith.constant 0 : i32
      %dma_start3A_676 = tpu.memref_slice %arg6[%dma_start3A_674, %dma_start3A_675] : memref<320x128xf32, #tpu.memory_space<vmem>> -> memref<20x128xf32, #tpu.memory_space<vmem>>
      tpu.enqueue_dma source(%dma_start3A_676 : memref<20x128xf32, #tpu.memory_space<vmem>>) target(%dma_start3A_673 : memref<20x128xf32, #tpu.memory_space<hbm>>) target_semaphore(%arg10 : memref<!tpu.dma_semaphore, #tpu.memory_space<semaphore_mem>>)
      %mul3A_677 = arith.constant 16 : i32
      %mul3A_678 = arith.muli %add3A_594, %mul3A_677 : i32
      %add3A_679 = arith.addi %mul3A_4, %mul3A_678 : i32
      %add3A_680 = arith.constant 4 : i32
      %add3A_681 = arith.addi %add3A_679, %add3A_680 : i32
      %dma_start3A_682 = arith.constant 80 : i32
      %dma_start3A_683 = arith.constant 0 : i32
      %dma_start3A_684 = tpu.memref_slice %arg6[%dma_start3A_682, %dma_start3A_683] : memref<320x128xf32, #tpu.memory_space<vmem>> -> memref<20x128xf32, #tpu.memory_space<vmem>>
      %dma_start3A_685 = arith.constant 0 : i32
      %dma_start3A_686 = arith.constant 0 : i32
      %dma_start3A_687 = tpu.memref_slice %arg4[%add3A_681, %dma_start3A_685, %dma_start3A_686] : memref<16384x20x128xf32, #tpu.memory_space<hbm>> -> memref<1x20x128xf32, #tpu.memory_space<hbm>>
      %dma_start3A_688 = tpu.memref_squeeze %dma_start3A_687 : memref<1x20x128xf32, #tpu.memory_space<hbm>> -> memref<20x128xf32, #tpu.memory_space<hbm>>
      %dma_start3A_689 = arith.constant 0 : i32
      %dma_start3A_690 = arith.constant 0 : i32
      %dma_start3A_691 = tpu.memref_slice %arg4[%add3A_681, %dma_start3A_689, %dma_start3A_690] : memref<16384x20x128xf32, #tpu.memory_space<hbm>> -> memref<1x20x128xf32, #tpu.memory_space<hbm>>
      %dma_start3A_692 = tpu.memref_squeeze %dma_start3A_691 : memref<1x20x128xf32, #tpu.memory_space<hbm>> -> memref<20x128xf32, #tpu.memory_space<hbm>>
      %dma_start3A_693 = arith.constant 80 : i32
      %dma_start3A_694 = arith.constant 0 : i32
      %dma_start3A_695 = tpu.memref_slice %arg6[%dma_start3A_693, %dma_start3A_694] : memref<320x128xf32, #tpu.memory_space<vmem>> -> memref<20x128xf32, #tpu.memory_space<vmem>>
      tpu.enqueue_dma source(%dma_start3A_695 : memref<20x128xf32, #tpu.memory_space<vmem>>) target(%dma_start3A_692 : memref<20x128xf32, #tpu.memory_space<hbm>>) target_semaphore(%arg10 : memref<!tpu.dma_semaphore, #tpu.memory_space<semaphore_mem>>)
      %mul3A_696 = arith.constant 16 : i32
      %mul3A_697 = arith.muli %add3A_594, %mul3A_696 : i32
      %add3A_698 = arith.addi %mul3A_4, %mul3A_697 : i32
      %add3A_699 = arith.constant 5 : i32
      %add3A_700 = arith.addi %add3A_698, %add3A_699 : i32
      %dma_start3A_701 = arith.constant 100 : i32
      %dma_start3A_702 = arith.constant 0 : i32
      %dma_start3A_703 = tpu.memref_slice %arg6[%dma_start3A_701, %dma_start3A_702] : memref<320x128xf32, #tpu.memory_space<vmem>> -> memref<20x128xf32, #tpu.memory_space<vmem>>
      %dma_start3A_704 = arith.constant 0 : i32
      %dma_start3A_705 = arith.constant 0 : i32
      %dma_start3A_706 = tpu.memref_slice %arg4[%add3A_700, %dma_start3A_704, %dma_start3A_705] : memref<16384x20x128xf32, #tpu.memory_space<hbm>> -> memref<1x20x128xf32, #tpu.memory_space<hbm>>
      %dma_start3A_707 = tpu.memref_squeeze %dma_start3A_706 : memref<1x20x128xf32, #tpu.memory_space<hbm>> -> memref<20x128xf32, #tpu.memory_space<hbm>>
      %dma_start3A_708 = arith.constant 0 : i32
      %dma_start3A_709 = arith.constant 0 : i32
      %dma_start3A_710 = tpu.memref_slice %arg4[%add3A_700, %dma_start3A_708, %dma_start3A_709] : memref<16384x20x128xf32, #tpu.memory_space<hbm>> -> memref<1x20x128xf32, #tpu.memory_space<hbm>>
      %dma_start3A_711 = tpu.memref_squeeze %dma_start3A_710 : memref<1x20x128xf32, #tpu.memory_space<hbm>> -> memref<20x128xf32, #tpu.memory_space<hbm>>
      %dma_start3A_712 = arith.constant 100 : i32
      %dma_start3A_713 = arith.constant 0 : i32
      %dma_start3A_714 = tpu.memref_slice %arg6[%dma_start3A_712, %dma_start3A_713] : memref<320x128xf32, #tpu.memory_space<vmem>> -> memref<20x128xf32, #tpu.memory_space<vmem>>
      tpu.enqueue_dma source(%dma_start3A_714 : memref<20x128xf32, #tpu.memory_space<vmem>>) target(%dma_start3A_711 : memref<20x128xf32, #tpu.memory_space<hbm>>) target_semaphore(%arg10 : memref<!tpu.dma_semaphore, #tpu.memory_space<semaphore_mem>>)
      %mul3A_715 = arith.constant 16 : i32
      %mul3A_716 = arith.muli %add3A_594, %mul3A_715 : i32
      %add3A_717 = arith.addi %mul3A_4, %mul3A_716 : i32
      %add3A_718 = arith.constant 6 : i32
      %add3A_719 = arith.addi %add3A_717, %add3A_718 : i32
      %dma_start3A_720 = arith.constant 120 : i32
      %dma_start3A_721 = arith.constant 0 : i32
      %dma_start3A_722 = tpu.memref_slice %arg6[%dma_start3A_720, %dma_start3A_721] : memref<320x128xf32, #tpu.memory_space<vmem>> -> memref<20x128xf32, #tpu.memory_space<vmem>>
      %dma_start3A_723 = arith.constant 0 : i32
      %dma_start3A_724 = arith.constant 0 : i32
      %dma_start3A_725 = tpu.memref_slice %arg4[%add3A_719, %dma_start3A_723, %dma_start3A_724] : memref<16384x20x128xf32, #tpu.memory_space<hbm>> -> memref<1x20x128xf32, #tpu.memory_space<hbm>>
      %dma_start3A_726 = tpu.memref_squeeze %dma_start3A_725 : memref<1x20x128xf32, #tpu.memory_space<hbm>> -> memref<20x128xf32, #tpu.memory_space<hbm>>
      %dma_start3A_727 = arith.constant 0 : i32
      %dma_start3A_728 = arith.constant 0 : i32
      %dma_start3A_729 = tpu.memref_slice %arg4[%add3A_719, %dma_start3A_727, %dma_start3A_728] : memref<16384x20x128xf32, #tpu.memory_space<hbm>> -> memref<1x20x128xf32, #tpu.memory_space<hbm>>
      %dma_start3A_730 = tpu.memref_squeeze %dma_start3A_729 : memref<1x20x128xf32, #tpu.memory_space<hbm>> -> memref<20x128xf32, #tpu.memory_space<hbm>>
      %dma_start3A_731 = arith.constant 120 : i32
      %dma_start3A_732 = arith.constant 0 : i32
      %dma_start3A_733 = tpu.memref_slice %arg6[%dma_start3A_731, %dma_start3A_732] : memref<320x128xf32, #tpu.memory_space<vmem>> -> memref<20x128xf32, #tpu.memory_space<vmem>>
      tpu.enqueue_dma source(%dma_start3A_733 : memref<20x128xf32, #tpu.memory_space<vmem>>) target(%dma_start3A_730 : memref<20x128xf32, #tpu.memory_space<hbm>>) target_semaphore(%arg10 : memref<!tpu.dma_semaphore, #tpu.memory_space<semaphore_mem>>)
      %mul3A_734 = arith.constant 16 : i32
      %mul3A_735 = arith.muli %add3A_594, %mul3A_734 : i32
      %add3A_736 = arith.addi %mul3A_4, %mul3A_735 : i32
      %add3A_737 = arith.constant 7 : i32
      %add3A_738 = arith.addi %add3A_736, %add3A_737 : i32
      %dma_start3A_739 = arith.constant 140 : i32
      %dma_start3A_740 = arith.constant 0 : i32
      %dma_start3A_741 = tpu.memref_slice %arg6[%dma_start3A_739, %dma_start3A_740] : memref<320x128xf32, #tpu.memory_space<vmem>> -> memref<20x128xf32, #tpu.memory_space<vmem>>
      %dma_start3A_742 = arith.constant 0 : i32
      %dma_start3A_743 = arith.constant 0 : i32
      %dma_start3A_744 = tpu.memref_slice %arg4[%add3A_738, %dma_start3A_742, %dma_start3A_743] : memref<16384x20x128xf32, #tpu.memory_space<hbm>> -> memref<1x20x128xf32, #tpu.memory_space<hbm>>
      %dma_start3A_745 = tpu.memref_squeeze %dma_start3A_744 : memref<1x20x128xf32, #tpu.memory_space<hbm>> -> memref<20x128xf32, #tpu.memory_space<hbm>>
      %dma_start3A_746 = arith.constant 0 : i32
      %dma_start3A_747 = arith.constant 0 : i32
      %dma_start3A_748 = tpu.memref_slice %arg4[%add3A_738, %dma_start3A_746, %dma_start3A_747] : memref<16384x20x128xf32, #tpu.memory_space<hbm>> -> memref<1x20x128xf32, #tpu.memory_space<hbm>>
      %dma_start3A_749 = tpu.memref_squeeze %dma_start3A_748 : memref<1x20x128xf32, #tpu.memory_space<hbm>> -> memref<20x128xf32, #tpu.memory_space<hbm>>
      %dma_start3A_750 = arith.constant 140 : i32
      %dma_start3A_751 = arith.constant 0 : i32
      %dma_start3A_752 = tpu.memref_slice %arg6[%dma_start3A_750, %dma_start3A_751] : memref<320x128xf32, #tpu.memory_space<vmem>> -> memref<20x128xf32, #tpu.memory_space<vmem>>
      tpu.enqueue_dma source(%dma_start3A_752 : memref<20x128xf32, #tpu.memory_space<vmem>>) target(%dma_start3A_749 : memref<20x128xf32, #tpu.memory_space<hbm>>) target_semaphore(%arg10 : memref<!tpu.dma_semaphore, #tpu.memory_space<semaphore_mem>>)
      %mul3A_753 = arith.constant 16 : i32
      %mul3A_754 = arith.muli %add3A_594, %mul3A_753 : i32
      %add3A_755 = arith.addi %mul3A_4, %mul3A_754 : i32
      %add3A_756 = arith.constant 8 : i32
      %add3A_757 = arith.addi %add3A_755, %add3A_756 : i32
      %dma_start3A_758 = arith.constant 160 : i32
      %dma_start3A_759 = arith.constant 0 : i32
      %dma_start3A_760 = tpu.memref_slice %arg6[%dma_start3A_758, %dma_start3A_759] : memref<320x128xf32, #tpu.memory_space<vmem>> -> memref<20x128xf32, #tpu.memory_space<vmem>>
      %dma_start3A_761 = arith.constant 0 : i32
      %dma_start3A_762 = arith.constant 0 : i32
      %dma_start3A_763 = tpu.memref_slice %arg4[%add3A_757, %dma_start3A_761, %dma_start3A_762] : memref<16384x20x128xf32, #tpu.memory_space<hbm>> -> memref<1x20x128xf32, #tpu.memory_space<hbm>>
      %dma_start3A_764 = tpu.memref_squeeze %dma_start3A_763 : memref<1x20x128xf32, #tpu.memory_space<hbm>> -> memref<20x128xf32, #tpu.memory_space<hbm>>
      %dma_start3A_765 = arith.constant 0 : i32
      %dma_start3A_766 = arith.constant 0 : i32
      %dma_start3A_767 = tpu.memref_slice %arg4[%add3A_757, %dma_start3A_765, %dma_start3A_766] : memref<16384x20x128xf32, #tpu.memory_space<hbm>> -> memref<1x20x128xf32, #tpu.memory_space<hbm>>
      %dma_start3A_768 = tpu.memref_squeeze %dma_start3A_767 : memref<1x20x128xf32, #tpu.memory_space<hbm>> -> memref<20x128xf32, #tpu.memory_space<hbm>>
      %dma_start3A_769 = arith.constant 160 : i32
      %dma_start3A_770 = arith.constant 0 : i32
      %dma_start3A_771 = tpu.memref_slice %arg6[%dma_start3A_769, %dma_start3A_770] : memref<320x128xf32, #tpu.memory_space<vmem>> -> memref<20x128xf32, #tpu.memory_space<vmem>>
      tpu.enqueue_dma source(%dma_start3A_771 : memref<20x128xf32, #tpu.memory_space<vmem>>) target(%dma_start3A_768 : memref<20x128xf32, #tpu.memory_space<hbm>>) target_semaphore(%arg10 : memref<!tpu.dma_semaphore, #tpu.memory_space<semaphore_mem>>)
      %mul3A_772 = arith.constant 16 : i32
      %mul3A_773 = arith.muli %add3A_594, %mul3A_772 : i32
      %add3A_774 = arith.addi %mul3A_4, %mul3A_773 : i32
      %add3A_775 = arith.constant 9 : i32
      %add3A_776 = arith.addi %add3A_774, %add3A_775 : i32
      %dma_start3A_777 = arith.constant 180 : i32
      %dma_start3A_778 = arith.constant 0 : i32
      %dma_start3A_779 = tpu.memref_slice %arg6[%dma_start3A_777, %dma_start3A_778] : memref<320x128xf32, #tpu.memory_space<vmem>> -> memref<20x128xf32, #tpu.memory_space<vmem>>
      %dma_start3A_780 = arith.constant 0 : i32
      %dma_start3A_781 = arith.constant 0 : i32
      %dma_start3A_782 = tpu.memref_slice %arg4[%add3A_776, %dma_start3A_780, %dma_start3A_781] : memref<16384x20x128xf32, #tpu.memory_space<hbm>> -> memref<1x20x128xf32, #tpu.memory_space<hbm>>
      %dma_start3A_783 = tpu.memref_squeeze %dma_start3A_782 : memref<1x20x128xf32, #tpu.memory_space<hbm>> -> memref<20x128xf32, #tpu.memory_space<hbm>>
      %dma_start3A_784 = arith.constant 0 : i32
      %dma_start3A_785 = arith.constant 0 : i32
      %dma_start3A_786 = tpu.memref_slice %arg4[%add3A_776, %dma_start3A_784, %dma_start3A_785] : memref<16384x20x128xf32, #tpu.memory_space<hbm>> -> memref<1x20x128xf32, #tpu.memory_space<hbm>>
      %dma_start3A_787 = tpu.memref_squeeze %dma_start3A_786 : memref<1x20x128xf32, #tpu.memory_space<hbm>> -> memref<20x128xf32, #tpu.memory_space<hbm>>
      %dma_start3A_788 = arith.constant 180 : i32
      %dma_start3A_789 = arith.constant 0 : i32
      %dma_start3A_790 = tpu.memref_slice %arg6[%dma_start3A_788, %dma_start3A_789] : memref<320x128xf32, #tpu.memory_space<vmem>> -> memref<20x128xf32, #tpu.memory_space<vmem>>
      tpu.enqueue_dma source(%dma_start3A_790 : memref<20x128xf32, #tpu.memory_space<vmem>>) target(%dma_start3A_787 : memref<20x128xf32, #tpu.memory_space<hbm>>) target_semaphore(%arg10 : memref<!tpu.dma_semaphore, #tpu.memory_space<semaphore_mem>>)
      %mul3A_791 = arith.constant 16 : i32
      %mul3A_792 = arith.muli %add3A_594, %mul3A_791 : i32
      %add3A_793 = arith.addi %mul3A_4, %mul3A_792 : i32
      %add3A_794 = arith.constant 10 : i32
      %add3A_795 = arith.addi %add3A_793, %add3A_794 : i32
      %dma_start3A_796 = arith.constant 200 : i32
      %dma_start3A_797 = arith.constant 0 : i32
      %dma_start3A_798 = tpu.memref_slice %arg6[%dma_start3A_796, %dma_start3A_797] : memref<320x128xf32, #tpu.memory_space<vmem>> -> memref<20x128xf32, #tpu.memory_space<vmem>>
      %dma_start3A_799 = arith.constant 0 : i32
      %dma_start3A_800 = arith.constant 0 : i32
      %dma_start3A_801 = tpu.memref_slice %arg4[%add3A_795, %dma_start3A_799, %dma_start3A_800] : memref<16384x20x128xf32, #tpu.memory_space<hbm>> -> memref<1x20x128xf32, #tpu.memory_space<hbm>>
      %dma_start3A_802 = tpu.memref_squeeze %dma_start3A_801 : memref<1x20x128xf32, #tpu.memory_space<hbm>> -> memref<20x128xf32, #tpu.memory_space<hbm>>
      %dma_start3A_803 = arith.constant 0 : i32
      %dma_start3A_804 = arith.constant 0 : i32
      %dma_start3A_805 = tpu.memref_slice %arg4[%add3A_795, %dma_start3A_803, %dma_start3A_804] : memref<16384x20x128xf32, #tpu.memory_space<hbm>> -> memref<1x20x128xf32, #tpu.memory_space<hbm>>
      %dma_start3A_806 = tpu.memref_squeeze %dma_start3A_805 : memref<1x20x128xf32, #tpu.memory_space<hbm>> -> memref<20x128xf32, #tpu.memory_space<hbm>>
      %dma_start3A_807 = arith.constant 200 : i32
      %dma_start3A_808 = arith.constant 0 : i32
      %dma_start3A_809 = tpu.memref_slice %arg6[%dma_start3A_807, %dma_start3A_808] : memref<320x128xf32, #tpu.memory_space<vmem>> -> memref<20x128xf32, #tpu.memory_space<vmem>>
      tpu.enqueue_dma source(%dma_start3A_809 : memref<20x128xf32, #tpu.memory_space<vmem>>) target(%dma_start3A_806 : memref<20x128xf32, #tpu.memory_space<hbm>>) target_semaphore(%arg10 : memref<!tpu.dma_semaphore, #tpu.memory_space<semaphore_mem>>)
      %mul3A_810 = arith.constant 16 : i32
      %mul3A_811 = arith.muli %add3A_594, %mul3A_810 : i32
      %add3A_812 = arith.addi %mul3A_4, %mul3A_811 : i32
      %add3A_813 = arith.constant 11 : i32
      %add3A_814 = arith.addi %add3A_812, %add3A_813 : i32
      %dma_start3A_815 = arith.constant 220 : i32
      %dma_start3A_816 = arith.constant 0 : i32
      %dma_start3A_817 = tpu.memref_slice %arg6[%dma_start3A_815, %dma_start3A_816] : memref<320x128xf32, #tpu.memory_space<vmem>> -> memref<20x128xf32, #tpu.memory_space<vmem>>
      %dma_start3A_818 = arith.constant 0 : i32
      %dma_start3A_819 = arith.constant 0 : i32
      %dma_start3A_820 = tpu.memref_slice %arg4[%add3A_814, %dma_start3A_818, %dma_start3A_819] : memref<16384x20x128xf32, #tpu.memory_space<hbm>> -> memref<1x20x128xf32, #tpu.memory_space<hbm>>
      %dma_start3A_821 = tpu.memref_squeeze %dma_start3A_820 : memref<1x20x128xf32, #tpu.memory_space<hbm>> -> memref<20x128xf32, #tpu.memory_space<hbm>>
      %dma_start3A_822 = arith.constant 0 : i32
      %dma_start3A_823 = arith.constant 0 : i32
      %dma_start3A_824 = tpu.memref_slice %arg4[%add3A_814, %dma_start3A_822, %dma_start3A_823] : memref<16384x20x128xf32, #tpu.memory_space<hbm>> -> memref<1x20x128xf32, #tpu.memory_space<hbm>>
      %dma_start3A_825 = tpu.memref_squeeze %dma_start3A_824 : memref<1x20x128xf32, #tpu.memory_space<hbm>> -> memref<20x128xf32, #tpu.memory_space<hbm>>
      %dma_start3A_826 = arith.constant 220 : i32
      %dma_start3A_827 = arith.constant 0 : i32
      %dma_start3A_828 = tpu.memref_slice %arg6[%dma_start3A_826, %dma_start3A_827] : memref<320x128xf32, #tpu.memory_space<vmem>> -> memref<20x128xf32, #tpu.memory_space<vmem>>
      tpu.enqueue_dma source(%dma_start3A_828 : memref<20x128xf32, #tpu.memory_space<vmem>>) target(%dma_start3A_825 : memref<20x128xf32, #tpu.memory_space<hbm>>) target_semaphore(%arg10 : memref<!tpu.dma_semaphore, #tpu.memory_space<semaphore_mem>>)
      %mul3A_829 = arith.constant 16 : i32
      %mul3A_830 = arith.muli %add3A_594, %mul3A_829 : i32
      %add3A_831 = arith.addi %mul3A_4, %mul3A_830 : i32
      %add3A_832 = arith.constant 12 : i32
      %add3A_833 = arith.addi %add3A_831, %add3A_832 : i32
      %dma_start3A_834 = arith.constant 240 : i32
      %dma_start3A_835 = arith.constant 0 : i32
      %dma_start3A_836 = tpu.memref_slice %arg6[%dma_start3A_834, %dma_start3A_835] : memref<320x128xf32, #tpu.memory_space<vmem>> -> memref<20x128xf32, #tpu.memory_space<vmem>>
      %dma_start3A_837 = arith.constant 0 : i32
      %dma_start3A_838 = arith.constant 0 : i32
      %dma_start3A_839 = tpu.memref_slice %arg4[%add3A_833, %dma_start3A_837, %dma_start3A_838] : memref<16384x20x128xf32, #tpu.memory_space<hbm>> -> memref<1x20x128xf32, #tpu.memory_space<hbm>>
      %dma_start3A_840 = tpu.memref_squeeze %dma_start3A_839 : memref<1x20x128xf32, #tpu.memory_space<hbm>> -> memref<20x128xf32, #tpu.memory_space<hbm>>
      %dma_start3A_841 = arith.constant 0 : i32
      %dma_start3A_842 = arith.constant 0 : i32
      %dma_start3A_843 = tpu.memref_slice %arg4[%add3A_833, %dma_start3A_841, %dma_start3A_842] : memref<16384x20x128xf32, #tpu.memory_space<hbm>> -> memref<1x20x128xf32, #tpu.memory_space<hbm>>
      %dma_start3A_844 = tpu.memref_squeeze %dma_start3A_843 : memref<1x20x128xf32, #tpu.memory_space<hbm>> -> memref<20x128xf32, #tpu.memory_space<hbm>>
      %dma_start3A_845 = arith.constant 240 : i32
      %dma_start3A_846 = arith.constant 0 : i32
      %dma_start3A_847 = tpu.memref_slice %arg6[%dma_start3A_845, %dma_start3A_846] : memref<320x128xf32, #tpu.memory_space<vmem>> -> memref<20x128xf32, #tpu.memory_space<vmem>>
      tpu.enqueue_dma source(%dma_start3A_847 : memref<20x128xf32, #tpu.memory_space<vmem>>) target(%dma_start3A_844 : memref<20x128xf32, #tpu.memory_space<hbm>>) target_semaphore(%arg10 : memref<!tpu.dma_semaphore, #tpu.memory_space<semaphore_mem>>)
      %mul3A_848 = arith.constant 16 : i32
      %mul3A_849 = arith.muli %add3A_594, %mul3A_848 : i32
      %add3A_850 = arith.addi %mul3A_4, %mul3A_849 : i32
      %add3A_851 = arith.constant 13 : i32
      %add3A_852 = arith.addi %add3A_850, %add3A_851 : i32
      %dma_start3A_853 = arith.constant 260 : i32
      %dma_start3A_854 = arith.constant 0 : i32
      %dma_start3A_855 = tpu.memref_slice %arg6[%dma_start3A_853, %dma_start3A_854] : memref<320x128xf32, #tpu.memory_space<vmem>> -> memref<20x128xf32, #tpu.memory_space<vmem>>
      %dma_start3A_856 = arith.constant 0 : i32
      %dma_start3A_857 = arith.constant 0 : i32
      %dma_start3A_858 = tpu.memref_slice %arg4[%add3A_852, %dma_start3A_856, %dma_start3A_857] : memref<16384x20x128xf32, #tpu.memory_space<hbm>> -> memref<1x20x128xf32, #tpu.memory_space<hbm>>
      %dma_start3A_859 = tpu.memref_squeeze %dma_start3A_858 : memref<1x20x128xf32, #tpu.memory_space<hbm>> -> memref<20x128xf32, #tpu.memory_space<hbm>>
      %dma_start3A_860 = arith.constant 0 : i32
      %dma_start3A_861 = arith.constant 0 : i32
      %dma_start3A_862 = tpu.memref_slice %arg4[%add3A_852, %dma_start3A_860, %dma_start3A_861] : memref<16384x20x128xf32, #tpu.memory_space<hbm>> -> memref<1x20x128xf32, #tpu.memory_space<hbm>>
      %dma_start3A_863 = tpu.memref_squeeze %dma_start3A_862 : memref<1x20x128xf32, #tpu.memory_space<hbm>> -> memref<20x128xf32, #tpu.memory_space<hbm>>
      %dma_start3A_864 = arith.constant 260 : i32
      %dma_start3A_865 = arith.constant 0 : i32
      %dma_start3A_866 = tpu.memref_slice %arg6[%dma_start3A_864, %dma_start3A_865] : memref<320x128xf32, #tpu.memory_space<vmem>> -> memref<20x128xf32, #tpu.memory_space<vmem>>
      tpu.enqueue_dma source(%dma_start3A_866 : memref<20x128xf32, #tpu.memory_space<vmem>>) target(%dma_start3A_863 : memref<20x128xf32, #tpu.memory_space<hbm>>) target_semaphore(%arg10 : memref<!tpu.dma_semaphore, #tpu.memory_space<semaphore_mem>>)
      %mul3A_867 = arith.constant 16 : i32
      %mul3A_868 = arith.muli %add3A_594, %mul3A_867 : i32
      %add3A_869 = arith.addi %mul3A_4, %mul3A_868 : i32
      %add3A_870 = arith.constant 14 : i32
      %add3A_871 = arith.addi %add3A_869, %add3A_870 : i32
      %dma_start3A_872 = arith.constant 280 : i32
      %dma_start3A_873 = arith.constant 0 : i32
      %dma_start3A_874 = tpu.memref_slice %arg6[%dma_start3A_872, %dma_start3A_873] : memref<320x128xf32, #tpu.memory_space<vmem>> -> memref<20x128xf32, #tpu.memory_space<vmem>>
      %dma_start3A_875 = arith.constant 0 : i32
      %dma_start3A_876 = arith.constant 0 : i32
      %dma_start3A_877 = tpu.memref_slice %arg4[%add3A_871, %dma_start3A_875, %dma_start3A_876] : memref<16384x20x128xf32, #tpu.memory_space<hbm>> -> memref<1x20x128xf32, #tpu.memory_space<hbm>>
      %dma_start3A_878 = tpu.memref_squeeze %dma_start3A_877 : memref<1x20x128xf32, #tpu.memory_space<hbm>> -> memref<20x128xf32, #tpu.memory_space<hbm>>
      %dma_start3A_879 = arith.constant 0 : i32
      %dma_start3A_880 = arith.constant 0 : i32
      %dma_start3A_881 = tpu.memref_slice %arg4[%add3A_871, %dma_start3A_879, %dma_start3A_880] : memref<16384x20x128xf32, #tpu.memory_space<hbm>> -> memref<1x20x128xf32, #tpu.memory_space<hbm>>
      %dma_start3A_882 = tpu.memref_squeeze %dma_start3A_881 : memref<1x20x128xf32, #tpu.memory_space<hbm>> -> memref<20x128xf32, #tpu.memory_space<hbm>>
      %dma_start3A_883 = arith.constant 280 : i32
      %dma_start3A_884 = arith.constant 0 : i32
      %dma_start3A_885 = tpu.memref_slice %arg6[%dma_start3A_883, %dma_start3A_884] : memref<320x128xf32, #tpu.memory_space<vmem>> -> memref<20x128xf32, #tpu.memory_space<vmem>>
      tpu.enqueue_dma source(%dma_start3A_885 : memref<20x128xf32, #tpu.memory_space<vmem>>) target(%dma_start3A_882 : memref<20x128xf32, #tpu.memory_space<hbm>>) target_semaphore(%arg10 : memref<!tpu.dma_semaphore, #tpu.memory_space<semaphore_mem>>)
      %mul3A_886 = arith.constant 16 : i32
      %mul3A_887 = arith.muli %add3A_594, %mul3A_886 : i32
      %add3A_888 = arith.addi %mul3A_4, %mul3A_887 : i32
      %add3A_889 = arith.constant 15 : i32
      %add3A_890 = arith.addi %add3A_888, %add3A_889 : i32
      %dma_start3A_891 = arith.constant 300 : i32
      %dma_start3A_892 = arith.constant 0 : i32
      %dma_start3A_893 = tpu.memref_slice %arg6[%dma_start3A_891, %dma_start3A_892] : memref<320x128xf32, #tpu.memory_space<vmem>> -> memref<20x128xf32, #tpu.memory_space<vmem>>
      %dma_start3A_894 = arith.constant 0 : i32
      %dma_start3A_895 = arith.constant 0 : i32
      %dma_start3A_896 = tpu.memref_slice %arg4[%add3A_890, %dma_start3A_894, %dma_start3A_895] : memref<16384x20x128xf32, #tpu.memory_space<hbm>> -> memref<1x20x128xf32, #tpu.memory_space<hbm>>
      %dma_start3A_897 = tpu.memref_squeeze %dma_start3A_896 : memref<1x20x128xf32, #tpu.memory_space<hbm>> -> memref<20x128xf32, #tpu.memory_space<hbm>>
      %dma_start3A_898 = arith.constant 0 : i32
      %dma_start3A_899 = arith.constant 0 : i32
      %dma_start3A_900 = tpu.memref_slice %arg4[%add3A_890, %dma_start3A_898, %dma_start3A_899] : memref<16384x20x128xf32, #tpu.memory_space<hbm>> -> memref<1x20x128xf32, #tpu.memory_space<hbm>>
      %dma_start3A_901 = tpu.memref_squeeze %dma_start3A_900 : memref<1x20x128xf32, #tpu.memory_space<hbm>> -> memref<20x128xf32, #tpu.memory_space<hbm>>
      %dma_start3A_902 = arith.constant 300 : i32
      %dma_start3A_903 = arith.constant 0 : i32
      %dma_start3A_904 = tpu.memref_slice %arg6[%dma_start3A_902, %dma_start3A_903] : memref<320x128xf32, #tpu.memory_space<vmem>> -> memref<20x128xf32, #tpu.memory_space<vmem>>
      tpu.enqueue_dma source(%dma_start3A_904 : memref<20x128xf32, #tpu.memory_space<vmem>>) target(%dma_start3A_901 : memref<20x128xf32, #tpu.memory_space<hbm>>) target_semaphore(%arg10 : memref<!tpu.dma_semaphore, #tpu.memory_space<semaphore_mem>>)
      %add3A_905 = arith.constant 1 : i32
      %add3A_906 = arith.addi %add3A_594, %add3A_905 : i32
      %lt3A = arith.constant 32 : i32
      %lt3A_907 = arith.cmpi slt, %add3A_906, %lt3A : i32
      %convert_element_type3A = arith.extui %lt3A_907 : i1 to i32
      %cond3A = arith.constant 0 : i32
      %cond3A_908 = arith.cmpi ne, %convert_element_type3A, %cond3A : i32
      scf.if %cond3A_908 {
        %ge3A = arith.constant 1 : i32
        %ge3A_1228 = arith.cmpi sge, %add3A_594, %ge3A : i32
        %convert_element_type3A_1229 = arith.extui %ge3A_1228 : i1 to i32
        %cond3A_1230 = arith.constant 0 : i32
        %cond3A_1231 = arith.cmpi ne, %convert_element_type3A_1229, %cond3A_1230 : i32
        scf.if %cond3A_1231 {
          %sub3A = arith.constant 1 : i32
          %sub3A_1240 = arith.subi %add3A_594, %sub3A : i32
          %mul3A_1241 = arith.constant 16 : i32
          %mul3A_1242 = arith.muli %sub3A_1240, %mul3A_1241 : i32
          %add3A_1243 = arith.addi %mul3A_4, %mul3A_1242 : i32
          %add3A_1244 = arith.constant 0 : i32
          %add3A_1245 = arith.addi %add3A_1243, %add3A_1244 : i32
          %dma_wait3A_1246 = arith.constant 0 : i32
          %dma_wait3A_1247 = arith.constant 0 : i32
          %dma_wait3A_1248 = tpu.memref_slice %arg7[%dma_wait3A_1246, %dma_wait3A_1247] : memref<320x128xf32, #tpu.memory_space<vmem>> -> memref<20x128xf32, #tpu.memory_space<vmem>>
          %dma_wait3A_1249 = arith.constant 0 : i32
          %dma_wait3A_1250 = arith.constant 0 : i32
          %dma_wait3A_1251 = tpu.memref_slice %arg4[%add3A_1245, %dma_wait3A_1249, %dma_wait3A_1250] : memref<16384x20x128xf32, #tpu.memory_space<hbm>> -> memref<1x20x128xf32, #tpu.memory_space<hbm>>
          %dma_wait3A_1252 = tpu.memref_squeeze %dma_wait3A_1251 : memref<1x20x128xf32, #tpu.memory_space<hbm>> -> memref<20x128xf32, #tpu.memory_space<hbm>>
          %dma_wait3A_1253 = arith.constant 0 : i32
          %dma_wait3A_1254 = arith.constant 0 : i32
          %dma_wait3A_1255 = tpu.memref_slice %arg4[%add3A_1245, %dma_wait3A_1253, %dma_wait3A_1254] : memref<16384x20x128xf32, #tpu.memory_space<hbm>> -> memref<1x20x128xf32, #tpu.memory_space<hbm>>
          %dma_wait3A_1256 = tpu.memref_squeeze %dma_wait3A_1255 : memref<1x20x128xf32, #tpu.memory_space<hbm>> -> memref<20x128xf32, #tpu.memory_space<hbm>>
          %dma_wait3A_1257 = arith.constant 0 : i32
          %dma_wait3A_1258 = arith.constant 0 : i32
          %dma_wait3A_1259 = tpu.memref_slice %arg7[%dma_wait3A_1257, %dma_wait3A_1258] : memref<320x128xf32, #tpu.memory_space<vmem>> -> memref<20x128xf32, #tpu.memory_space<vmem>>
          tpu.wait_dma2 semaphore(%arg11 : memref<!tpu.dma_semaphore, #tpu.memory_space<semaphore_mem>>) src(%dma_wait3A_1259 : memref<20x128xf32, #tpu.memory_space<vmem>>) dst(%dma_wait3A_1256 : memref<20x128xf32, #tpu.memory_space<hbm>>)
          %mul3A_1260 = arith.constant 16 : i32
          %mul3A_1261 = arith.muli %sub3A_1240, %mul3A_1260 : i32
          %add3A_1262 = arith.addi %mul3A_4, %mul3A_1261 : i32
          %add3A_1263 = arith.constant 1 : i32
          %add3A_1264 = arith.addi %add3A_1262, %add3A_1263 : i32
          %dma_wait3A_1265 = arith.constant 20 : i32
          %dma_wait3A_1266 = arith.constant 0 : i32
          %dma_wait3A_1267 = tpu.memref_slice %arg7[%dma_wait3A_1265, %dma_wait3A_1266] : memref<320x128xf32, #tpu.memory_space<vmem>> -> memref<20x128xf32, #tpu.memory_space<vmem>>
          %dma_wait3A_1268 = arith.constant 0 : i32
          %dma_wait3A_1269 = arith.constant 0 : i32
          %dma_wait3A_1270 = tpu.memref_slice %arg4[%add3A_1264, %dma_wait3A_1268, %dma_wait3A_1269] : memref<16384x20x128xf32, #tpu.memory_space<hbm>> -> memref<1x20x128xf32, #tpu.memory_space<hbm>>
          %dma_wait3A_1271 = tpu.memref_squeeze %dma_wait3A_1270 : memref<1x20x128xf32, #tpu.memory_space<hbm>> -> memref<20x128xf32, #tpu.memory_space<hbm>>
          %dma_wait3A_1272 = arith.constant 0 : i32
          %dma_wait3A_1273 = arith.constant 0 : i32
          %dma_wait3A_1274 = tpu.memref_slice %arg4[%add3A_1264, %dma_wait3A_1272, %dma_wait3A_1273] : memref<16384x20x128xf32, #tpu.memory_space<hbm>> -> memref<1x20x128xf32, #tpu.memory_space<hbm>>
          %dma_wait3A_1275 = tpu.memref_squeeze %dma_wait3A_1274 : memref<1x20x128xf32, #tpu.memory_space<hbm>> -> memref<20x128xf32, #tpu.memory_space<hbm>>
          %dma_wait3A_1276 = arith.constant 20 : i32
          %dma_wait3A_1277 = arith.constant 0 : i32
          %dma_wait3A_1278 = tpu.memref_slice %arg7[%dma_wait3A_1276, %dma_wait3A_1277] : memref<320x128xf32, #tpu.memory_space<vmem>> -> memref<20x128xf32, #tpu.memory_space<vmem>>
          tpu.wait_dma2 semaphore(%arg11 : memref<!tpu.dma_semaphore, #tpu.memory_space<semaphore_mem>>) src(%dma_wait3A_1278 : memref<20x128xf32, #tpu.memory_space<vmem>>) dst(%dma_wait3A_1275 : memref<20x128xf32, #tpu.memory_space<hbm>>)
          %mul3A_1279 = arith.constant 16 : i32
          %mul3A_1280 = arith.muli %sub3A_1240, %mul3A_1279 : i32
          %add3A_1281 = arith.addi %mul3A_4, %mul3A_1280 : i32
          %add3A_1282 = arith.constant 2 : i32
          %add3A_1283 = arith.addi %add3A_1281, %add3A_1282 : i32
          %dma_wait3A_1284 = arith.constant 40 : i32
          %dma_wait3A_1285 = arith.constant 0 : i32
          %dma_wait3A_1286 = tpu.memref_slice %arg7[%dma_wait3A_1284, %dma_wait3A_1285] : memref<320x128xf32, #tpu.memory_space<vmem>> -> memref<20x128xf32, #tpu.memory_space<vmem>>
          %dma_wait3A_1287 = arith.constant 0 : i32
          %dma_wait3A_1288 = arith.constant 0 : i32
          %dma_wait3A_1289 = tpu.memref_slice %arg4[%add3A_1283, %dma_wait3A_1287, %dma_wait3A_1288] : memref<16384x20x128xf32, #tpu.memory_space<hbm>> -> memref<1x20x128xf32, #tpu.memory_space<hbm>>
          %dma_wait3A_1290 = tpu.memref_squeeze %dma_wait3A_1289 : memref<1x20x128xf32, #tpu.memory_space<hbm>> -> memref<20x128xf32, #tpu.memory_space<hbm>>
          %dma_wait3A_1291 = arith.constant 0 : i32
          %dma_wait3A_1292 = arith.constant 0 : i32
          %dma_wait3A_1293 = tpu.memref_slice %arg4[%add3A_1283, %dma_wait3A_1291, %dma_wait3A_1292] : memref<16384x20x128xf32, #tpu.memory_space<hbm>> -> memref<1x20x128xf32, #tpu.memory_space<hbm>>
          %dma_wait3A_1294 = tpu.memref_squeeze %dma_wait3A_1293 : memref<1x20x128xf32, #tpu.memory_space<hbm>> -> memref<20x128xf32, #tpu.memory_space<hbm>>
          %dma_wait3A_1295 = arith.constant 40 : i32
          %dma_wait3A_1296 = arith.constant 0 : i32
          %dma_wait3A_1297 = tpu.memref_slice %arg7[%dma_wait3A_1295, %dma_wait3A_1296] : memref<320x128xf32, #tpu.memory_space<vmem>> -> memref<20x128xf32, #tpu.memory_space<vmem>>
          tpu.wait_dma2 semaphore(%arg11 : memref<!tpu.dma_semaphore, #tpu.memory_space<semaphore_mem>>) src(%dma_wait3A_1297 : memref<20x128xf32, #tpu.memory_space<vmem>>) dst(%dma_wait3A_1294 : memref<20x128xf32, #tpu.memory_space<hbm>>)
          %mul3A_1298 = arith.constant 16 : i32
          %mul3A_1299 = arith.muli %sub3A_1240, %mul3A_1298 : i32
          %add3A_1300 = arith.addi %mul3A_4, %mul3A_1299 : i32
          %add3A_1301 = arith.constant 3 : i32
          %add3A_1302 = arith.addi %add3A_1300, %add3A_1301 : i32
          %dma_wait3A_1303 = arith.constant 60 : i32
          %dma_wait3A_1304 = arith.constant 0 : i32
          %dma_wait3A_1305 = tpu.memref_slice %arg7[%dma_wait3A_1303, %dma_wait3A_1304] : memref<320x128xf32, #tpu.memory_space<vmem>> -> memref<20x128xf32, #tpu.memory_space<vmem>>
          %dma_wait3A_1306 = arith.constant 0 : i32
          %dma_wait3A_1307 = arith.constant 0 : i32
          %dma_wait3A_1308 = tpu.memref_slice %arg4[%add3A_1302, %dma_wait3A_1306, %dma_wait3A_1307] : memref<16384x20x128xf32, #tpu.memory_space<hbm>> -> memref<1x20x128xf32, #tpu.memory_space<hbm>>
          %dma_wait3A_1309 = tpu.memref_squeeze %dma_wait3A_1308 : memref<1x20x128xf32, #tpu.memory_space<hbm>> -> memref<20x128xf32, #tpu.memory_space<hbm>>
          %dma_wait3A_1310 = arith.constant 0 : i32
          %dma_wait3A_1311 = arith.constant 0 : i32
          %dma_wait3A_1312 = tpu.memref_slice %arg4[%add3A_1302, %dma_wait3A_1310, %dma_wait3A_1311] : memref<16384x20x128xf32, #tpu.memory_space<hbm>> -> memref<1x20x128xf32, #tpu.memory_space<hbm>>
          %dma_wait3A_1313 = tpu.memref_squeeze %dma_wait3A_1312 : memref<1x20x128xf32, #tpu.memory_space<hbm>> -> memref<20x128xf32, #tpu.memory_space<hbm>>
          %dma_wait3A_1314 = arith.constant 60 : i32
          %dma_wait3A_1315 = arith.constant 0 : i32
          %dma_wait3A_1316 = tpu.memref_slice %arg7[%dma_wait3A_1314, %dma_wait3A_1315] : memref<320x128xf32, #tpu.memory_space<vmem>> -> memref<20x128xf32, #tpu.memory_space<vmem>>
          tpu.wait_dma2 semaphore(%arg11 : memref<!tpu.dma_semaphore, #tpu.memory_space<semaphore_mem>>) src(%dma_wait3A_1316 : memref<20x128xf32, #tpu.memory_space<vmem>>) dst(%dma_wait3A_1313 : memref<20x128xf32, #tpu.memory_space<hbm>>)
          %mul3A_1317 = arith.constant 16 : i32
          %mul3A_1318 = arith.muli %sub3A_1240, %mul3A_1317 : i32
          %add3A_1319 = arith.addi %mul3A_4, %mul3A_1318 : i32
          %add3A_1320 = arith.constant 4 : i32
          %add3A_1321 = arith.addi %add3A_1319, %add3A_1320 : i32
          %dma_wait3A_1322 = arith.constant 80 : i32
          %dma_wait3A_1323 = arith.constant 0 : i32
          %dma_wait3A_1324 = tpu.memref_slice %arg7[%dma_wait3A_1322, %dma_wait3A_1323] : memref<320x128xf32, #tpu.memory_space<vmem>> -> memref<20x128xf32, #tpu.memory_space<vmem>>
          %dma_wait3A_1325 = arith.constant 0 : i32
          %dma_wait3A_1326 = arith.constant 0 : i32
          %dma_wait3A_1327 = tpu.memref_slice %arg4[%add3A_1321, %dma_wait3A_1325, %dma_wait3A_1326] : memref<16384x20x128xf32, #tpu.memory_space<hbm>> -> memref<1x20x128xf32, #tpu.memory_space<hbm>>
          %dma_wait3A_1328 = tpu.memref_squeeze %dma_wait3A_1327 : memref<1x20x128xf32, #tpu.memory_space<hbm>> -> memref<20x128xf32, #tpu.memory_space<hbm>>
          %dma_wait3A_1329 = arith.constant 0 : i32
          %dma_wait3A_1330 = arith.constant 0 : i32
          %dma_wait3A_1331 = tpu.memref_slice %arg4[%add3A_1321, %dma_wait3A_1329, %dma_wait3A_1330] : memref<16384x20x128xf32, #tpu.memory_space<hbm>> -> memref<1x20x128xf32, #tpu.memory_space<hbm>>
          %dma_wait3A_1332 = tpu.memref_squeeze %dma_wait3A_1331 : memref<1x20x128xf32, #tpu.memory_space<hbm>> -> memref<20x128xf32, #tpu.memory_space<hbm>>
          %dma_wait3A_1333 = arith.constant 80 : i32
          %dma_wait3A_1334 = arith.constant 0 : i32
          %dma_wait3A_1335 = tpu.memref_slice %arg7[%dma_wait3A_1333, %dma_wait3A_1334] : memref<320x128xf32, #tpu.memory_space<vmem>> -> memref<20x128xf32, #tpu.memory_space<vmem>>
          tpu.wait_dma2 semaphore(%arg11 : memref<!tpu.dma_semaphore, #tpu.memory_space<semaphore_mem>>) src(%dma_wait3A_1335 : memref<20x128xf32, #tpu.memory_space<vmem>>) dst(%dma_wait3A_1332 : memref<20x128xf32, #tpu.memory_space<hbm>>)
          %mul3A_1336 = arith.constant 16 : i32
          %mul3A_1337 = arith.muli %sub3A_1240, %mul3A_1336 : i32
          %add3A_1338 = arith.addi %mul3A_4, %mul3A_1337 : i32
          %add3A_1339 = arith.constant 5 : i32
          %add3A_1340 = arith.addi %add3A_1338, %add3A_1339 : i32
          %dma_wait3A_1341 = arith.constant 100 : i32
          %dma_wait3A_1342 = arith.constant 0 : i32
          %dma_wait3A_1343 = tpu.memref_slice %arg7[%dma_wait3A_1341, %dma_wait3A_1342] : memref<320x128xf32, #tpu.memory_space<vmem>> -> memref<20x128xf32, #tpu.memory_space<vmem>>
          %dma_wait3A_1344 = arith.constant 0 : i32
          %dma_wait3A_1345 = arith.constant 0 : i32
          %dma_wait3A_1346 = tpu.memref_slice %arg4[%add3A_1340, %dma_wait3A_1344, %dma_wait3A_1345] : memref<16384x20x128xf32, #tpu.memory_space<hbm>> -> memref<1x20x128xf32, #tpu.memory_space<hbm>>
          %dma_wait3A_1347 = tpu.memref_squeeze %dma_wait3A_1346 : memref<1x20x128xf32, #tpu.memory_space<hbm>> -> memref<20x128xf32, #tpu.memory_space<hbm>>
          %dma_wait3A_1348 = arith.constant 0 : i32
          %dma_wait3A_1349 = arith.constant 0 : i32
          %dma_wait3A_1350 = tpu.memref_slice %arg4[%add3A_1340, %dma_wait3A_1348, %dma_wait3A_1349] : memref<16384x20x128xf32, #tpu.memory_space<hbm>> -> memref<1x20x128xf32, #tpu.memory_space<hbm>>
          %dma_wait3A_1351 = tpu.memref_squeeze %dma_wait3A_1350 : memref<1x20x128xf32, #tpu.memory_space<hbm>> -> memref<20x128xf32, #tpu.memory_space<hbm>>
          %dma_wait3A_1352 = arith.constant 100 : i32
          %dma_wait3A_1353 = arith.constant 0 : i32
          %dma_wait3A_1354 = tpu.memref_slice %arg7[%dma_wait3A_1352, %dma_wait3A_1353] : memref<320x128xf32, #tpu.memory_space<vmem>> -> memref<20x128xf32, #tpu.memory_space<vmem>>
          tpu.wait_dma2 semaphore(%arg11 : memref<!tpu.dma_semaphore, #tpu.memory_space<semaphore_mem>>) src(%dma_wait3A_1354 : memref<20x128xf32, #tpu.memory_space<vmem>>) dst(%dma_wait3A_1351 : memref<20x128xf32, #tpu.memory_space<hbm>>)
          %mul3A_1355 = arith.constant 16 : i32
          %mul3A_1356 = arith.muli %sub3A_1240, %mul3A_1355 : i32
          %add3A_1357 = arith.addi %mul3A_4, %mul3A_1356 : i32
          %add3A_1358 = arith.constant 6 : i32
          %add3A_1359 = arith.addi %add3A_1357, %add3A_1358 : i32
          %dma_wait3A_1360 = arith.constant 120 : i32
          %dma_wait3A_1361 = arith.constant 0 : i32
          %dma_wait3A_1362 = tpu.memref_slice %arg7[%dma_wait3A_1360, %dma_wait3A_1361] : memref<320x128xf32, #tpu.memory_space<vmem>> -> memref<20x128xf32, #tpu.memory_space<vmem>>
          %dma_wait3A_1363 = arith.constant 0 : i32
          %dma_wait3A_1364 = arith.constant 0 : i32
          %dma_wait3A_1365 = tpu.memref_slice %arg4[%add3A_1359, %dma_wait3A_1363, %dma_wait3A_1364] : memref<16384x20x128xf32, #tpu.memory_space<hbm>> -> memref<1x20x128xf32, #tpu.memory_space<hbm>>
          %dma_wait3A_1366 = tpu.memref_squeeze %dma_wait3A_1365 : memref<1x20x128xf32, #tpu.memory_space<hbm>> -> memref<20x128xf32, #tpu.memory_space<hbm>>
          %dma_wait3A_1367 = arith.constant 0 : i32
          %dma_wait3A_1368 = arith.constant 0 : i32
          %dma_wait3A_1369 = tpu.memref_slice %arg4[%add3A_1359, %dma_wait3A_1367, %dma_wait3A_1368] : memref<16384x20x128xf32, #tpu.memory_space<hbm>> -> memref<1x20x128xf32, #tpu.memory_space<hbm>>
          %dma_wait3A_1370 = tpu.memref_squeeze %dma_wait3A_1369 : memref<1x20x128xf32, #tpu.memory_space<hbm>> -> memref<20x128xf32, #tpu.memory_space<hbm>>
          %dma_wait3A_1371 = arith.constant 120 : i32
          %dma_wait3A_1372 = arith.constant 0 : i32
          %dma_wait3A_1373 = tpu.memref_slice %arg7[%dma_wait3A_1371, %dma_wait3A_1372] : memref<320x128xf32, #tpu.memory_space<vmem>> -> memref<20x128xf32, #tpu.memory_space<vmem>>
          tpu.wait_dma2 semaphore(%arg11 : memref<!tpu.dma_semaphore, #tpu.memory_space<semaphore_mem>>) src(%dma_wait3A_1373 : memref<20x128xf32, #tpu.memory_space<vmem>>) dst(%dma_wait3A_1370 : memref<20x128xf32, #tpu.memory_space<hbm>>)
          %mul3A_1374 = arith.constant 16 : i32
          %mul3A_1375 = arith.muli %sub3A_1240, %mul3A_1374 : i32
          %add3A_1376 = arith.addi %mul3A_4, %mul3A_1375 : i32
          %add3A_1377 = arith.constant 7 : i32
          %add3A_1378 = arith.addi %add3A_1376, %add3A_1377 : i32
          %dma_wait3A_1379 = arith.constant 140 : i32
          %dma_wait3A_1380 = arith.constant 0 : i32
          %dma_wait3A_1381 = tpu.memref_slice %arg7[%dma_wait3A_1379, %dma_wait3A_1380] : memref<320x128xf32, #tpu.memory_space<vmem>> -> memref<20x128xf32, #tpu.memory_space<vmem>>
          %dma_wait3A_1382 = arith.constant 0 : i32
          %dma_wait3A_1383 = arith.constant 0 : i32
          %dma_wait3A_1384 = tpu.memref_slice %arg4[%add3A_1378, %dma_wait3A_1382, %dma_wait3A_1383] : memref<16384x20x128xf32, #tpu.memory_space<hbm>> -> memref<1x20x128xf32, #tpu.memory_space<hbm>>
          %dma_wait3A_1385 = tpu.memref_squeeze %dma_wait3A_1384 : memref<1x20x128xf32, #tpu.memory_space<hbm>> -> memref<20x128xf32, #tpu.memory_space<hbm>>
          %dma_wait3A_1386 = arith.constant 0 : i32
          %dma_wait3A_1387 = arith.constant 0 : i32
          %dma_wait3A_1388 = tpu.memref_slice %arg4[%add3A_1378, %dma_wait3A_1386, %dma_wait3A_1387] : memref<16384x20x128xf32, #tpu.memory_space<hbm>> -> memref<1x20x128xf32, #tpu.memory_space<hbm>>
          %dma_wait3A_1389 = tpu.memref_squeeze %dma_wait3A_1388 : memref<1x20x128xf32, #tpu.memory_space<hbm>> -> memref<20x128xf32, #tpu.memory_space<hbm>>
          %dma_wait3A_1390 = arith.constant 140 : i32
          %dma_wait3A_1391 = arith.constant 0 : i32
          %dma_wait3A_1392 = tpu.memref_slice %arg7[%dma_wait3A_1390, %dma_wait3A_1391] : memref<320x128xf32, #tpu.memory_space<vmem>> -> memref<20x128xf32, #tpu.memory_space<vmem>>
          tpu.wait_dma2 semaphore(%arg11 : memref<!tpu.dma_semaphore, #tpu.memory_space<semaphore_mem>>) src(%dma_wait3A_1392 : memref<20x128xf32, #tpu.memory_space<vmem>>) dst(%dma_wait3A_1389 : memref<20x128xf32, #tpu.memory_space<hbm>>)
          %mul3A_1393 = arith.constant 16 : i32
          %mul3A_1394 = arith.muli %sub3A_1240, %mul3A_1393 : i32
          %add3A_1395 = arith.addi %mul3A_4, %mul3A_1394 : i32
          %add3A_1396 = arith.constant 8 : i32
          %add3A_1397 = arith.addi %add3A_1395, %add3A_1396 : i32
          %dma_wait3A_1398 = arith.constant 160 : i32
          %dma_wait3A_1399 = arith.constant 0 : i32
          %dma_wait3A_1400 = tpu.memref_slice %arg7[%dma_wait3A_1398, %dma_wait3A_1399] : memref<320x128xf32, #tpu.memory_space<vmem>> -> memref<20x128xf32, #tpu.memory_space<vmem>>
          %dma_wait3A_1401 = arith.constant 0 : i32
          %dma_wait3A_1402 = arith.constant 0 : i32
          %dma_wait3A_1403 = tpu.memref_slice %arg4[%add3A_1397, %dma_wait3A_1401, %dma_wait3A_1402] : memref<16384x20x128xf32, #tpu.memory_space<hbm>> -> memref<1x20x128xf32, #tpu.memory_space<hbm>>
          %dma_wait3A_1404 = tpu.memref_squeeze %dma_wait3A_1403 : memref<1x20x128xf32, #tpu.memory_space<hbm>> -> memref<20x128xf32, #tpu.memory_space<hbm>>
          %dma_wait3A_1405 = arith.constant 0 : i32
          %dma_wait3A_1406 = arith.constant 0 : i32
          %dma_wait3A_1407 = tpu.memref_slice %arg4[%add3A_1397, %dma_wait3A_1405, %dma_wait3A_1406] : memref<16384x20x128xf32, #tpu.memory_space<hbm>> -> memref<1x20x128xf32, #tpu.memory_space<hbm>>
          %dma_wait3A_1408 = tpu.memref_squeeze %dma_wait3A_1407 : memref<1x20x128xf32, #tpu.memory_space<hbm>> -> memref<20x128xf32, #tpu.memory_space<hbm>>
          %dma_wait3A_1409 = arith.constant 160 : i32
          %dma_wait3A_1410 = arith.constant 0 : i32
          %dma_wait3A_1411 = tpu.memref_slice %arg7[%dma_wait3A_1409, %dma_wait3A_1410] : memref<320x128xf32, #tpu.memory_space<vmem>> -> memref<20x128xf32, #tpu.memory_space<vmem>>
          tpu.wait_dma2 semaphore(%arg11 : memref<!tpu.dma_semaphore, #tpu.memory_space<semaphore_mem>>) src(%dma_wait3A_1411 : memref<20x128xf32, #tpu.memory_space<vmem>>) dst(%dma_wait3A_1408 : memref<20x128xf32, #tpu.memory_space<hbm>>)
          %mul3A_1412 = arith.constant 16 : i32
          %mul3A_1413 = arith.muli %sub3A_1240, %mul3A_1412 : i32
          %add3A_1414 = arith.addi %mul3A_4, %mul3A_1413 : i32
          %add3A_1415 = arith.constant 9 : i32
          %add3A_1416 = arith.addi %add3A_1414, %add3A_1415 : i32
          %dma_wait3A_1417 = arith.constant 180 : i32
          %dma_wait3A_1418 = arith.constant 0 : i32
          %dma_wait3A_1419 = tpu.memref_slice %arg7[%dma_wait3A_1417, %dma_wait3A_1418] : memref<320x128xf32, #tpu.memory_space<vmem>> -> memref<20x128xf32, #tpu.memory_space<vmem>>
          %dma_wait3A_1420 = arith.constant 0 : i32
          %dma_wait3A_1421 = arith.constant 0 : i32
          %dma_wait3A_1422 = tpu.memref_slice %arg4[%add3A_1416, %dma_wait3A_1420, %dma_wait3A_1421] : memref<16384x20x128xf32, #tpu.memory_space<hbm>> -> memref<1x20x128xf32, #tpu.memory_space<hbm>>
          %dma_wait3A_1423 = tpu.memref_squeeze %dma_wait3A_1422 : memref<1x20x128xf32, #tpu.memory_space<hbm>> -> memref<20x128xf32, #tpu.memory_space<hbm>>
          %dma_wait3A_1424 = arith.constant 0 : i32
          %dma_wait3A_1425 = arith.constant 0 : i32
          %dma_wait3A_1426 = tpu.memref_slice %arg4[%add3A_1416, %dma_wait3A_1424, %dma_wait3A_1425] : memref<16384x20x128xf32, #tpu.memory_space<hbm>> -> memref<1x20x128xf32, #tpu.memory_space<hbm>>
          %dma_wait3A_1427 = tpu.memref_squeeze %dma_wait3A_1426 : memref<1x20x128xf32, #tpu.memory_space<hbm>> -> memref<20x128xf32, #tpu.memory_space<hbm>>
          %dma_wait3A_1428 = arith.constant 180 : i32
          %dma_wait3A_1429 = arith.constant 0 : i32
          %dma_wait3A_1430 = tpu.memref_slice %arg7[%dma_wait3A_1428, %dma_wait3A_1429] : memref<320x128xf32, #tpu.memory_space<vmem>> -> memref<20x128xf32, #tpu.memory_space<vmem>>
          tpu.wait_dma2 semaphore(%arg11 : memref<!tpu.dma_semaphore, #tpu.memory_space<semaphore_mem>>) src(%dma_wait3A_1430 : memref<20x128xf32, #tpu.memory_space<vmem>>) dst(%dma_wait3A_1427 : memref<20x128xf32, #tpu.memory_space<hbm>>)
          %mul3A_1431 = arith.constant 16 : i32
          %mul3A_1432 = arith.muli %sub3A_1240, %mul3A_1431 : i32
          %add3A_1433 = arith.addi %mul3A_4, %mul3A_1432 : i32
          %add3A_1434 = arith.constant 10 : i32
          %add3A_1435 = arith.addi %add3A_1433, %add3A_1434 : i32
          %dma_wait3A_1436 = arith.constant 200 : i32
          %dma_wait3A_1437 = arith.constant 0 : i32
          %dma_wait3A_1438 = tpu.memref_slice %arg7[%dma_wait3A_1436, %dma_wait3A_1437] : memref<320x128xf32, #tpu.memory_space<vmem>> -> memref<20x128xf32, #tpu.memory_space<vmem>>
          %dma_wait3A_1439 = arith.constant 0 : i32
          %dma_wait3A_1440 = arith.constant 0 : i32
          %dma_wait3A_1441 = tpu.memref_slice %arg4[%add3A_1435, %dma_wait3A_1439, %dma_wait3A_1440] : memref<16384x20x128xf32, #tpu.memory_space<hbm>> -> memref<1x20x128xf32, #tpu.memory_space<hbm>>
          %dma_wait3A_1442 = tpu.memref_squeeze %dma_wait3A_1441 : memref<1x20x128xf32, #tpu.memory_space<hbm>> -> memref<20x128xf32, #tpu.memory_space<hbm>>
          %dma_wait3A_1443 = arith.constant 0 : i32
          %dma_wait3A_1444 = arith.constant 0 : i32
          %dma_wait3A_1445 = tpu.memref_slice %arg4[%add3A_1435, %dma_wait3A_1443, %dma_wait3A_1444] : memref<16384x20x128xf32, #tpu.memory_space<hbm>> -> memref<1x20x128xf32, #tpu.memory_space<hbm>>
          %dma_wait3A_1446 = tpu.memref_squeeze %dma_wait3A_1445 : memref<1x20x128xf32, #tpu.memory_space<hbm>> -> memref<20x128xf32, #tpu.memory_space<hbm>>
          %dma_wait3A_1447 = arith.constant 200 : i32
          %dma_wait3A_1448 = arith.constant 0 : i32
          %dma_wait3A_1449 = tpu.memref_slice %arg7[%dma_wait3A_1447, %dma_wait3A_1448] : memref<320x128xf32, #tpu.memory_space<vmem>> -> memref<20x128xf32, #tpu.memory_space<vmem>>
          tpu.wait_dma2 semaphore(%arg11 : memref<!tpu.dma_semaphore, #tpu.memory_space<semaphore_mem>>) src(%dma_wait3A_1449 : memref<20x128xf32, #tpu.memory_space<vmem>>) dst(%dma_wait3A_1446 : memref<20x128xf32, #tpu.memory_space<hbm>>)
          %mul3A_1450 = arith.constant 16 : i32
          %mul3A_1451 = arith.muli %sub3A_1240, %mul3A_1450 : i32
          %add3A_1452 = arith.addi %mul3A_4, %mul3A_1451 : i32
          %add3A_1453 = arith.constant 11 : i32
          %add3A_1454 = arith.addi %add3A_1452, %add3A_1453 : i32
          %dma_wait3A_1455 = arith.constant 220 : i32
          %dma_wait3A_1456 = arith.constant 0 : i32
          %dma_wait3A_1457 = tpu.memref_slice %arg7[%dma_wait3A_1455, %dma_wait3A_1456] : memref<320x128xf32, #tpu.memory_space<vmem>> -> memref<20x128xf32, #tpu.memory_space<vmem>>
          %dma_wait3A_1458 = arith.constant 0 : i32
          %dma_wait3A_1459 = arith.constant 0 : i32
          %dma_wait3A_1460 = tpu.memref_slice %arg4[%add3A_1454, %dma_wait3A_1458, %dma_wait3A_1459] : memref<16384x20x128xf32, #tpu.memory_space<hbm>> -> memref<1x20x128xf32, #tpu.memory_space<hbm>>
          %dma_wait3A_1461 = tpu.memref_squeeze %dma_wait3A_1460 : memref<1x20x128xf32, #tpu.memory_space<hbm>> -> memref<20x128xf32, #tpu.memory_space<hbm>>
          %dma_wait3A_1462 = arith.constant 0 : i32
          %dma_wait3A_1463 = arith.constant 0 : i32
          %dma_wait3A_1464 = tpu.memref_slice %arg4[%add3A_1454, %dma_wait3A_1462, %dma_wait3A_1463] : memref<16384x20x128xf32, #tpu.memory_space<hbm>> -> memref<1x20x128xf32, #tpu.memory_space<hbm>>
          %dma_wait3A_1465 = tpu.memref_squeeze %dma_wait3A_1464 : memref<1x20x128xf32, #tpu.memory_space<hbm>> -> memref<20x128xf32, #tpu.memory_space<hbm>>
          %dma_wait3A_1466 = arith.constant 220 : i32
          %dma_wait3A_1467 = arith.constant 0 : i32
          %dma_wait3A_1468 = tpu.memref_slice %arg7[%dma_wait3A_1466, %dma_wait3A_1467] : memref<320x128xf32, #tpu.memory_space<vmem>> -> memref<20x128xf32, #tpu.memory_space<vmem>>
          tpu.wait_dma2 semaphore(%arg11 : memref<!tpu.dma_semaphore, #tpu.memory_space<semaphore_mem>>) src(%dma_wait3A_1468 : memref<20x128xf32, #tpu.memory_space<vmem>>) dst(%dma_wait3A_1465 : memref<20x128xf32, #tpu.memory_space<hbm>>)
          %mul3A_1469 = arith.constant 16 : i32
          %mul3A_1470 = arith.muli %sub3A_1240, %mul3A_1469 : i32
          %add3A_1471 = arith.addi %mul3A_4, %mul3A_1470 : i32
          %add3A_1472 = arith.constant 12 : i32
          %add3A_1473 = arith.addi %add3A_1471, %add3A_1472 : i32
          %dma_wait3A_1474 = arith.constant 240 : i32
          %dma_wait3A_1475 = arith.constant 0 : i32
          %dma_wait3A_1476 = tpu.memref_slice %arg7[%dma_wait3A_1474, %dma_wait3A_1475] : memref<320x128xf32, #tpu.memory_space<vmem>> -> memref<20x128xf32, #tpu.memory_space<vmem>>
          %dma_wait3A_1477 = arith.constant 0 : i32
          %dma_wait3A_1478 = arith.constant 0 : i32
          %dma_wait3A_1479 = tpu.memref_slice %arg4[%add3A_1473, %dma_wait3A_1477, %dma_wait3A_1478] : memref<16384x20x128xf32, #tpu.memory_space<hbm>> -> memref<1x20x128xf32, #tpu.memory_space<hbm>>
          %dma_wait3A_1480 = tpu.memref_squeeze %dma_wait3A_1479 : memref<1x20x128xf32, #tpu.memory_space<hbm>> -> memref<20x128xf32, #tpu.memory_space<hbm>>
          %dma_wait3A_1481 = arith.constant 0 : i32
          %dma_wait3A_1482 = arith.constant 0 : i32
          %dma_wait3A_1483 = tpu.memref_slice %arg4[%add3A_1473, %dma_wait3A_1481, %dma_wait3A_1482] : memref<16384x20x128xf32, #tpu.memory_space<hbm>> -> memref<1x20x128xf32, #tpu.memory_space<hbm>>
          %dma_wait3A_1484 = tpu.memref_squeeze %dma_wait3A_1483 : memref<1x20x128xf32, #tpu.memory_space<hbm>> -> memref<20x128xf32, #tpu.memory_space<hbm>>
          %dma_wait3A_1485 = arith.constant 240 : i32
          %dma_wait3A_1486 = arith.constant 0 : i32
          %dma_wait3A_1487 = tpu.memref_slice %arg7[%dma_wait3A_1485, %dma_wait3A_1486] : memref<320x128xf32, #tpu.memory_space<vmem>> -> memref<20x128xf32, #tpu.memory_space<vmem>>
          tpu.wait_dma2 semaphore(%arg11 : memref<!tpu.dma_semaphore, #tpu.memory_space<semaphore_mem>>) src(%dma_wait3A_1487 : memref<20x128xf32, #tpu.memory_space<vmem>>) dst(%dma_wait3A_1484 : memref<20x128xf32, #tpu.memory_space<hbm>>)
          %mul3A_1488 = arith.constant 16 : i32
          %mul3A_1489 = arith.muli %sub3A_1240, %mul3A_1488 : i32
          %add3A_1490 = arith.addi %mul3A_4, %mul3A_1489 : i32
          %add3A_1491 = arith.constant 13 : i32
          %add3A_1492 = arith.addi %add3A_1490, %add3A_1491 : i32
          %dma_wait3A_1493 = arith.constant 260 : i32
          %dma_wait3A_1494 = arith.constant 0 : i32
          %dma_wait3A_1495 = tpu.memref_slice %arg7[%dma_wait3A_1493, %dma_wait3A_1494] : memref<320x128xf32, #tpu.memory_space<vmem>> -> memref<20x128xf32, #tpu.memory_space<vmem>>
          %dma_wait3A_1496 = arith.constant 0 : i32
          %dma_wait3A_1497 = arith.constant 0 : i32
          %dma_wait3A_1498 = tpu.memref_slice %arg4[%add3A_1492, %dma_wait3A_1496, %dma_wait3A_1497] : memref<16384x20x128xf32, #tpu.memory_space<hbm>> -> memref<1x20x128xf32, #tpu.memory_space<hbm>>
          %dma_wait3A_1499 = tpu.memref_squeeze %dma_wait3A_1498 : memref<1x20x128xf32, #tpu.memory_space<hbm>> -> memref<20x128xf32, #tpu.memory_space<hbm>>
          %dma_wait3A_1500 = arith.constant 0 : i32
          %dma_wait3A_1501 = arith.constant 0 : i32
          %dma_wait3A_1502 = tpu.memref_slice %arg4[%add3A_1492, %dma_wait3A_1500, %dma_wait3A_1501] : memref<16384x20x128xf32, #tpu.memory_space<hbm>> -> memref<1x20x128xf32, #tpu.memory_space<hbm>>
          %dma_wait3A_1503 = tpu.memref_squeeze %dma_wait3A_1502 : memref<1x20x128xf32, #tpu.memory_space<hbm>> -> memref<20x128xf32, #tpu.memory_space<hbm>>
          %dma_wait3A_1504 = arith.constant 260 : i32
          %dma_wait3A_1505 = arith.constant 0 : i32
          %dma_wait3A_1506 = tpu.memref_slice %arg7[%dma_wait3A_1504, %dma_wait3A_1505] : memref<320x128xf32, #tpu.memory_space<vmem>> -> memref<20x128xf32, #tpu.memory_space<vmem>>
          tpu.wait_dma2 semaphore(%arg11 : memref<!tpu.dma_semaphore, #tpu.memory_space<semaphore_mem>>) src(%dma_wait3A_1506 : memref<20x128xf32, #tpu.memory_space<vmem>>) dst(%dma_wait3A_1503 : memref<20x128xf32, #tpu.memory_space<hbm>>)
          %mul3A_1507 = arith.constant 16 : i32
          %mul3A_1508 = arith.muli %sub3A_1240, %mul3A_1507 : i32
          %add3A_1509 = arith.addi %mul3A_4, %mul3A_1508 : i32
          %add3A_1510 = arith.constant 14 : i32
          %add3A_1511 = arith.addi %add3A_1509, %add3A_1510 : i32
          %dma_wait3A_1512 = arith.constant 280 : i32
          %dma_wait3A_1513 = arith.constant 0 : i32
          %dma_wait3A_1514 = tpu.memref_slice %arg7[%dma_wait3A_1512, %dma_wait3A_1513] : memref<320x128xf32, #tpu.memory_space<vmem>> -> memref<20x128xf32, #tpu.memory_space<vmem>>
          %dma_wait3A_1515 = arith.constant 0 : i32
          %dma_wait3A_1516 = arith.constant 0 : i32
          %dma_wait3A_1517 = tpu.memref_slice %arg4[%add3A_1511, %dma_wait3A_1515, %dma_wait3A_1516] : memref<16384x20x128xf32, #tpu.memory_space<hbm>> -> memref<1x20x128xf32, #tpu.memory_space<hbm>>
          %dma_wait3A_1518 = tpu.memref_squeeze %dma_wait3A_1517 : memref<1x20x128xf32, #tpu.memory_space<hbm>> -> memref<20x128xf32, #tpu.memory_space<hbm>>
          %dma_wait3A_1519 = arith.constant 0 : i32
          %dma_wait3A_1520 = arith.constant 0 : i32
          %dma_wait3A_1521 = tpu.memref_slice %arg4[%add3A_1511, %dma_wait3A_1519, %dma_wait3A_1520] : memref<16384x20x128xf32, #tpu.memory_space<hbm>> -> memref<1x20x128xf32, #tpu.memory_space<hbm>>
          %dma_wait3A_1522 = tpu.memref_squeeze %dma_wait3A_1521 : memref<1x20x128xf32, #tpu.memory_space<hbm>> -> memref<20x128xf32, #tpu.memory_space<hbm>>
          %dma_wait3A_1523 = arith.constant 280 : i32
          %dma_wait3A_1524 = arith.constant 0 : i32
          %dma_wait3A_1525 = tpu.memref_slice %arg7[%dma_wait3A_1523, %dma_wait3A_1524] : memref<320x128xf32, #tpu.memory_space<vmem>> -> memref<20x128xf32, #tpu.memory_space<vmem>>
          tpu.wait_dma2 semaphore(%arg11 : memref<!tpu.dma_semaphore, #tpu.memory_space<semaphore_mem>>) src(%dma_wait3A_1525 : memref<20x128xf32, #tpu.memory_space<vmem>>) dst(%dma_wait3A_1522 : memref<20x128xf32, #tpu.memory_space<hbm>>)
          %mul3A_1526 = arith.constant 16 : i32
          %mul3A_1527 = arith.muli %sub3A_1240, %mul3A_1526 : i32
          %add3A_1528 = arith.addi %mul3A_4, %mul3A_1527 : i32
          %add3A_1529 = arith.constant 15 : i32
          %add3A_1530 = arith.addi %add3A_1528, %add3A_1529 : i32
          %dma_wait3A_1531 = arith.constant 300 : i32
          %dma_wait3A_1532 = arith.constant 0 : i32
          %dma_wait3A_1533 = tpu.memref_slice %arg7[%dma_wait3A_1531, %dma_wait3A_1532] : memref<320x128xf32, #tpu.memory_space<vmem>> -> memref<20x128xf32, #tpu.memory_space<vmem>>
          %dma_wait3A_1534 = arith.constant 0 : i32
          %dma_wait3A_1535 = arith.constant 0 : i32
          %dma_wait3A_1536 = tpu.memref_slice %arg4[%add3A_1530, %dma_wait3A_1534, %dma_wait3A_1535] : memref<16384x20x128xf32, #tpu.memory_space<hbm>> -> memref<1x20x128xf32, #tpu.memory_space<hbm>>
          %dma_wait3A_1537 = tpu.memref_squeeze %dma_wait3A_1536 : memref<1x20x128xf32, #tpu.memory_space<hbm>> -> memref<20x128xf32, #tpu.memory_space<hbm>>
          %dma_wait3A_1538 = arith.constant 0 : i32
          %dma_wait3A_1539 = arith.constant 0 : i32
          %dma_wait3A_1540 = tpu.memref_slice %arg4[%add3A_1530, %dma_wait3A_1538, %dma_wait3A_1539] : memref<16384x20x128xf32, #tpu.memory_space<hbm>> -> memref<1x20x128xf32, #tpu.memory_space<hbm>>
          %dma_wait3A_1541 = tpu.memref_squeeze %dma_wait3A_1540 : memref<1x20x128xf32, #tpu.memory_space<hbm>> -> memref<20x128xf32, #tpu.memory_space<hbm>>
          %dma_wait3A_1542 = arith.constant 300 : i32
          %dma_wait3A_1543 = arith.constant 0 : i32
          %dma_wait3A_1544 = tpu.memref_slice %arg7[%dma_wait3A_1542, %dma_wait3A_1543] : memref<320x128xf32, #tpu.memory_space<vmem>> -> memref<20x128xf32, #tpu.memory_space<vmem>>
          tpu.wait_dma2 semaphore(%arg11 : memref<!tpu.dma_semaphore, #tpu.memory_space<semaphore_mem>>) src(%dma_wait3A_1544 : memref<20x128xf32, #tpu.memory_space<vmem>>) dst(%dma_wait3A_1541 : memref<20x128xf32, #tpu.memory_space<hbm>>)
        } else {
        }
        %add3A_1232 = arith.constant 1 : i32
        %add3A_1233 = arith.addi %add3A_594, %add3A_1232 : i32
        %mul3A_1234 = arith.constant 320 : i32
        %mul3A_1235 = arith.muli %add3A_1233, %mul3A_1234 : i32
        %dma_start3A_1236 = tpu.memref_slice %arg5[%mul3A_1235] : memref<10240xi32, #tpu.memory_space<vmem>> -> memref<320xi32, #tpu.memory_space<vmem>>
        %dma_start3A_1237 = arith.constant 0 : i32
        %dma_start3A_1238 = arith.constant 0 : i32
        %dma_start3A_1239 = tpu.memref_slice %arg3[%dma_start3A_1237, %dma_start3A_1238] : memref<1000000x128xf32, #tpu.memory_space<hbm>> -> memref<1000000x128xf32, #tpu.memory_space<hbm>>
        tpu.enqueue_indirect_dma source(%dma_start3A_1239 : memref<1000000x128xf32, #tpu.memory_space<hbm>>) target(%arg7 : memref<320x128xf32, #tpu.memory_space<vmem>>) offsets(%dma_start3A_1236 : memref<320xi32, #tpu.memory_space<vmem>>) semaphore(%arg9 : memref<!tpu.dma_semaphore, #tpu.memory_space<semaphore_mem>>)
      } else {
      }
      %add3A_909 = arith.constant 1 : i32
      %add3A_910 = arith.addi %add3A_592, %add3A_909 : i32
      %mul3A_911 = arith.constant 320 : i32
      %mul3A_912 = arith.muli %add3A_910, %mul3A_911 : i32
      %dma_wait3A_913 = tpu.memref_slice %arg5[%mul3A_912] : memref<10240xi32, #tpu.memory_space<vmem>> -> memref<320xi32, #tpu.memory_space<vmem>>
      %dma_wait3A_914 = arith.constant 0 : i32
      %dma_wait3A_915 = arith.constant 0 : i32
      %dma_wait3A_916 = tpu.memref_slice %arg3[%dma_wait3A_914, %dma_wait3A_915] : memref<1000000x128xf32, #tpu.memory_space<hbm>> -> memref<1000000x128xf32, #tpu.memory_space<hbm>>
      tpu.wait_indirect_dma semaphore(%arg9 : memref<!tpu.dma_semaphore, #tpu.memory_space<semaphore_mem>>) src(%dma_wait3A_916 : memref<1000000x128xf32, #tpu.memory_space<hbm>>) dst(%arg7 : memref<320x128xf32, #tpu.memory_space<vmem>>)
      %mul3A_917 = arith.constant 16 : i32
      %mul3A_918 = arith.muli %add3A_910, %mul3A_917 : i32
      %add3A_919 = arith.addi %mul3A_4, %mul3A_918 : i32
      %add3A_920 = arith.constant 0 : i32
      %add3A_921 = arith.addi %add3A_919, %add3A_920 : i32
      %dma_start3A_922 = arith.constant 0 : i32
      %dma_start3A_923 = arith.constant 0 : i32
      %dma_start3A_924 = tpu.memref_slice %arg7[%dma_start3A_922, %dma_start3A_923] : memref<320x128xf32, #tpu.memory_space<vmem>> -> memref<20x128xf32, #tpu.memory_space<vmem>>
      %dma_start3A_925 = arith.constant 0 : i32
      %dma_start3A_926 = arith.constant 0 : i32
      %dma_start3A_927 = tpu.memref_slice %arg4[%add3A_921, %dma_start3A_925, %dma_start3A_926] : memref<16384x20x128xf32, #tpu.memory_space<hbm>> -> memref<1x20x128xf32, #tpu.memory_space<hbm>>
      %dma_start3A_928 = tpu.memref_squeeze %dma_start3A_927 : memref<1x20x128xf32, #tpu.memory_space<hbm>> -> memref<20x128xf32, #tpu.memory_space<hbm>>
      %dma_start3A_929 = arith.constant 0 : i32
      %dma_start3A_930 = arith.constant 0 : i32
      %dma_start3A_931 = tpu.memref_slice %arg4[%add3A_921, %dma_start3A_929, %dma_start3A_930] : memref<16384x20x128xf32, #tpu.memory_space<hbm>> -> memref<1x20x128xf32, #tpu.memory_space<hbm>>
      %dma_start3A_932 = tpu.memref_squeeze %dma_start3A_931 : memref<1x20x128xf32, #tpu.memory_space<hbm>> -> memref<20x128xf32, #tpu.memory_space<hbm>>
      %dma_start3A_933 = arith.constant 0 : i32
      %dma_start3A_934 = arith.constant 0 : i32
      %dma_start3A_935 = tpu.memref_slice %arg7[%dma_start3A_933, %dma_start3A_934] : memref<320x128xf32, #tpu.memory_space<vmem>> -> memref<20x128xf32, #tpu.memory_space<vmem>>
      tpu.enqueue_dma source(%dma_start3A_935 : memref<20x128xf32, #tpu.memory_space<vmem>>) target(%dma_start3A_932 : memref<20x128xf32, #tpu.memory_space<hbm>>) target_semaphore(%arg11 : memref<!tpu.dma_semaphore, #tpu.memory_space<semaphore_mem>>)
      %mul3A_936 = arith.constant 16 : i32
      %mul3A_937 = arith.muli %add3A_910, %mul3A_936 : i32
      %add3A_938 = arith.addi %mul3A_4, %mul3A_937 : i32
      %add3A_939 = arith.constant 1 : i32
      %add3A_940 = arith.addi %add3A_938, %add3A_939 : i32
      %dma_start3A_941 = arith.constant 20 : i32
      %dma_start3A_942 = arith.constant 0 : i32
      %dma_start3A_943 = tpu.memref_slice %arg7[%dma_start3A_941, %dma_start3A_942] : memref<320x128xf32, #tpu.memory_space<vmem>> -> memref<20x128xf32, #tpu.memory_space<vmem>>
      %dma_start3A_944 = arith.constant 0 : i32
      %dma_start3A_945 = arith.constant 0 : i32
      %dma_start3A_946 = tpu.memref_slice %arg4[%add3A_940, %dma_start3A_944, %dma_start3A_945] : memref<16384x20x128xf32, #tpu.memory_space<hbm>> -> memref<1x20x128xf32, #tpu.memory_space<hbm>>
      %dma_start3A_947 = tpu.memref_squeeze %dma_start3A_946 : memref<1x20x128xf32, #tpu.memory_space<hbm>> -> memref<20x128xf32, #tpu.memory_space<hbm>>
      %dma_start3A_948 = arith.constant 0 : i32
      %dma_start3A_949 = arith.constant 0 : i32
      %dma_start3A_950 = tpu.memref_slice %arg4[%add3A_940, %dma_start3A_948, %dma_start3A_949] : memref<16384x20x128xf32, #tpu.memory_space<hbm>> -> memref<1x20x128xf32, #tpu.memory_space<hbm>>
      %dma_start3A_951 = tpu.memref_squeeze %dma_start3A_950 : memref<1x20x128xf32, #tpu.memory_space<hbm>> -> memref<20x128xf32, #tpu.memory_space<hbm>>
      %dma_start3A_952 = arith.constant 20 : i32
      %dma_start3A_953 = arith.constant 0 : i32
      %dma_start3A_954 = tpu.memref_slice %arg7[%dma_start3A_952, %dma_start3A_953] : memref<320x128xf32, #tpu.memory_space<vmem>> -> memref<20x128xf32, #tpu.memory_space<vmem>>
      tpu.enqueue_dma source(%dma_start3A_954 : memref<20x128xf32, #tpu.memory_space<vmem>>) target(%dma_start3A_951 : memref<20x128xf32, #tpu.memory_space<hbm>>) target_semaphore(%arg11 : memref<!tpu.dma_semaphore, #tpu.memory_space<semaphore_mem>>)
      %mul3A_955 = arith.constant 16 : i32
      %mul3A_956 = arith.muli %add3A_910, %mul3A_955 : i32
      %add3A_957 = arith.addi %mul3A_4, %mul3A_956 : i32
      %add3A_958 = arith.constant 2 : i32
      %add3A_959 = arith.addi %add3A_957, %add3A_958 : i32
      %dma_start3A_960 = arith.constant 40 : i32
      %dma_start3A_961 = arith.constant 0 : i32
      %dma_start3A_962 = tpu.memref_slice %arg7[%dma_start3A_960, %dma_start3A_961] : memref<320x128xf32, #tpu.memory_space<vmem>> -> memref<20x128xf32, #tpu.memory_space<vmem>>
      %dma_start3A_963 = arith.constant 0 : i32
      %dma_start3A_964 = arith.constant 0 : i32
      %dma_start3A_965 = tpu.memref_slice %arg4[%add3A_959, %dma_start3A_963, %dma_start3A_964] : memref<16384x20x128xf32, #tpu.memory_space<hbm>> -> memref<1x20x128xf32, #tpu.memory_space<hbm>>
      %dma_start3A_966 = tpu.memref_squeeze %dma_start3A_965 : memref<1x20x128xf32, #tpu.memory_space<hbm>> -> memref<20x128xf32, #tpu.memory_space<hbm>>
      %dma_start3A_967 = arith.constant 0 : i32
      %dma_start3A_968 = arith.constant 0 : i32
      %dma_start3A_969 = tpu.memref_slice %arg4[%add3A_959, %dma_start3A_967, %dma_start3A_968] : memref<16384x20x128xf32, #tpu.memory_space<hbm>> -> memref<1x20x128xf32, #tpu.memory_space<hbm>>
      %dma_start3A_970 = tpu.memref_squeeze %dma_start3A_969 : memref<1x20x128xf32, #tpu.memory_space<hbm>> -> memref<20x128xf32, #tpu.memory_space<hbm>>
      %dma_start3A_971 = arith.constant 40 : i32
      %dma_start3A_972 = arith.constant 0 : i32
      %dma_start3A_973 = tpu.memref_slice %arg7[%dma_start3A_971, %dma_start3A_972] : memref<320x128xf32, #tpu.memory_space<vmem>> -> memref<20x128xf32, #tpu.memory_space<vmem>>
      tpu.enqueue_dma source(%dma_start3A_973 : memref<20x128xf32, #tpu.memory_space<vmem>>) target(%dma_start3A_970 : memref<20x128xf32, #tpu.memory_space<hbm>>) target_semaphore(%arg11 : memref<!tpu.dma_semaphore, #tpu.memory_space<semaphore_mem>>)
      %mul3A_974 = arith.constant 16 : i32
      %mul3A_975 = arith.muli %add3A_910, %mul3A_974 : i32
      %add3A_976 = arith.addi %mul3A_4, %mul3A_975 : i32
      %add3A_977 = arith.constant 3 : i32
      %add3A_978 = arith.addi %add3A_976, %add3A_977 : i32
      %dma_start3A_979 = arith.constant 60 : i32
      %dma_start3A_980 = arith.constant 0 : i32
      %dma_start3A_981 = tpu.memref_slice %arg7[%dma_start3A_979, %dma_start3A_980] : memref<320x128xf32, #tpu.memory_space<vmem>> -> memref<20x128xf32, #tpu.memory_space<vmem>>
      %dma_start3A_982 = arith.constant 0 : i32
      %dma_start3A_983 = arith.constant 0 : i32
      %dma_start3A_984 = tpu.memref_slice %arg4[%add3A_978, %dma_start3A_982, %dma_start3A_983] : memref<16384x20x128xf32, #tpu.memory_space<hbm>> -> memref<1x20x128xf32, #tpu.memory_space<hbm>>
      %dma_start3A_985 = tpu.memref_squeeze %dma_start3A_984 : memref<1x20x128xf32, #tpu.memory_space<hbm>> -> memref<20x128xf32, #tpu.memory_space<hbm>>
      %dma_start3A_986 = arith.constant 0 : i32
      %dma_start3A_987 = arith.constant 0 : i32
      %dma_start3A_988 = tpu.memref_slice %arg4[%add3A_978, %dma_start3A_986, %dma_start3A_987] : memref<16384x20x128xf32, #tpu.memory_space<hbm>> -> memref<1x20x128xf32, #tpu.memory_space<hbm>>
      %dma_start3A_989 = tpu.memref_squeeze %dma_start3A_988 : memref<1x20x128xf32, #tpu.memory_space<hbm>> -> memref<20x128xf32, #tpu.memory_space<hbm>>
      %dma_start3A_990 = arith.constant 60 : i32
      %dma_start3A_991 = arith.constant 0 : i32
      %dma_start3A_992 = tpu.memref_slice %arg7[%dma_start3A_990, %dma_start3A_991] : memref<320x128xf32, #tpu.memory_space<vmem>> -> memref<20x128xf32, #tpu.memory_space<vmem>>
      tpu.enqueue_dma source(%dma_start3A_992 : memref<20x128xf32, #tpu.memory_space<vmem>>) target(%dma_start3A_989 : memref<20x128xf32, #tpu.memory_space<hbm>>) target_semaphore(%arg11 : memref<!tpu.dma_semaphore, #tpu.memory_space<semaphore_mem>>)
      %mul3A_993 = arith.constant 16 : i32
      %mul3A_994 = arith.muli %add3A_910, %mul3A_993 : i32
      %add3A_995 = arith.addi %mul3A_4, %mul3A_994 : i32
      %add3A_996 = arith.constant 4 : i32
      %add3A_997 = arith.addi %add3A_995, %add3A_996 : i32
      %dma_start3A_998 = arith.constant 80 : i32
      %dma_start3A_999 = arith.constant 0 : i32
      %dma_start3A_1000 = tpu.memref_slice %arg7[%dma_start3A_998, %dma_start3A_999] : memref<320x128xf32, #tpu.memory_space<vmem>> -> memref<20x128xf32, #tpu.memory_space<vmem>>
      %dma_start3A_1001 = arith.constant 0 : i32
      %dma_start3A_1002 = arith.constant 0 : i32
      %dma_start3A_1003 = tpu.memref_slice %arg4[%add3A_997, %dma_start3A_1001, %dma_start3A_1002] : memref<16384x20x128xf32, #tpu.memory_space<hbm>> -> memref<1x20x128xf32, #tpu.memory_space<hbm>>
      %dma_start3A_1004 = tpu.memref_squeeze %dma_start3A_1003 : memref<1x20x128xf32, #tpu.memory_space<hbm>> -> memref<20x128xf32, #tpu.memory_space<hbm>>
      %dma_start3A_1005 = arith.constant 0 : i32
      %dma_start3A_1006 = arith.constant 0 : i32
      %dma_start3A_1007 = tpu.memref_slice %arg4[%add3A_997, %dma_start3A_1005, %dma_start3A_1006] : memref<16384x20x128xf32, #tpu.memory_space<hbm>> -> memref<1x20x128xf32, #tpu.memory_space<hbm>>
      %dma_start3A_1008 = tpu.memref_squeeze %dma_start3A_1007 : memref<1x20x128xf32, #tpu.memory_space<hbm>> -> memref<20x128xf32, #tpu.memory_space<hbm>>
      %dma_start3A_1009 = arith.constant 80 : i32
      %dma_start3A_1010 = arith.constant 0 : i32
      %dma_start3A_1011 = tpu.memref_slice %arg7[%dma_start3A_1009, %dma_start3A_1010] : memref<320x128xf32, #tpu.memory_space<vmem>> -> memref<20x128xf32, #tpu.memory_space<vmem>>
      tpu.enqueue_dma source(%dma_start3A_1011 : memref<20x128xf32, #tpu.memory_space<vmem>>) target(%dma_start3A_1008 : memref<20x128xf32, #tpu.memory_space<hbm>>) target_semaphore(%arg11 : memref<!tpu.dma_semaphore, #tpu.memory_space<semaphore_mem>>)
      %mul3A_1012 = arith.constant 16 : i32
      %mul3A_1013 = arith.muli %add3A_910, %mul3A_1012 : i32
      %add3A_1014 = arith.addi %mul3A_4, %mul3A_1013 : i32
      %add3A_1015 = arith.constant 5 : i32
      %add3A_1016 = arith.addi %add3A_1014, %add3A_1015 : i32
      %dma_start3A_1017 = arith.constant 100 : i32
      %dma_start3A_1018 = arith.constant 0 : i32
      %dma_start3A_1019 = tpu.memref_slice %arg7[%dma_start3A_1017, %dma_start3A_1018] : memref<320x128xf32, #tpu.memory_space<vmem>> -> memref<20x128xf32, #tpu.memory_space<vmem>>
      %dma_start3A_1020 = arith.constant 0 : i32
      %dma_start3A_1021 = arith.constant 0 : i32
      %dma_start3A_1022 = tpu.memref_slice %arg4[%add3A_1016, %dma_start3A_1020, %dma_start3A_1021] : memref<16384x20x128xf32, #tpu.memory_space<hbm>> -> memref<1x20x128xf32, #tpu.memory_space<hbm>>
      %dma_start3A_1023 = tpu.memref_squeeze %dma_start3A_1022 : memref<1x20x128xf32, #tpu.memory_space<hbm>> -> memref<20x128xf32, #tpu.memory_space<hbm>>
      %dma_start3A_1024 = arith.constant 0 : i32
      %dma_start3A_1025 = arith.constant 0 : i32
      %dma_start3A_1026 = tpu.memref_slice %arg4[%add3A_1016, %dma_start3A_1024, %dma_start3A_1025] : memref<16384x20x128xf32, #tpu.memory_space<hbm>> -> memref<1x20x128xf32, #tpu.memory_space<hbm>>
      %dma_start3A_1027 = tpu.memref_squeeze %dma_start3A_1026 : memref<1x20x128xf32, #tpu.memory_space<hbm>> -> memref<20x128xf32, #tpu.memory_space<hbm>>
      %dma_start3A_1028 = arith.constant 100 : i32
      %dma_start3A_1029 = arith.constant 0 : i32
      %dma_start3A_1030 = tpu.memref_slice %arg7[%dma_start3A_1028, %dma_start3A_1029] : memref<320x128xf32, #tpu.memory_space<vmem>> -> memref<20x128xf32, #tpu.memory_space<vmem>>
      tpu.enqueue_dma source(%dma_start3A_1030 : memref<20x128xf32, #tpu.memory_space<vmem>>) target(%dma_start3A_1027 : memref<20x128xf32, #tpu.memory_space<hbm>>) target_semaphore(%arg11 : memref<!tpu.dma_semaphore, #tpu.memory_space<semaphore_mem>>)
      %mul3A_1031 = arith.constant 16 : i32
      %mul3A_1032 = arith.muli %add3A_910, %mul3A_1031 : i32
      %add3A_1033 = arith.addi %mul3A_4, %mul3A_1032 : i32
      %add3A_1034 = arith.constant 6 : i32
      %add3A_1035 = arith.addi %add3A_1033, %add3A_1034 : i32
      %dma_start3A_1036 = arith.constant 120 : i32
      %dma_start3A_1037 = arith.constant 0 : i32
      %dma_start3A_1038 = tpu.memref_slice %arg7[%dma_start3A_1036, %dma_start3A_1037] : memref<320x128xf32, #tpu.memory_space<vmem>> -> memref<20x128xf32, #tpu.memory_space<vmem>>
      %dma_start3A_1039 = arith.constant 0 : i32
      %dma_start3A_1040 = arith.constant 0 : i32
      %dma_start3A_1041 = tpu.memref_slice %arg4[%add3A_1035, %dma_start3A_1039, %dma_start3A_1040] : memref<16384x20x128xf32, #tpu.memory_space<hbm>> -> memref<1x20x128xf32, #tpu.memory_space<hbm>>
      %dma_start3A_1042 = tpu.memref_squeeze %dma_start3A_1041 : memref<1x20x128xf32, #tpu.memory_space<hbm>> -> memref<20x128xf32, #tpu.memory_space<hbm>>
      %dma_start3A_1043 = arith.constant 0 : i32
      %dma_start3A_1044 = arith.constant 0 : i32
      %dma_start3A_1045 = tpu.memref_slice %arg4[%add3A_1035, %dma_start3A_1043, %dma_start3A_1044] : memref<16384x20x128xf32, #tpu.memory_space<hbm>> -> memref<1x20x128xf32, #tpu.memory_space<hbm>>
      %dma_start3A_1046 = tpu.memref_squeeze %dma_start3A_1045 : memref<1x20x128xf32, #tpu.memory_space<hbm>> -> memref<20x128xf32, #tpu.memory_space<hbm>>
      %dma_start3A_1047 = arith.constant 120 : i32
      %dma_start3A_1048 = arith.constant 0 : i32
      %dma_start3A_1049 = tpu.memref_slice %arg7[%dma_start3A_1047, %dma_start3A_1048] : memref<320x128xf32, #tpu.memory_space<vmem>> -> memref<20x128xf32, #tpu.memory_space<vmem>>
      tpu.enqueue_dma source(%dma_start3A_1049 : memref<20x128xf32, #tpu.memory_space<vmem>>) target(%dma_start3A_1046 : memref<20x128xf32, #tpu.memory_space<hbm>>) target_semaphore(%arg11 : memref<!tpu.dma_semaphore, #tpu.memory_space<semaphore_mem>>)
      %mul3A_1050 = arith.constant 16 : i32
      %mul3A_1051 = arith.muli %add3A_910, %mul3A_1050 : i32
      %add3A_1052 = arith.addi %mul3A_4, %mul3A_1051 : i32
      %add3A_1053 = arith.constant 7 : i32
      %add3A_1054 = arith.addi %add3A_1052, %add3A_1053 : i32
      %dma_start3A_1055 = arith.constant 140 : i32
      %dma_start3A_1056 = arith.constant 0 : i32
      %dma_start3A_1057 = tpu.memref_slice %arg7[%dma_start3A_1055, %dma_start3A_1056] : memref<320x128xf32, #tpu.memory_space<vmem>> -> memref<20x128xf32, #tpu.memory_space<vmem>>
      %dma_start3A_1058 = arith.constant 0 : i32
      %dma_start3A_1059 = arith.constant 0 : i32
      %dma_start3A_1060 = tpu.memref_slice %arg4[%add3A_1054, %dma_start3A_1058, %dma_start3A_1059] : memref<16384x20x128xf32, #tpu.memory_space<hbm>> -> memref<1x20x128xf32, #tpu.memory_space<hbm>>
      %dma_start3A_1061 = tpu.memref_squeeze %dma_start3A_1060 : memref<1x20x128xf32, #tpu.memory_space<hbm>> -> memref<20x128xf32, #tpu.memory_space<hbm>>
      %dma_start3A_1062 = arith.constant 0 : i32
      %dma_start3A_1063 = arith.constant 0 : i32
      %dma_start3A_1064 = tpu.memref_slice %arg4[%add3A_1054, %dma_start3A_1062, %dma_start3A_1063] : memref<16384x20x128xf32, #tpu.memory_space<hbm>> -> memref<1x20x128xf32, #tpu.memory_space<hbm>>
      %dma_start3A_1065 = tpu.memref_squeeze %dma_start3A_1064 : memref<1x20x128xf32, #tpu.memory_space<hbm>> -> memref<20x128xf32, #tpu.memory_space<hbm>>
      %dma_start3A_1066 = arith.constant 140 : i32
      %dma_start3A_1067 = arith.constant 0 : i32
      %dma_start3A_1068 = tpu.memref_slice %arg7[%dma_start3A_1066, %dma_start3A_1067] : memref<320x128xf32, #tpu.memory_space<vmem>> -> memref<20x128xf32, #tpu.memory_space<vmem>>
      tpu.enqueue_dma source(%dma_start3A_1068 : memref<20x128xf32, #tpu.memory_space<vmem>>) target(%dma_start3A_1065 : memref<20x128xf32, #tpu.memory_space<hbm>>) target_semaphore(%arg11 : memref<!tpu.dma_semaphore, #tpu.memory_space<semaphore_mem>>)
      %mul3A_1069 = arith.constant 16 : i32
      %mul3A_1070 = arith.muli %add3A_910, %mul3A_1069 : i32
      %add3A_1071 = arith.addi %mul3A_4, %mul3A_1070 : i32
      %add3A_1072 = arith.constant 8 : i32
      %add3A_1073 = arith.addi %add3A_1071, %add3A_1072 : i32
      %dma_start3A_1074 = arith.constant 160 : i32
      %dma_start3A_1075 = arith.constant 0 : i32
      %dma_start3A_1076 = tpu.memref_slice %arg7[%dma_start3A_1074, %dma_start3A_1075] : memref<320x128xf32, #tpu.memory_space<vmem>> -> memref<20x128xf32, #tpu.memory_space<vmem>>
      %dma_start3A_1077 = arith.constant 0 : i32
      %dma_start3A_1078 = arith.constant 0 : i32
      %dma_start3A_1079 = tpu.memref_slice %arg4[%add3A_1073, %dma_start3A_1077, %dma_start3A_1078] : memref<16384x20x128xf32, #tpu.memory_space<hbm>> -> memref<1x20x128xf32, #tpu.memory_space<hbm>>
      %dma_start3A_1080 = tpu.memref_squeeze %dma_start3A_1079 : memref<1x20x128xf32, #tpu.memory_space<hbm>> -> memref<20x128xf32, #tpu.memory_space<hbm>>
      %dma_start3A_1081 = arith.constant 0 : i32
      %dma_start3A_1082 = arith.constant 0 : i32
      %dma_start3A_1083 = tpu.memref_slice %arg4[%add3A_1073, %dma_start3A_1081, %dma_start3A_1082] : memref<16384x20x128xf32, #tpu.memory_space<hbm>> -> memref<1x20x128xf32, #tpu.memory_space<hbm>>
      %dma_start3A_1084 = tpu.memref_squeeze %dma_start3A_1083 : memref<1x20x128xf32, #tpu.memory_space<hbm>> -> memref<20x128xf32, #tpu.memory_space<hbm>>
      %dma_start3A_1085 = arith.constant 160 : i32
      %dma_start3A_1086 = arith.constant 0 : i32
      %dma_start3A_1087 = tpu.memref_slice %arg7[%dma_start3A_1085, %dma_start3A_1086] : memref<320x128xf32, #tpu.memory_space<vmem>> -> memref<20x128xf32, #tpu.memory_space<vmem>>
      tpu.enqueue_dma source(%dma_start3A_1087 : memref<20x128xf32, #tpu.memory_space<vmem>>) target(%dma_start3A_1084 : memref<20x128xf32, #tpu.memory_space<hbm>>) target_semaphore(%arg11 : memref<!tpu.dma_semaphore, #tpu.memory_space<semaphore_mem>>)
      %mul3A_1088 = arith.constant 16 : i32
      %mul3A_1089 = arith.muli %add3A_910, %mul3A_1088 : i32
      %add3A_1090 = arith.addi %mul3A_4, %mul3A_1089 : i32
      %add3A_1091 = arith.constant 9 : i32
      %add3A_1092 = arith.addi %add3A_1090, %add3A_1091 : i32
      %dma_start3A_1093 = arith.constant 180 : i32
      %dma_start3A_1094 = arith.constant 0 : i32
      %dma_start3A_1095 = tpu.memref_slice %arg7[%dma_start3A_1093, %dma_start3A_1094] : memref<320x128xf32, #tpu.memory_space<vmem>> -> memref<20x128xf32, #tpu.memory_space<vmem>>
      %dma_start3A_1096 = arith.constant 0 : i32
      %dma_start3A_1097 = arith.constant 0 : i32
      %dma_start3A_1098 = tpu.memref_slice %arg4[%add3A_1092, %dma_start3A_1096, %dma_start3A_1097] : memref<16384x20x128xf32, #tpu.memory_space<hbm>> -> memref<1x20x128xf32, #tpu.memory_space<hbm>>
      %dma_start3A_1099 = tpu.memref_squeeze %dma_start3A_1098 : memref<1x20x128xf32, #tpu.memory_space<hbm>> -> memref<20x128xf32, #tpu.memory_space<hbm>>
      %dma_start3A_1100 = arith.constant 0 : i32
      %dma_start3A_1101 = arith.constant 0 : i32
      %dma_start3A_1102 = tpu.memref_slice %arg4[%add3A_1092, %dma_start3A_1100, %dma_start3A_1101] : memref<16384x20x128xf32, #tpu.memory_space<hbm>> -> memref<1x20x128xf32, #tpu.memory_space<hbm>>
      %dma_start3A_1103 = tpu.memref_squeeze %dma_start3A_1102 : memref<1x20x128xf32, #tpu.memory_space<hbm>> -> memref<20x128xf32, #tpu.memory_space<hbm>>
      %dma_start3A_1104 = arith.constant 180 : i32
      %dma_start3A_1105 = arith.constant 0 : i32
      %dma_start3A_1106 = tpu.memref_slice %arg7[%dma_start3A_1104, %dma_start3A_1105] : memref<320x128xf32, #tpu.memory_space<vmem>> -> memref<20x128xf32, #tpu.memory_space<vmem>>
      tpu.enqueue_dma source(%dma_start3A_1106 : memref<20x128xf32, #tpu.memory_space<vmem>>) target(%dma_start3A_1103 : memref<20x128xf32, #tpu.memory_space<hbm>>) target_semaphore(%arg11 : memref<!tpu.dma_semaphore, #tpu.memory_space<semaphore_mem>>)
      %mul3A_1107 = arith.constant 16 : i32
      %mul3A_1108 = arith.muli %add3A_910, %mul3A_1107 : i32
      %add3A_1109 = arith.addi %mul3A_4, %mul3A_1108 : i32
      %add3A_1110 = arith.constant 10 : i32
      %add3A_1111 = arith.addi %add3A_1109, %add3A_1110 : i32
      %dma_start3A_1112 = arith.constant 200 : i32
      %dma_start3A_1113 = arith.constant 0 : i32
      %dma_start3A_1114 = tpu.memref_slice %arg7[%dma_start3A_1112, %dma_start3A_1113] : memref<320x128xf32, #tpu.memory_space<vmem>> -> memref<20x128xf32, #tpu.memory_space<vmem>>
      %dma_start3A_1115 = arith.constant 0 : i32
      %dma_start3A_1116 = arith.constant 0 : i32
      %dma_start3A_1117 = tpu.memref_slice %arg4[%add3A_1111, %dma_start3A_1115, %dma_start3A_1116] : memref<16384x20x128xf32, #tpu.memory_space<hbm>> -> memref<1x20x128xf32, #tpu.memory_space<hbm>>
      %dma_start3A_1118 = tpu.memref_squeeze %dma_start3A_1117 : memref<1x20x128xf32, #tpu.memory_space<hbm>> -> memref<20x128xf32, #tpu.memory_space<hbm>>
      %dma_start3A_1119 = arith.constant 0 : i32
      %dma_start3A_1120 = arith.constant 0 : i32
      %dma_start3A_1121 = tpu.memref_slice %arg4[%add3A_1111, %dma_start3A_1119, %dma_start3A_1120] : memref<16384x20x128xf32, #tpu.memory_space<hbm>> -> memref<1x20x128xf32, #tpu.memory_space<hbm>>
      %dma_start3A_1122 = tpu.memref_squeeze %dma_start3A_1121 : memref<1x20x128xf32, #tpu.memory_space<hbm>> -> memref<20x128xf32, #tpu.memory_space<hbm>>
      %dma_start3A_1123 = arith.constant 200 : i32
      %dma_start3A_1124 = arith.constant 0 : i32
      %dma_start3A_1125 = tpu.memref_slice %arg7[%dma_start3A_1123, %dma_start3A_1124] : memref<320x128xf32, #tpu.memory_space<vmem>> -> memref<20x128xf32, #tpu.memory_space<vmem>>
      tpu.enqueue_dma source(%dma_start3A_1125 : memref<20x128xf32, #tpu.memory_space<vmem>>) target(%dma_start3A_1122 : memref<20x128xf32, #tpu.memory_space<hbm>>) target_semaphore(%arg11 : memref<!tpu.dma_semaphore, #tpu.memory_space<semaphore_mem>>)
      %mul3A_1126 = arith.constant 16 : i32
      %mul3A_1127 = arith.muli %add3A_910, %mul3A_1126 : i32
      %add3A_1128 = arith.addi %mul3A_4, %mul3A_1127 : i32
      %add3A_1129 = arith.constant 11 : i32
      %add3A_1130 = arith.addi %add3A_1128, %add3A_1129 : i32
      %dma_start3A_1131 = arith.constant 220 : i32
      %dma_start3A_1132 = arith.constant 0 : i32
      %dma_start3A_1133 = tpu.memref_slice %arg7[%dma_start3A_1131, %dma_start3A_1132] : memref<320x128xf32, #tpu.memory_space<vmem>> -> memref<20x128xf32, #tpu.memory_space<vmem>>
      %dma_start3A_1134 = arith.constant 0 : i32
      %dma_start3A_1135 = arith.constant 0 : i32
      %dma_start3A_1136 = tpu.memref_slice %arg4[%add3A_1130, %dma_start3A_1134, %dma_start3A_1135] : memref<16384x20x128xf32, #tpu.memory_space<hbm>> -> memref<1x20x128xf32, #tpu.memory_space<hbm>>
      %dma_start3A_1137 = tpu.memref_squeeze %dma_start3A_1136 : memref<1x20x128xf32, #tpu.memory_space<hbm>> -> memref<20x128xf32, #tpu.memory_space<hbm>>
      %dma_start3A_1138 = arith.constant 0 : i32
      %dma_start3A_1139 = arith.constant 0 : i32
      %dma_start3A_1140 = tpu.memref_slice %arg4[%add3A_1130, %dma_start3A_1138, %dma_start3A_1139] : memref<16384x20x128xf32, #tpu.memory_space<hbm>> -> memref<1x20x128xf32, #tpu.memory_space<hbm>>
      %dma_start3A_1141 = tpu.memref_squeeze %dma_start3A_1140 : memref<1x20x128xf32, #tpu.memory_space<hbm>> -> memref<20x128xf32, #tpu.memory_space<hbm>>
      %dma_start3A_1142 = arith.constant 220 : i32
      %dma_start3A_1143 = arith.constant 0 : i32
      %dma_start3A_1144 = tpu.memref_slice %arg7[%dma_start3A_1142, %dma_start3A_1143] : memref<320x128xf32, #tpu.memory_space<vmem>> -> memref<20x128xf32, #tpu.memory_space<vmem>>
      tpu.enqueue_dma source(%dma_start3A_1144 : memref<20x128xf32, #tpu.memory_space<vmem>>) target(%dma_start3A_1141 : memref<20x128xf32, #tpu.memory_space<hbm>>) target_semaphore(%arg11 : memref<!tpu.dma_semaphore, #tpu.memory_space<semaphore_mem>>)
      %mul3A_1145 = arith.constant 16 : i32
      %mul3A_1146 = arith.muli %add3A_910, %mul3A_1145 : i32
      %add3A_1147 = arith.addi %mul3A_4, %mul3A_1146 : i32
      %add3A_1148 = arith.constant 12 : i32
      %add3A_1149 = arith.addi %add3A_1147, %add3A_1148 : i32
      %dma_start3A_1150 = arith.constant 240 : i32
      %dma_start3A_1151 = arith.constant 0 : i32
      %dma_start3A_1152 = tpu.memref_slice %arg7[%dma_start3A_1150, %dma_start3A_1151] : memref<320x128xf32, #tpu.memory_space<vmem>> -> memref<20x128xf32, #tpu.memory_space<vmem>>
      %dma_start3A_1153 = arith.constant 0 : i32
      %dma_start3A_1154 = arith.constant 0 : i32
      %dma_start3A_1155 = tpu.memref_slice %arg4[%add3A_1149, %dma_start3A_1153, %dma_start3A_1154] : memref<16384x20x128xf32, #tpu.memory_space<hbm>> -> memref<1x20x128xf32, #tpu.memory_space<hbm>>
      %dma_start3A_1156 = tpu.memref_squeeze %dma_start3A_1155 : memref<1x20x128xf32, #tpu.memory_space<hbm>> -> memref<20x128xf32, #tpu.memory_space<hbm>>
      %dma_start3A_1157 = arith.constant 0 : i32
      %dma_start3A_1158 = arith.constant 0 : i32
      %dma_start3A_1159 = tpu.memref_slice %arg4[%add3A_1149, %dma_start3A_1157, %dma_start3A_1158] : memref<16384x20x128xf32, #tpu.memory_space<hbm>> -> memref<1x20x128xf32, #tpu.memory_space<hbm>>
      %dma_start3A_1160 = tpu.memref_squeeze %dma_start3A_1159 : memref<1x20x128xf32, #tpu.memory_space<hbm>> -> memref<20x128xf32, #tpu.memory_space<hbm>>
      %dma_start3A_1161 = arith.constant 240 : i32
      %dma_start3A_1162 = arith.constant 0 : i32
      %dma_start3A_1163 = tpu.memref_slice %arg7[%dma_start3A_1161, %dma_start3A_1162] : memref<320x128xf32, #tpu.memory_space<vmem>> -> memref<20x128xf32, #tpu.memory_space<vmem>>
      tpu.enqueue_dma source(%dma_start3A_1163 : memref<20x128xf32, #tpu.memory_space<vmem>>) target(%dma_start3A_1160 : memref<20x128xf32, #tpu.memory_space<hbm>>) target_semaphore(%arg11 : memref<!tpu.dma_semaphore, #tpu.memory_space<semaphore_mem>>)
      %mul3A_1164 = arith.constant 16 : i32
      %mul3A_1165 = arith.muli %add3A_910, %mul3A_1164 : i32
      %add3A_1166 = arith.addi %mul3A_4, %mul3A_1165 : i32
      %add3A_1167 = arith.constant 13 : i32
      %add3A_1168 = arith.addi %add3A_1166, %add3A_1167 : i32
      %dma_start3A_1169 = arith.constant 260 : i32
      %dma_start3A_1170 = arith.constant 0 : i32
      %dma_start3A_1171 = tpu.memref_slice %arg7[%dma_start3A_1169, %dma_start3A_1170] : memref<320x128xf32, #tpu.memory_space<vmem>> -> memref<20x128xf32, #tpu.memory_space<vmem>>
      %dma_start3A_1172 = arith.constant 0 : i32
      %dma_start3A_1173 = arith.constant 0 : i32
      %dma_start3A_1174 = tpu.memref_slice %arg4[%add3A_1168, %dma_start3A_1172, %dma_start3A_1173] : memref<16384x20x128xf32, #tpu.memory_space<hbm>> -> memref<1x20x128xf32, #tpu.memory_space<hbm>>
      %dma_start3A_1175 = tpu.memref_squeeze %dma_start3A_1174 : memref<1x20x128xf32, #tpu.memory_space<hbm>> -> memref<20x128xf32, #tpu.memory_space<hbm>>
      %dma_start3A_1176 = arith.constant 0 : i32
      %dma_start3A_1177 = arith.constant 0 : i32
      %dma_start3A_1178 = tpu.memref_slice %arg4[%add3A_1168, %dma_start3A_1176, %dma_start3A_1177] : memref<16384x20x128xf32, #tpu.memory_space<hbm>> -> memref<1x20x128xf32, #tpu.memory_space<hbm>>
      %dma_start3A_1179 = tpu.memref_squeeze %dma_start3A_1178 : memref<1x20x128xf32, #tpu.memory_space<hbm>> -> memref<20x128xf32, #tpu.memory_space<hbm>>
      %dma_start3A_1180 = arith.constant 260 : i32
      %dma_start3A_1181 = arith.constant 0 : i32
      %dma_start3A_1182 = tpu.memref_slice %arg7[%dma_start3A_1180, %dma_start3A_1181] : memref<320x128xf32, #tpu.memory_space<vmem>> -> memref<20x128xf32, #tpu.memory_space<vmem>>
      tpu.enqueue_dma source(%dma_start3A_1182 : memref<20x128xf32, #tpu.memory_space<vmem>>) target(%dma_start3A_1179 : memref<20x128xf32, #tpu.memory_space<hbm>>) target_semaphore(%arg11 : memref<!tpu.dma_semaphore, #tpu.memory_space<semaphore_mem>>)
      %mul3A_1183 = arith.constant 16 : i32
      %mul3A_1184 = arith.muli %add3A_910, %mul3A_1183 : i32
      %add3A_1185 = arith.addi %mul3A_4, %mul3A_1184 : i32
      %add3A_1186 = arith.constant 14 : i32
      %add3A_1187 = arith.addi %add3A_1185, %add3A_1186 : i32
      %dma_start3A_1188 = arith.constant 280 : i32
      %dma_start3A_1189 = arith.constant 0 : i32
      %dma_start3A_1190 = tpu.memref_slice %arg7[%dma_start3A_1188, %dma_start3A_1189] : memref<320x128xf32, #tpu.memory_space<vmem>> -> memref<20x128xf32, #tpu.memory_space<vmem>>
      %dma_start3A_1191 = arith.constant 0 : i32
      %dma_start3A_1192 = arith.constant 0 : i32
      %dma_start3A_1193 = tpu.memref_slice %arg4[%add3A_1187, %dma_start3A_1191, %dma_start3A_1192] : memref<16384x20x128xf32, #tpu.memory_space<hbm>> -> memref<1x20x128xf32, #tpu.memory_space<hbm>>
      %dma_start3A_1194 = tpu.memref_squeeze %dma_start3A_1193 : memref<1x20x128xf32, #tpu.memory_space<hbm>> -> memref<20x128xf32, #tpu.memory_space<hbm>>
      %dma_start3A_1195 = arith.constant 0 : i32
      %dma_start3A_1196 = arith.constant 0 : i32
      %dma_start3A_1197 = tpu.memref_slice %arg4[%add3A_1187, %dma_start3A_1195, %dma_start3A_1196] : memref<16384x20x128xf32, #tpu.memory_space<hbm>> -> memref<1x20x128xf32, #tpu.memory_space<hbm>>
      %dma_start3A_1198 = tpu.memref_squeeze %dma_start3A_1197 : memref<1x20x128xf32, #tpu.memory_space<hbm>> -> memref<20x128xf32, #tpu.memory_space<hbm>>
      %dma_start3A_1199 = arith.constant 280 : i32
      %dma_start3A_1200 = arith.constant 0 : i32
      %dma_start3A_1201 = tpu.memref_slice %arg7[%dma_start3A_1199, %dma_start3A_1200] : memref<320x128xf32, #tpu.memory_space<vmem>> -> memref<20x128xf32, #tpu.memory_space<vmem>>
      tpu.enqueue_dma source(%dma_start3A_1201 : memref<20x128xf32, #tpu.memory_space<vmem>>) target(%dma_start3A_1198 : memref<20x128xf32, #tpu.memory_space<hbm>>) target_semaphore(%arg11 : memref<!tpu.dma_semaphore, #tpu.memory_space<semaphore_mem>>)
      %mul3A_1202 = arith.constant 16 : i32
      %mul3A_1203 = arith.muli %add3A_910, %mul3A_1202 : i32
      %add3A_1204 = arith.addi %mul3A_4, %mul3A_1203 : i32
      %add3A_1205 = arith.constant 15 : i32
      %add3A_1206 = arith.addi %add3A_1204, %add3A_1205 : i32
      %dma_start3A_1207 = arith.constant 300 : i32
      %dma_start3A_1208 = arith.constant 0 : i32
      %dma_start3A_1209 = tpu.memref_slice %arg7[%dma_start3A_1207, %dma_start3A_1208] : memref<320x128xf32, #tpu.memory_space<vmem>> -> memref<20x128xf32, #tpu.memory_space<vmem>>
      %dma_start3A_1210 = arith.constant 0 : i32
      %dma_start3A_1211 = arith.constant 0 : i32
      %dma_start3A_1212 = tpu.memref_slice %arg4[%add3A_1206, %dma_start3A_1210, %dma_start3A_1211] : memref<16384x20x128xf32, #tpu.memory_space<hbm>> -> memref<1x20x128xf32, #tpu.memory_space<hbm>>
      %dma_start3A_1213 = tpu.memref_squeeze %dma_start3A_1212 : memref<1x20x128xf32, #tpu.memory_space<hbm>> -> memref<20x128xf32, #tpu.memory_space<hbm>>
      %dma_start3A_1214 = arith.constant 0 : i32
      %dma_start3A_1215 = arith.constant 0 : i32
      %dma_start3A_1216 = tpu.memref_slice %arg4[%add3A_1206, %dma_start3A_1214, %dma_start3A_1215] : memref<16384x20x128xf32, #tpu.memory_space<hbm>> -> memref<1x20x128xf32, #tpu.memory_space<hbm>>
      %dma_start3A_1217 = tpu.memref_squeeze %dma_start3A_1216 : memref<1x20x128xf32, #tpu.memory_space<hbm>> -> memref<20x128xf32, #tpu.memory_space<hbm>>
      %dma_start3A_1218 = arith.constant 300 : i32
      %dma_start3A_1219 = arith.constant 0 : i32
      %dma_start3A_1220 = tpu.memref_slice %arg7[%dma_start3A_1218, %dma_start3A_1219] : memref<320x128xf32, #tpu.memory_space<vmem>> -> memref<20x128xf32, #tpu.memory_space<vmem>>
      tpu.enqueue_dma source(%dma_start3A_1220 : memref<20x128xf32, #tpu.memory_space<vmem>>) target(%dma_start3A_1217 : memref<20x128xf32, #tpu.memory_space<hbm>>) target_semaphore(%arg11 : memref<!tpu.dma_semaphore, #tpu.memory_space<semaphore_mem>>)
      %add3A_1221 = arith.constant 1 : i32
      %add3A_1222 = arith.addi %add3A_910, %add3A_1221 : i32
      %lt3A_1223 = arith.constant 32 : i32
      %lt3A_1224 = arith.cmpi slt, %add3A_1222, %lt3A_1223 : i32
      %convert_element_type3A_1225 = arith.extui %lt3A_1224 : i1 to i32
      %cond3A_1226 = arith.constant 0 : i32
      %cond3A_1227 = arith.cmpi ne, %convert_element_type3A_1225, %cond3A_1226 : i32
      scf.if %cond3A_1227 {
        %ge3A = arith.constant 1 : i32
        %ge3A_1228 = arith.cmpi sge, %add3A_910, %ge3A : i32
        %convert_element_type3A_1229 = arith.extui %ge3A_1228 : i1 to i32
        %cond3A_1230 = arith.constant 0 : i32
        %cond3A_1231 = arith.cmpi ne, %convert_element_type3A_1229, %cond3A_1230 : i32
        scf.if %cond3A_1231 {
          %sub3A = arith.constant 1 : i32
          %sub3A_1240 = arith.subi %add3A_910, %sub3A : i32
          %mul3A_1241 = arith.constant 16 : i32
          %mul3A_1242 = arith.muli %sub3A_1240, %mul3A_1241 : i32
          %add3A_1243 = arith.addi %mul3A_4, %mul3A_1242 : i32
          %add3A_1244 = arith.constant 0 : i32
          %add3A_1245 = arith.addi %add3A_1243, %add3A_1244 : i32
          %dma_wait3A_1246 = arith.constant 0 : i32
          %dma_wait3A_1247 = arith.constant 0 : i32
          %dma_wait3A_1248 = tpu.memref_slice %arg6[%dma_wait3A_1246, %dma_wait3A_1247] : memref<320x128xf32, #tpu.memory_space<vmem>> -> memref<20x128xf32, #tpu.memory_space<vmem>>
          %dma_wait3A_1249 = arith.constant 0 : i32
          %dma_wait3A_1250 = arith.constant 0 : i32
          %dma_wait3A_1251 = tpu.memref_slice %arg4[%add3A_1245, %dma_wait3A_1249, %dma_wait3A_1250] : memref<16384x20x128xf32, #tpu.memory_space<hbm>> -> memref<1x20x128xf32, #tpu.memory_space<hbm>>
          %dma_wait3A_1252 = tpu.memref_squeeze %dma_wait3A_1251 : memref<1x20x128xf32, #tpu.memory_space<hbm>> -> memref<20x128xf32, #tpu.memory_space<hbm>>
          %dma_wait3A_1253 = arith.constant 0 : i32
          %dma_wait3A_1254 = arith.constant 0 : i32
          %dma_wait3A_1255 = tpu.memref_slice %arg4[%add3A_1245, %dma_wait3A_1253, %dma_wait3A_1254] : memref<16384x20x128xf32, #tpu.memory_space<hbm>> -> memref<1x20x128xf32, #tpu.memory_space<hbm>>
          %dma_wait3A_1256 = tpu.memref_squeeze %dma_wait3A_1255 : memref<1x20x128xf32, #tpu.memory_space<hbm>> -> memref<20x128xf32, #tpu.memory_space<hbm>>
          %dma_wait3A_1257 = arith.constant 0 : i32
          %dma_wait3A_1258 = arith.constant 0 : i32
          %dma_wait3A_1259 = tpu.memref_slice %arg6[%dma_wait3A_1257, %dma_wait3A_1258] : memref<320x128xf32, #tpu.memory_space<vmem>> -> memref<20x128xf32, #tpu.memory_space<vmem>>
          tpu.wait_dma2 semaphore(%arg10 : memref<!tpu.dma_semaphore, #tpu.memory_space<semaphore_mem>>) src(%dma_wait3A_1259 : memref<20x128xf32, #tpu.memory_space<vmem>>) dst(%dma_wait3A_1256 : memref<20x128xf32, #tpu.memory_space<hbm>>)
          %mul3A_1260 = arith.constant 16 : i32
          %mul3A_1261 = arith.muli %sub3A_1240, %mul3A_1260 : i32
          %add3A_1262 = arith.addi %mul3A_4, %mul3A_1261 : i32
          %add3A_1263 = arith.constant 1 : i32
          %add3A_1264 = arith.addi %add3A_1262, %add3A_1263 : i32
          %dma_wait3A_1265 = arith.constant 20 : i32
          %dma_wait3A_1266 = arith.constant 0 : i32
          %dma_wait3A_1267 = tpu.memref_slice %arg6[%dma_wait3A_1265, %dma_wait3A_1266] : memref<320x128xf32, #tpu.memory_space<vmem>> -> memref<20x128xf32, #tpu.memory_space<vmem>>
          %dma_wait3A_1268 = arith.constant 0 : i32
          %dma_wait3A_1269 = arith.constant 0 : i32
          %dma_wait3A_1270 = tpu.memref_slice %arg4[%add3A_1264, %dma_wait3A_1268, %dma_wait3A_1269] : memref<16384x20x128xf32, #tpu.memory_space<hbm>> -> memref<1x20x128xf32, #tpu.memory_space<hbm>>
          %dma_wait3A_1271 = tpu.memref_squeeze %dma_wait3A_1270 : memref<1x20x128xf32, #tpu.memory_space<hbm>> -> memref<20x128xf32, #tpu.memory_space<hbm>>
          %dma_wait3A_1272 = arith.constant 0 : i32
          %dma_wait3A_1273 = arith.constant 0 : i32
          %dma_wait3A_1274 = tpu.memref_slice %arg4[%add3A_1264, %dma_wait3A_1272, %dma_wait3A_1273] : memref<16384x20x128xf32, #tpu.memory_space<hbm>> -> memref<1x20x128xf32, #tpu.memory_space<hbm>>
          %dma_wait3A_1275 = tpu.memref_squeeze %dma_wait3A_1274 : memref<1x20x128xf32, #tpu.memory_space<hbm>> -> memref<20x128xf32, #tpu.memory_space<hbm>>
          %dma_wait3A_1276 = arith.constant 20 : i32
          %dma_wait3A_1277 = arith.constant 0 : i32
          %dma_wait3A_1278 = tpu.memref_slice %arg6[%dma_wait3A_1276, %dma_wait3A_1277] : memref<320x128xf32, #tpu.memory_space<vmem>> -> memref<20x128xf32, #tpu.memory_space<vmem>>
          tpu.wait_dma2 semaphore(%arg10 : memref<!tpu.dma_semaphore, #tpu.memory_space<semaphore_mem>>) src(%dma_wait3A_1278 : memref<20x128xf32, #tpu.memory_space<vmem>>) dst(%dma_wait3A_1275 : memref<20x128xf32, #tpu.memory_space<hbm>>)
          %mul3A_1279 = arith.constant 16 : i32
          %mul3A_1280 = arith.muli %sub3A_1240, %mul3A_1279 : i32
          %add3A_1281 = arith.addi %mul3A_4, %mul3A_1280 : i32
          %add3A_1282 = arith.constant 2 : i32
          %add3A_1283 = arith.addi %add3A_1281, %add3A_1282 : i32
          %dma_wait3A_1284 = arith.constant 40 : i32
          %dma_wait3A_1285 = arith.constant 0 : i32
          %dma_wait3A_1286 = tpu.memref_slice %arg6[%dma_wait3A_1284, %dma_wait3A_1285] : memref<320x128xf32, #tpu.memory_space<vmem>> -> memref<20x128xf32, #tpu.memory_space<vmem>>
          %dma_wait3A_1287 = arith.constant 0 : i32
          %dma_wait3A_1288 = arith.constant 0 : i32
          %dma_wait3A_1289 = tpu.memref_slice %arg4[%add3A_1283, %dma_wait3A_1287, %dma_wait3A_1288] : memref<16384x20x128xf32, #tpu.memory_space<hbm>> -> memref<1x20x128xf32, #tpu.memory_space<hbm>>
          %dma_wait3A_1290 = tpu.memref_squeeze %dma_wait3A_1289 : memref<1x20x128xf32, #tpu.memory_space<hbm>> -> memref<20x128xf32, #tpu.memory_space<hbm>>
          %dma_wait3A_1291 = arith.constant 0 : i32
          %dma_wait3A_1292 = arith.constant 0 : i32
          %dma_wait3A_1293 = tpu.memref_slice %arg4[%add3A_1283, %dma_wait3A_1291, %dma_wait3A_1292] : memref<16384x20x128xf32, #tpu.memory_space<hbm>> -> memref<1x20x128xf32, #tpu.memory_space<hbm>>
          %dma_wait3A_1294 = tpu.memref_squeeze %dma_wait3A_1293 : memref<1x20x128xf32, #tpu.memory_space<hbm>> -> memref<20x128xf32, #tpu.memory_space<hbm>>
          %dma_wait3A_1295 = arith.constant 40 : i32
          %dma_wait3A_1296 = arith.constant 0 : i32
          %dma_wait3A_1297 = tpu.memref_slice %arg6[%dma_wait3A_1295, %dma_wait3A_1296] : memref<320x128xf32, #tpu.memory_space<vmem>> -> memref<20x128xf32, #tpu.memory_space<vmem>>
          tpu.wait_dma2 semaphore(%arg10 : memref<!tpu.dma_semaphore, #tpu.memory_space<semaphore_mem>>) src(%dma_wait3A_1297 : memref<20x128xf32, #tpu.memory_space<vmem>>) dst(%dma_wait3A_1294 : memref<20x128xf32, #tpu.memory_space<hbm>>)
          %mul3A_1298 = arith.constant 16 : i32
          %mul3A_1299 = arith.muli %sub3A_1240, %mul3A_1298 : i32
          %add3A_1300 = arith.addi %mul3A_4, %mul3A_1299 : i32
          %add3A_1301 = arith.constant 3 : i32
          %add3A_1302 = arith.addi %add3A_1300, %add3A_1301 : i32
          %dma_wait3A_1303 = arith.constant 60 : i32
          %dma_wait3A_1304 = arith.constant 0 : i32
          %dma_wait3A_1305 = tpu.memref_slice %arg6[%dma_wait3A_1303, %dma_wait3A_1304] : memref<320x128xf32, #tpu.memory_space<vmem>> -> memref<20x128xf32, #tpu.memory_space<vmem>>
          %dma_wait3A_1306 = arith.constant 0 : i32
          %dma_wait3A_1307 = arith.constant 0 : i32
          %dma_wait3A_1308 = tpu.memref_slice %arg4[%add3A_1302, %dma_wait3A_1306, %dma_wait3A_1307] : memref<16384x20x128xf32, #tpu.memory_space<hbm>> -> memref<1x20x128xf32, #tpu.memory_space<hbm>>
          %dma_wait3A_1309 = tpu.memref_squeeze %dma_wait3A_1308 : memref<1x20x128xf32, #tpu.memory_space<hbm>> -> memref<20x128xf32, #tpu.memory_space<hbm>>
          %dma_wait3A_1310 = arith.constant 0 : i32
          %dma_wait3A_1311 = arith.constant 0 : i32
          %dma_wait3A_1312 = tpu.memref_slice %arg4[%add3A_1302, %dma_wait3A_1310, %dma_wait3A_1311] : memref<16384x20x128xf32, #tpu.memory_space<hbm>> -> memref<1x20x128xf32, #tpu.memory_space<hbm>>
          %dma_wait3A_1313 = tpu.memref_squeeze %dma_wait3A_1312 : memref<1x20x128xf32, #tpu.memory_space<hbm>> -> memref<20x128xf32, #tpu.memory_space<hbm>>
          %dma_wait3A_1314 = arith.constant 60 : i32
          %dma_wait3A_1315 = arith.constant 0 : i32
          %dma_wait3A_1316 = tpu.memref_slice %arg6[%dma_wait3A_1314, %dma_wait3A_1315] : memref<320x128xf32, #tpu.memory_space<vmem>> -> memref<20x128xf32, #tpu.memory_space<vmem>>
          tpu.wait_dma2 semaphore(%arg10 : memref<!tpu.dma_semaphore, #tpu.memory_space<semaphore_mem>>) src(%dma_wait3A_1316 : memref<20x128xf32, #tpu.memory_space<vmem>>) dst(%dma_wait3A_1313 : memref<20x128xf32, #tpu.memory_space<hbm>>)
          %mul3A_1317 = arith.constant 16 : i32
          %mul3A_1318 = arith.muli %sub3A_1240, %mul3A_1317 : i32
          %add3A_1319 = arith.addi %mul3A_4, %mul3A_1318 : i32
          %add3A_1320 = arith.constant 4 : i32
          %add3A_1321 = arith.addi %add3A_1319, %add3A_1320 : i32
          %dma_wait3A_1322 = arith.constant 80 : i32
          %dma_wait3A_1323 = arith.constant 0 : i32
          %dma_wait3A_1324 = tpu.memref_slice %arg6[%dma_wait3A_1322, %dma_wait3A_1323] : memref<320x128xf32, #tpu.memory_space<vmem>> -> memref<20x128xf32, #tpu.memory_space<vmem>>
          %dma_wait3A_1325 = arith.constant 0 : i32
          %dma_wait3A_1326 = arith.constant 0 : i32
          %dma_wait3A_1327 = tpu.memref_slice %arg4[%add3A_1321, %dma_wait3A_1325, %dma_wait3A_1326] : memref<16384x20x128xf32, #tpu.memory_space<hbm>> -> memref<1x20x128xf32, #tpu.memory_space<hbm>>
          %dma_wait3A_1328 = tpu.memref_squeeze %dma_wait3A_1327 : memref<1x20x128xf32, #tpu.memory_space<hbm>> -> memref<20x128xf32, #tpu.memory_space<hbm>>
          %dma_wait3A_1329 = arith.constant 0 : i32
          %dma_wait3A_1330 = arith.constant 0 : i32
          %dma_wait3A_1331 = tpu.memref_slice %arg4[%add3A_1321, %dma_wait3A_1329, %dma_wait3A_1330] : memref<16384x20x128xf32, #tpu.memory_space<hbm>> -> memref<1x20x128xf32, #tpu.memory_space<hbm>>
          %dma_wait3A_1332 = tpu.memref_squeeze %dma_wait3A_1331 : memref<1x20x128xf32, #tpu.memory_space<hbm>> -> memref<20x128xf32, #tpu.memory_space<hbm>>
          %dma_wait3A_1333 = arith.constant 80 : i32
          %dma_wait3A_1334 = arith.constant 0 : i32
          %dma_wait3A_1335 = tpu.memref_slice %arg6[%dma_wait3A_1333, %dma_wait3A_1334] : memref<320x128xf32, #tpu.memory_space<vmem>> -> memref<20x128xf32, #tpu.memory_space<vmem>>
          tpu.wait_dma2 semaphore(%arg10 : memref<!tpu.dma_semaphore, #tpu.memory_space<semaphore_mem>>) src(%dma_wait3A_1335 : memref<20x128xf32, #tpu.memory_space<vmem>>) dst(%dma_wait3A_1332 : memref<20x128xf32, #tpu.memory_space<hbm>>)
          %mul3A_1336 = arith.constant 16 : i32
          %mul3A_1337 = arith.muli %sub3A_1240, %mul3A_1336 : i32
          %add3A_1338 = arith.addi %mul3A_4, %mul3A_1337 : i32
          %add3A_1339 = arith.constant 5 : i32
          %add3A_1340 = arith.addi %add3A_1338, %add3A_1339 : i32
          %dma_wait3A_1341 = arith.constant 100 : i32
          %dma_wait3A_1342 = arith.constant 0 : i32
          %dma_wait3A_1343 = tpu.memref_slice %arg6[%dma_wait3A_1341, %dma_wait3A_1342] : memref<320x128xf32, #tpu.memory_space<vmem>> -> memref<20x128xf32, #tpu.memory_space<vmem>>
          %dma_wait3A_1344 = arith.constant 0 : i32
          %dma_wait3A_1345 = arith.constant 0 : i32
          %dma_wait3A_1346 = tpu.memref_slice %arg4[%add3A_1340, %dma_wait3A_1344, %dma_wait3A_1345] : memref<16384x20x128xf32, #tpu.memory_space<hbm>> -> memref<1x20x128xf32, #tpu.memory_space<hbm>>
          %dma_wait3A_1347 = tpu.memref_squeeze %dma_wait3A_1346 : memref<1x20x128xf32, #tpu.memory_space<hbm>> -> memref<20x128xf32, #tpu.memory_space<hbm>>
          %dma_wait3A_1348 = arith.constant 0 : i32
          %dma_wait3A_1349 = arith.constant 0 : i32
          %dma_wait3A_1350 = tpu.memref_slice %arg4[%add3A_1340, %dma_wait3A_1348, %dma_wait3A_1349] : memref<16384x20x128xf32, #tpu.memory_space<hbm>> -> memref<1x20x128xf32, #tpu.memory_space<hbm>>
          %dma_wait3A_1351 = tpu.memref_squeeze %dma_wait3A_1350 : memref<1x20x128xf32, #tpu.memory_space<hbm>> -> memref<20x128xf32, #tpu.memory_space<hbm>>
          %dma_wait3A_1352 = arith.constant 100 : i32
          %dma_wait3A_1353 = arith.constant 0 : i32
          %dma_wait3A_1354 = tpu.memref_slice %arg6[%dma_wait3A_1352, %dma_wait3A_1353] : memref<320x128xf32, #tpu.memory_space<vmem>> -> memref<20x128xf32, #tpu.memory_space<vmem>>
          tpu.wait_dma2 semaphore(%arg10 : memref<!tpu.dma_semaphore, #tpu.memory_space<semaphore_mem>>) src(%dma_wait3A_1354 : memref<20x128xf32, #tpu.memory_space<vmem>>) dst(%dma_wait3A_1351 : memref<20x128xf32, #tpu.memory_space<hbm>>)
          %mul3A_1355 = arith.constant 16 : i32
          %mul3A_1356 = arith.muli %sub3A_1240, %mul3A_1355 : i32
          %add3A_1357 = arith.addi %mul3A_4, %mul3A_1356 : i32
          %add3A_1358 = arith.constant 6 : i32
          %add3A_1359 = arith.addi %add3A_1357, %add3A_1358 : i32
          %dma_wait3A_1360 = arith.constant 120 : i32
          %dma_wait3A_1361 = arith.constant 0 : i32
          %dma_wait3A_1362 = tpu.memref_slice %arg6[%dma_wait3A_1360, %dma_wait3A_1361] : memref<320x128xf32, #tpu.memory_space<vmem>> -> memref<20x128xf32, #tpu.memory_space<vmem>>
          %dma_wait3A_1363 = arith.constant 0 : i32
          %dma_wait3A_1364 = arith.constant 0 : i32
          %dma_wait3A_1365 = tpu.memref_slice %arg4[%add3A_1359, %dma_wait3A_1363, %dma_wait3A_1364] : memref<16384x20x128xf32, #tpu.memory_space<hbm>> -> memref<1x20x128xf32, #tpu.memory_space<hbm>>
          %dma_wait3A_1366 = tpu.memref_squeeze %dma_wait3A_1365 : memref<1x20x128xf32, #tpu.memory_space<hbm>> -> memref<20x128xf32, #tpu.memory_space<hbm>>
          %dma_wait3A_1367 = arith.constant 0 : i32
          %dma_wait3A_1368 = arith.constant 0 : i32
          %dma_wait3A_1369 = tpu.memref_slice %arg4[%add3A_1359, %dma_wait3A_1367, %dma_wait3A_1368] : memref<16384x20x128xf32, #tpu.memory_space<hbm>> -> memref<1x20x128xf32, #tpu.memory_space<hbm>>
          %dma_wait3A_1370 = tpu.memref_squeeze %dma_wait3A_1369 : memref<1x20x128xf32, #tpu.memory_space<hbm>> -> memref<20x128xf32, #tpu.memory_space<hbm>>
          %dma_wait3A_1371 = arith.constant 120 : i32
          %dma_wait3A_1372 = arith.constant 0 : i32
          %dma_wait3A_1373 = tpu.memref_slice %arg6[%dma_wait3A_1371, %dma_wait3A_1372] : memref<320x128xf32, #tpu.memory_space<vmem>> -> memref<20x128xf32, #tpu.memory_space<vmem>>
          tpu.wait_dma2 semaphore(%arg10 : memref<!tpu.dma_semaphore, #tpu.memory_space<semaphore_mem>>) src(%dma_wait3A_1373 : memref<20x128xf32, #tpu.memory_space<vmem>>) dst(%dma_wait3A_1370 : memref<20x128xf32, #tpu.memory_space<hbm>>)
          %mul3A_1374 = arith.constant 16 : i32
          %mul3A_1375 = arith.muli %sub3A_1240, %mul3A_1374 : i32
          %add3A_1376 = arith.addi %mul3A_4, %mul3A_1375 : i32
          %add3A_1377 = arith.constant 7 : i32
          %add3A_1378 = arith.addi %add3A_1376, %add3A_1377 : i32
          %dma_wait3A_1379 = arith.constant 140 : i32
          %dma_wait3A_1380 = arith.constant 0 : i32
          %dma_wait3A_1381 = tpu.memref_slice %arg6[%dma_wait3A_1379, %dma_wait3A_1380] : memref<320x128xf32, #tpu.memory_space<vmem>> -> memref<20x128xf32, #tpu.memory_space<vmem>>
          %dma_wait3A_1382 = arith.constant 0 : i32
          %dma_wait3A_1383 = arith.constant 0 : i32
          %dma_wait3A_1384 = tpu.memref_slice %arg4[%add3A_1378, %dma_wait3A_1382, %dma_wait3A_1383] : memref<16384x20x128xf32, #tpu.memory_space<hbm>> -> memref<1x20x128xf32, #tpu.memory_space<hbm>>
          %dma_wait3A_1385 = tpu.memref_squeeze %dma_wait3A_1384 : memref<1x20x128xf32, #tpu.memory_space<hbm>> -> memref<20x128xf32, #tpu.memory_space<hbm>>
          %dma_wait3A_1386 = arith.constant 0 : i32
          %dma_wait3A_1387 = arith.constant 0 : i32
          %dma_wait3A_1388 = tpu.memref_slice %arg4[%add3A_1378, %dma_wait3A_1386, %dma_wait3A_1387] : memref<16384x20x128xf32, #tpu.memory_space<hbm>> -> memref<1x20x128xf32, #tpu.memory_space<hbm>>
          %dma_wait3A_1389 = tpu.memref_squeeze %dma_wait3A_1388 : memref<1x20x128xf32, #tpu.memory_space<hbm>> -> memref<20x128xf32, #tpu.memory_space<hbm>>
          %dma_wait3A_1390 = arith.constant 140 : i32
          %dma_wait3A_1391 = arith.constant 0 : i32
          %dma_wait3A_1392 = tpu.memref_slice %arg6[%dma_wait3A_1390, %dma_wait3A_1391] : memref<320x128xf32, #tpu.memory_space<vmem>> -> memref<20x128xf32, #tpu.memory_space<vmem>>
          tpu.wait_dma2 semaphore(%arg10 : memref<!tpu.dma_semaphore, #tpu.memory_space<semaphore_mem>>) src(%dma_wait3A_1392 : memref<20x128xf32, #tpu.memory_space<vmem>>) dst(%dma_wait3A_1389 : memref<20x128xf32, #tpu.memory_space<hbm>>)
          %mul3A_1393 = arith.constant 16 : i32
          %mul3A_1394 = arith.muli %sub3A_1240, %mul3A_1393 : i32
          %add3A_1395 = arith.addi %mul3A_4, %mul3A_1394 : i32
          %add3A_1396 = arith.constant 8 : i32
          %add3A_1397 = arith.addi %add3A_1395, %add3A_1396 : i32
          %dma_wait3A_1398 = arith.constant 160 : i32
          %dma_wait3A_1399 = arith.constant 0 : i32
          %dma_wait3A_1400 = tpu.memref_slice %arg6[%dma_wait3A_1398, %dma_wait3A_1399] : memref<320x128xf32, #tpu.memory_space<vmem>> -> memref<20x128xf32, #tpu.memory_space<vmem>>
          %dma_wait3A_1401 = arith.constant 0 : i32
          %dma_wait3A_1402 = arith.constant 0 : i32
          %dma_wait3A_1403 = tpu.memref_slice %arg4[%add3A_1397, %dma_wait3A_1401, %dma_wait3A_1402] : memref<16384x20x128xf32, #tpu.memory_space<hbm>> -> memref<1x20x128xf32, #tpu.memory_space<hbm>>
          %dma_wait3A_1404 = tpu.memref_squeeze %dma_wait3A_1403 : memref<1x20x128xf32, #tpu.memory_space<hbm>> -> memref<20x128xf32, #tpu.memory_space<hbm>>
          %dma_wait3A_1405 = arith.constant 0 : i32
          %dma_wait3A_1406 = arith.constant 0 : i32
          %dma_wait3A_1407 = tpu.memref_slice %arg4[%add3A_1397, %dma_wait3A_1405, %dma_wait3A_1406] : memref<16384x20x128xf32, #tpu.memory_space<hbm>> -> memref<1x20x128xf32, #tpu.memory_space<hbm>>
          %dma_wait3A_1408 = tpu.memref_squeeze %dma_wait3A_1407 : memref<1x20x128xf32, #tpu.memory_space<hbm>> -> memref<20x128xf32, #tpu.memory_space<hbm>>
          %dma_wait3A_1409 = arith.constant 160 : i32
          %dma_wait3A_1410 = arith.constant 0 : i32
          %dma_wait3A_1411 = tpu.memref_slice %arg6[%dma_wait3A_1409, %dma_wait3A_1410] : memref<320x128xf32, #tpu.memory_space<vmem>> -> memref<20x128xf32, #tpu.memory_space<vmem>>
          tpu.wait_dma2 semaphore(%arg10 : memref<!tpu.dma_semaphore, #tpu.memory_space<semaphore_mem>>) src(%dma_wait3A_1411 : memref<20x128xf32, #tpu.memory_space<vmem>>) dst(%dma_wait3A_1408 : memref<20x128xf32, #tpu.memory_space<hbm>>)
          %mul3A_1412 = arith.constant 16 : i32
          %mul3A_1413 = arith.muli %sub3A_1240, %mul3A_1412 : i32
          %add3A_1414 = arith.addi %mul3A_4, %mul3A_1413 : i32
          %add3A_1415 = arith.constant 9 : i32
          %add3A_1416 = arith.addi %add3A_1414, %add3A_1415 : i32
          %dma_wait3A_1417 = arith.constant 180 : i32
          %dma_wait3A_1418 = arith.constant 0 : i32
          %dma_wait3A_1419 = tpu.memref_slice %arg6[%dma_wait3A_1417, %dma_wait3A_1418] : memref<320x128xf32, #tpu.memory_space<vmem>> -> memref<20x128xf32, #tpu.memory_space<vmem>>
          %dma_wait3A_1420 = arith.constant 0 : i32
          %dma_wait3A_1421 = arith.constant 0 : i32
          %dma_wait3A_1422 = tpu.memref_slice %arg4[%add3A_1416, %dma_wait3A_1420, %dma_wait3A_1421] : memref<16384x20x128xf32, #tpu.memory_space<hbm>> -> memref<1x20x128xf32, #tpu.memory_space<hbm>>
          %dma_wait3A_1423 = tpu.memref_squeeze %dma_wait3A_1422 : memref<1x20x128xf32, #tpu.memory_space<hbm>> -> memref<20x128xf32, #tpu.memory_space<hbm>>
          %dma_wait3A_1424 = arith.constant 0 : i32
          %dma_wait3A_1425 = arith.constant 0 : i32
          %dma_wait3A_1426 = tpu.memref_slice %arg4[%add3A_1416, %dma_wait3A_1424, %dma_wait3A_1425] : memref<16384x20x128xf32, #tpu.memory_space<hbm>> -> memref<1x20x128xf32, #tpu.memory_space<hbm>>
          %dma_wait3A_1427 = tpu.memref_squeeze %dma_wait3A_1426 : memref<1x20x128xf32, #tpu.memory_space<hbm>> -> memref<20x128xf32, #tpu.memory_space<hbm>>
          %dma_wait3A_1428 = arith.constant 180 : i32
          %dma_wait3A_1429 = arith.constant 0 : i32
          %dma_wait3A_1430 = tpu.memref_slice %arg6[%dma_wait3A_1428, %dma_wait3A_1429] : memref<320x128xf32, #tpu.memory_space<vmem>> -> memref<20x128xf32, #tpu.memory_space<vmem>>
          tpu.wait_dma2 semaphore(%arg10 : memref<!tpu.dma_semaphore, #tpu.memory_space<semaphore_mem>>) src(%dma_wait3A_1430 : memref<20x128xf32, #tpu.memory_space<vmem>>) dst(%dma_wait3A_1427 : memref<20x128xf32, #tpu.memory_space<hbm>>)
          %mul3A_1431 = arith.constant 16 : i32
          %mul3A_1432 = arith.muli %sub3A_1240, %mul3A_1431 : i32
          %add3A_1433 = arith.addi %mul3A_4, %mul3A_1432 : i32
          %add3A_1434 = arith.constant 10 : i32
          %add3A_1435 = arith.addi %add3A_1433, %add3A_1434 : i32
          %dma_wait3A_1436 = arith.constant 200 : i32
          %dma_wait3A_1437 = arith.constant 0 : i32
          %dma_wait3A_1438 = tpu.memref_slice %arg6[%dma_wait3A_1436, %dma_wait3A_1437] : memref<320x128xf32, #tpu.memory_space<vmem>> -> memref<20x128xf32, #tpu.memory_space<vmem>>
          %dma_wait3A_1439 = arith.constant 0 : i32
          %dma_wait3A_1440 = arith.constant 0 : i32
          %dma_wait3A_1441 = tpu.memref_slice %arg4[%add3A_1435, %dma_wait3A_1439, %dma_wait3A_1440] : memref<16384x20x128xf32, #tpu.memory_space<hbm>> -> memref<1x20x128xf32, #tpu.memory_space<hbm>>
          %dma_wait3A_1442 = tpu.memref_squeeze %dma_wait3A_1441 : memref<1x20x128xf32, #tpu.memory_space<hbm>> -> memref<20x128xf32, #tpu.memory_space<hbm>>
          %dma_wait3A_1443 = arith.constant 0 : i32
          %dma_wait3A_1444 = arith.constant 0 : i32
          %dma_wait3A_1445 = tpu.memref_slice %arg4[%add3A_1435, %dma_wait3A_1443, %dma_wait3A_1444] : memref<16384x20x128xf32, #tpu.memory_space<hbm>> -> memref<1x20x128xf32, #tpu.memory_space<hbm>>
          %dma_wait3A_1446 = tpu.memref_squeeze %dma_wait3A_1445 : memref<1x20x128xf32, #tpu.memory_space<hbm>> -> memref<20x128xf32, #tpu.memory_space<hbm>>
          %dma_wait3A_1447 = arith.constant 200 : i32
          %dma_wait3A_1448 = arith.constant 0 : i32
          %dma_wait3A_1449 = tpu.memref_slice %arg6[%dma_wait3A_1447, %dma_wait3A_1448] : memref<320x128xf32, #tpu.memory_space<vmem>> -> memref<20x128xf32, #tpu.memory_space<vmem>>
          tpu.wait_dma2 semaphore(%arg10 : memref<!tpu.dma_semaphore, #tpu.memory_space<semaphore_mem>>) src(%dma_wait3A_1449 : memref<20x128xf32, #tpu.memory_space<vmem>>) dst(%dma_wait3A_1446 : memref<20x128xf32, #tpu.memory_space<hbm>>)
          %mul3A_1450 = arith.constant 16 : i32
          %mul3A_1451 = arith.muli %sub3A_1240, %mul3A_1450 : i32
          %add3A_1452 = arith.addi %mul3A_4, %mul3A_1451 : i32
          %add3A_1453 = arith.constant 11 : i32
          %add3A_1454 = arith.addi %add3A_1452, %add3A_1453 : i32
          %dma_wait3A_1455 = arith.constant 220 : i32
          %dma_wait3A_1456 = arith.constant 0 : i32
          %dma_wait3A_1457 = tpu.memref_slice %arg6[%dma_wait3A_1455, %dma_wait3A_1456] : memref<320x128xf32, #tpu.memory_space<vmem>> -> memref<20x128xf32, #tpu.memory_space<vmem>>
          %dma_wait3A_1458 = arith.constant 0 : i32
          %dma_wait3A_1459 = arith.constant 0 : i32
          %dma_wait3A_1460 = tpu.memref_slice %arg4[%add3A_1454, %dma_wait3A_1458, %dma_wait3A_1459] : memref<16384x20x128xf32, #tpu.memory_space<hbm>> -> memref<1x20x128xf32, #tpu.memory_space<hbm>>
          %dma_wait3A_1461 = tpu.memref_squeeze %dma_wait3A_1460 : memref<1x20x128xf32, #tpu.memory_space<hbm>> -> memref<20x128xf32, #tpu.memory_space<hbm>>
          %dma_wait3A_1462 = arith.constant 0 : i32
          %dma_wait3A_1463 = arith.constant 0 : i32
          %dma_wait3A_1464 = tpu.memref_slice %arg4[%add3A_1454, %dma_wait3A_1462, %dma_wait3A_1463] : memref<16384x20x128xf32, #tpu.memory_space<hbm>> -> memref<1x20x128xf32, #tpu.memory_space<hbm>>
          %dma_wait3A_1465 = tpu.memref_squeeze %dma_wait3A_1464 : memref<1x20x128xf32, #tpu.memory_space<hbm>> -> memref<20x128xf32, #tpu.memory_space<hbm>>
          %dma_wait3A_1466 = arith.constant 220 : i32
          %dma_wait3A_1467 = arith.constant 0 : i32
          %dma_wait3A_1468 = tpu.memref_slice %arg6[%dma_wait3A_1466, %dma_wait3A_1467] : memref<320x128xf32, #tpu.memory_space<vmem>> -> memref<20x128xf32, #tpu.memory_space<vmem>>
          tpu.wait_dma2 semaphore(%arg10 : memref<!tpu.dma_semaphore, #tpu.memory_space<semaphore_mem>>) src(%dma_wait3A_1468 : memref<20x128xf32, #tpu.memory_space<vmem>>) dst(%dma_wait3A_1465 : memref<20x128xf32, #tpu.memory_space<hbm>>)
          %mul3A_1469 = arith.constant 16 : i32
          %mul3A_1470 = arith.muli %sub3A_1240, %mul3A_1469 : i32
          %add3A_1471 = arith.addi %mul3A_4, %mul3A_1470 : i32
          %add3A_1472 = arith.constant 12 : i32
          %add3A_1473 = arith.addi %add3A_1471, %add3A_1472 : i32
          %dma_wait3A_1474 = arith.constant 240 : i32
          %dma_wait3A_1475 = arith.constant 0 : i32
          %dma_wait3A_1476 = tpu.memref_slice %arg6[%dma_wait3A_1474, %dma_wait3A_1475] : memref<320x128xf32, #tpu.memory_space<vmem>> -> memref<20x128xf32, #tpu.memory_space<vmem>>
          %dma_wait3A_1477 = arith.constant 0 : i32
          %dma_wait3A_1478 = arith.constant 0 : i32
          %dma_wait3A_1479 = tpu.memref_slice %arg4[%add3A_1473, %dma_wait3A_1477, %dma_wait3A_1478] : memref<16384x20x128xf32, #tpu.memory_space<hbm>> -> memref<1x20x128xf32, #tpu.memory_space<hbm>>
          %dma_wait3A_1480 = tpu.memref_squeeze %dma_wait3A_1479 : memref<1x20x128xf32, #tpu.memory_space<hbm>> -> memref<20x128xf32, #tpu.memory_space<hbm>>
          %dma_wait3A_1481 = arith.constant 0 : i32
          %dma_wait3A_1482 = arith.constant 0 : i32
          %dma_wait3A_1483 = tpu.memref_slice %arg4[%add3A_1473, %dma_wait3A_1481, %dma_wait3A_1482] : memref<16384x20x128xf32, #tpu.memory_space<hbm>> -> memref<1x20x128xf32, #tpu.memory_space<hbm>>
          %dma_wait3A_1484 = tpu.memref_squeeze %dma_wait3A_1483 : memref<1x20x128xf32, #tpu.memory_space<hbm>> -> memref<20x128xf32, #tpu.memory_space<hbm>>
          %dma_wait3A_1485 = arith.constant 240 : i32
          %dma_wait3A_1486 = arith.constant 0 : i32
          %dma_wait3A_1487 = tpu.memref_slice %arg6[%dma_wait3A_1485, %dma_wait3A_1486] : memref<320x128xf32, #tpu.memory_space<vmem>> -> memref<20x128xf32, #tpu.memory_space<vmem>>
          tpu.wait_dma2 semaphore(%arg10 : memref<!tpu.dma_semaphore, #tpu.memory_space<semaphore_mem>>) src(%dma_wait3A_1487 : memref<20x128xf32, #tpu.memory_space<vmem>>) dst(%dma_wait3A_1484 : memref<20x128xf32, #tpu.memory_space<hbm>>)
          %mul3A_1488 = arith.constant 16 : i32
          %mul3A_1489 = arith.muli %sub3A_1240, %mul3A_1488 : i32
          %add3A_1490 = arith.addi %mul3A_4, %mul3A_1489 : i32
          %add3A_1491 = arith.constant 13 : i32
          %add3A_1492 = arith.addi %add3A_1490, %add3A_1491 : i32
          %dma_wait3A_1493 = arith.constant 260 : i32
          %dma_wait3A_1494 = arith.constant 0 : i32
          %dma_wait3A_1495 = tpu.memref_slice %arg6[%dma_wait3A_1493, %dma_wait3A_1494] : memref<320x128xf32, #tpu.memory_space<vmem>> -> memref<20x128xf32, #tpu.memory_space<vmem>>
          %dma_wait3A_1496 = arith.constant 0 : i32
          %dma_wait3A_1497 = arith.constant 0 : i32
          %dma_wait3A_1498 = tpu.memref_slice %arg4[%add3A_1492, %dma_wait3A_1496, %dma_wait3A_1497] : memref<16384x20x128xf32, #tpu.memory_space<hbm>> -> memref<1x20x128xf32, #tpu.memory_space<hbm>>
          %dma_wait3A_1499 = tpu.memref_squeeze %dma_wait3A_1498 : memref<1x20x128xf32, #tpu.memory_space<hbm>> -> memref<20x128xf32, #tpu.memory_space<hbm>>
          %dma_wait3A_1500 = arith.constant 0 : i32
          %dma_wait3A_1501 = arith.constant 0 : i32
          %dma_wait3A_1502 = tpu.memref_slice %arg4[%add3A_1492, %dma_wait3A_1500, %dma_wait3A_1501] : memref<16384x20x128xf32, #tpu.memory_space<hbm>> -> memref<1x20x128xf32, #tpu.memory_space<hbm>>
          %dma_wait3A_1503 = tpu.memref_squeeze %dma_wait3A_1502 : memref<1x20x128xf32, #tpu.memory_space<hbm>> -> memref<20x128xf32, #tpu.memory_space<hbm>>
          %dma_wait3A_1504 = arith.constant 260 : i32
          %dma_wait3A_1505 = arith.constant 0 : i32
          %dma_wait3A_1506 = tpu.memref_slice %arg6[%dma_wait3A_1504, %dma_wait3A_1505] : memref<320x128xf32, #tpu.memory_space<vmem>> -> memref<20x128xf32, #tpu.memory_space<vmem>>
          tpu.wait_dma2 semaphore(%arg10 : memref<!tpu.dma_semaphore, #tpu.memory_space<semaphore_mem>>) src(%dma_wait3A_1506 : memref<20x128xf32, #tpu.memory_space<vmem>>) dst(%dma_wait3A_1503 : memref<20x128xf32, #tpu.memory_space<hbm>>)
          %mul3A_1507 = arith.constant 16 : i32
          %mul3A_1508 = arith.muli %sub3A_1240, %mul3A_1507 : i32
          %add3A_1509 = arith.addi %mul3A_4, %mul3A_1508 : i32
          %add3A_1510 = arith.constant 14 : i32
          %add3A_1511 = arith.addi %add3A_1509, %add3A_1510 : i32
          %dma_wait3A_1512 = arith.constant 280 : i32
          %dma_wait3A_1513 = arith.constant 0 : i32
          %dma_wait3A_1514 = tpu.memref_slice %arg6[%dma_wait3A_1512, %dma_wait3A_1513] : memref<320x128xf32, #tpu.memory_space<vmem>> -> memref<20x128xf32, #tpu.memory_space<vmem>>
          %dma_wait3A_1515 = arith.constant 0 : i32
          %dma_wait3A_1516 = arith.constant 0 : i32
          %dma_wait3A_1517 = tpu.memref_slice %arg4[%add3A_1511, %dma_wait3A_1515, %dma_wait3A_1516] : memref<16384x20x128xf32, #tpu.memory_space<hbm>> -> memref<1x20x128xf32, #tpu.memory_space<hbm>>
          %dma_wait3A_1518 = tpu.memref_squeeze %dma_wait3A_1517 : memref<1x20x128xf32, #tpu.memory_space<hbm>> -> memref<20x128xf32, #tpu.memory_space<hbm>>
          %dma_wait3A_1519 = arith.constant 0 : i32
          %dma_wait3A_1520 = arith.constant 0 : i32
          %dma_wait3A_1521 = tpu.memref_slice %arg4[%add3A_1511, %dma_wait3A_1519, %dma_wait3A_1520] : memref<16384x20x128xf32, #tpu.memory_space<hbm>> -> memref<1x20x128xf32, #tpu.memory_space<hbm>>
          %dma_wait3A_1522 = tpu.memref_squeeze %dma_wait3A_1521 : memref<1x20x128xf32, #tpu.memory_space<hbm>> -> memref<20x128xf32, #tpu.memory_space<hbm>>
          %dma_wait3A_1523 = arith.constant 280 : i32
          %dma_wait3A_1524 = arith.constant 0 : i32
          %dma_wait3A_1525 = tpu.memref_slice %arg6[%dma_wait3A_1523, %dma_wait3A_1524] : memref<320x128xf32, #tpu.memory_space<vmem>> -> memref<20x128xf32, #tpu.memory_space<vmem>>
          tpu.wait_dma2 semaphore(%arg10 : memref<!tpu.dma_semaphore, #tpu.memory_space<semaphore_mem>>) src(%dma_wait3A_1525 : memref<20x128xf32, #tpu.memory_space<vmem>>) dst(%dma_wait3A_1522 : memref<20x128xf32, #tpu.memory_space<hbm>>)
          %mul3A_1526 = arith.constant 16 : i32
          %mul3A_1527 = arith.muli %sub3A_1240, %mul3A_1526 : i32
          %add3A_1528 = arith.addi %mul3A_4, %mul3A_1527 : i32
          %add3A_1529 = arith.constant 15 : i32
          %add3A_1530 = arith.addi %add3A_1528, %add3A_1529 : i32
          %dma_wait3A_1531 = arith.constant 300 : i32
          %dma_wait3A_1532 = arith.constant 0 : i32
          %dma_wait3A_1533 = tpu.memref_slice %arg6[%dma_wait3A_1531, %dma_wait3A_1532] : memref<320x128xf32, #tpu.memory_space<vmem>> -> memref<20x128xf32, #tpu.memory_space<vmem>>
          %dma_wait3A_1534 = arith.constant 0 : i32
          %dma_wait3A_1535 = arith.constant 0 : i32
          %dma_wait3A_1536 = tpu.memref_slice %arg4[%add3A_1530, %dma_wait3A_1534, %dma_wait3A_1535] : memref<16384x20x128xf32, #tpu.memory_space<hbm>> -> memref<1x20x128xf32, #tpu.memory_space<hbm>>
          %dma_wait3A_1537 = tpu.memref_squeeze %dma_wait3A_1536 : memref<1x20x128xf32, #tpu.memory_space<hbm>> -> memref<20x128xf32, #tpu.memory_space<hbm>>
          %dma_wait3A_1538 = arith.constant 0 : i32
          %dma_wait3A_1539 = arith.constant 0 : i32
          %dma_wait3A_1540 = tpu.memref_slice %arg4[%add3A_1530, %dma_wait3A_1538, %dma_wait3A_1539] : memref<16384x20x128xf32, #tpu.memory_space<hbm>> -> memref<1x20x128xf32, #tpu.memory_space<hbm>>
          %dma_wait3A_1541 = tpu.memref_squeeze %dma_wait3A_1540 : memref<1x20x128xf32, #tpu.memory_space<hbm>> -> memref<20x128xf32, #tpu.memory_space<hbm>>
          %dma_wait3A_1542 = arith.constant 300 : i32
          %dma_wait3A_1543 = arith.constant 0 : i32
          %dma_wait3A_1544 = tpu.memref_slice %arg6[%dma_wait3A_1542, %dma_wait3A_1543] : memref<320x128xf32, #tpu.memory_space<vmem>> -> memref<20x128xf32, #tpu.memory_space<vmem>>
          tpu.wait_dma2 semaphore(%arg10 : memref<!tpu.dma_semaphore, #tpu.memory_space<semaphore_mem>>) src(%dma_wait3A_1544 : memref<20x128xf32, #tpu.memory_space<vmem>>) dst(%dma_wait3A_1541 : memref<20x128xf32, #tpu.memory_space<hbm>>)
        } else {
        }
        %add3A_1232 = arith.constant 1 : i32
        %add3A_1233 = arith.addi %add3A_910, %add3A_1232 : i32
        %mul3A_1234 = arith.constant 320 : i32
        %mul3A_1235 = arith.muli %add3A_1233, %mul3A_1234 : i32
        %dma_start3A_1236 = tpu.memref_slice %arg5[%mul3A_1235] : memref<10240xi32, #tpu.memory_space<vmem>> -> memref<320xi32, #tpu.memory_space<vmem>>
        %dma_start3A_1237 = arith.constant 0 : i32
        %dma_start3A_1238 = arith.constant 0 : i32
        %dma_start3A_1239 = tpu.memref_slice %arg3[%dma_start3A_1237, %dma_start3A_1238] : memref<1000000x128xf32, #tpu.memory_space<hbm>> -> memref<1000000x128xf32, #tpu.memory_space<hbm>>
        tpu.enqueue_indirect_dma source(%dma_start3A_1239 : memref<1000000x128xf32, #tpu.memory_space<hbm>>) target(%arg6 : memref<320x128xf32, #tpu.memory_space<vmem>>) offsets(%dma_start3A_1236 : memref<320xi32, #tpu.memory_space<vmem>>) semaphore(%arg8 : memref<!tpu.dma_semaphore, #tpu.memory_space<semaphore_mem>>)
      } else {
      }
    }
    %scan3A_12 = arith.constant 16 : i32
    %add3A_13 = arith.constant 480 : i32
    %add3A_14 = arith.addi %mul3A_4, %add3A_13 : i32
    %add3A_15 = arith.constant 0 : i32
    %add3A_16 = arith.addi %add3A_14, %add3A_15 : i32
    %dma_wait3A = arith.constant 0 : i32
    %dma_wait3A_17 = arith.constant 0 : i32
    %dma_wait3A_18 = tpu.memref_slice %arg6[%dma_wait3A, %dma_wait3A_17] : memref<320x128xf32, #tpu.memory_space<vmem>> -> memref<20x128xf32, #tpu.memory_space<vmem>>
    %dma_wait3A_19 = arith.constant 0 : i32
    %dma_wait3A_20 = arith.constant 0 : i32
    %dma_wait3A_21 = tpu.memref_slice %arg4[%add3A_16, %dma_wait3A_19, %dma_wait3A_20] : memref<16384x20x128xf32, #tpu.memory_space<hbm>> -> memref<1x20x128xf32, #tpu.memory_space<hbm>>
    %dma_wait3A_22 = tpu.memref_squeeze %dma_wait3A_21 : memref<1x20x128xf32, #tpu.memory_space<hbm>> -> memref<20x128xf32, #tpu.memory_space<hbm>>
    %dma_wait3A_23 = arith.constant 0 : i32
    %dma_wait3A_24 = arith.constant 0 : i32
    %dma_wait3A_25 = tpu.memref_slice %arg4[%add3A_16, %dma_wait3A_23, %dma_wait3A_24] : memref<16384x20x128xf32, #tpu.memory_space<hbm>> -> memref<1x20x128xf32, #tpu.memory_space<hbm>>
    %dma_wait3A_26 = tpu.memref_squeeze %dma_wait3A_25 : memref<1x20x128xf32, #tpu.memory_space<hbm>> -> memref<20x128xf32, #tpu.memory_space<hbm>>
    %dma_wait3A_27 = arith.constant 0 : i32
    %dma_wait3A_28 = arith.constant 0 : i32
    %dma_wait3A_29 = tpu.memref_slice %arg6[%dma_wait3A_27, %dma_wait3A_28] : memref<320x128xf32, #tpu.memory_space<vmem>> -> memref<20x128xf32, #tpu.memory_space<vmem>>
    tpu.wait_dma2 semaphore(%arg10 : memref<!tpu.dma_semaphore, #tpu.memory_space<semaphore_mem>>) src(%dma_wait3A_29 : memref<20x128xf32, #tpu.memory_space<vmem>>) dst(%dma_wait3A_26 : memref<20x128xf32, #tpu.memory_space<hbm>>)
    %add3A_30 = arith.constant 480 : i32
    %add3A_31 = arith.addi %mul3A_4, %add3A_30 : i32
    %add3A_32 = arith.constant 1 : i32
    %add3A_33 = arith.addi %add3A_31, %add3A_32 : i32
    %dma_wait3A_34 = arith.constant 20 : i32
    %dma_wait3A_35 = arith.constant 0 : i32
    %dma_wait3A_36 = tpu.memref_slice %arg6[%dma_wait3A_34, %dma_wait3A_35] : memref<320x128xf32, #tpu.memory_space<vmem>> -> memref<20x128xf32, #tpu.memory_space<vmem>>
    %dma_wait3A_37 = arith.constant 0 : i32
    %dma_wait3A_38 = arith.constant 0 : i32
    %dma_wait3A_39 = tpu.memref_slice %arg4[%add3A_33, %dma_wait3A_37, %dma_wait3A_38] : memref<16384x20x128xf32, #tpu.memory_space<hbm>> -> memref<1x20x128xf32, #tpu.memory_space<hbm>>
    %dma_wait3A_40 = tpu.memref_squeeze %dma_wait3A_39 : memref<1x20x128xf32, #tpu.memory_space<hbm>> -> memref<20x128xf32, #tpu.memory_space<hbm>>
    %dma_wait3A_41 = arith.constant 0 : i32
    %dma_wait3A_42 = arith.constant 0 : i32
    %dma_wait3A_43 = tpu.memref_slice %arg4[%add3A_33, %dma_wait3A_41, %dma_wait3A_42] : memref<16384x20x128xf32, #tpu.memory_space<hbm>> -> memref<1x20x128xf32, #tpu.memory_space<hbm>>
    %dma_wait3A_44 = tpu.memref_squeeze %dma_wait3A_43 : memref<1x20x128xf32, #tpu.memory_space<hbm>> -> memref<20x128xf32, #tpu.memory_space<hbm>>
    %dma_wait3A_45 = arith.constant 20 : i32
    %dma_wait3A_46 = arith.constant 0 : i32
    %dma_wait3A_47 = tpu.memref_slice %arg6[%dma_wait3A_45, %dma_wait3A_46] : memref<320x128xf32, #tpu.memory_space<vmem>> -> memref<20x128xf32, #tpu.memory_space<vmem>>
    tpu.wait_dma2 semaphore(%arg10 : memref<!tpu.dma_semaphore, #tpu.memory_space<semaphore_mem>>) src(%dma_wait3A_47 : memref<20x128xf32, #tpu.memory_space<vmem>>) dst(%dma_wait3A_44 : memref<20x128xf32, #tpu.memory_space<hbm>>)
    %add3A_48 = arith.constant 480 : i32
    %add3A_49 = arith.addi %mul3A_4, %add3A_48 : i32
    %add3A_50 = arith.constant 2 : i32
    %add3A_51 = arith.addi %add3A_49, %add3A_50 : i32
    %dma_wait3A_52 = arith.constant 40 : i32
    %dma_wait3A_53 = arith.constant 0 : i32
    %dma_wait3A_54 = tpu.memref_slice %arg6[%dma_wait3A_52, %dma_wait3A_53] : memref<320x128xf32, #tpu.memory_space<vmem>> -> memref<20x128xf32, #tpu.memory_space<vmem>>
    %dma_wait3A_55 = arith.constant 0 : i32
    %dma_wait3A_56 = arith.constant 0 : i32
    %dma_wait3A_57 = tpu.memref_slice %arg4[%add3A_51, %dma_wait3A_55, %dma_wait3A_56] : memref<16384x20x128xf32, #tpu.memory_space<hbm>> -> memref<1x20x128xf32, #tpu.memory_space<hbm>>
    %dma_wait3A_58 = tpu.memref_squeeze %dma_wait3A_57 : memref<1x20x128xf32, #tpu.memory_space<hbm>> -> memref<20x128xf32, #tpu.memory_space<hbm>>
    %dma_wait3A_59 = arith.constant 0 : i32
    %dma_wait3A_60 = arith.constant 0 : i32
    %dma_wait3A_61 = tpu.memref_slice %arg4[%add3A_51, %dma_wait3A_59, %dma_wait3A_60] : memref<16384x20x128xf32, #tpu.memory_space<hbm>> -> memref<1x20x128xf32, #tpu.memory_space<hbm>>
    %dma_wait3A_62 = tpu.memref_squeeze %dma_wait3A_61 : memref<1x20x128xf32, #tpu.memory_space<hbm>> -> memref<20x128xf32, #tpu.memory_space<hbm>>
    %dma_wait3A_63 = arith.constant 40 : i32
    %dma_wait3A_64 = arith.constant 0 : i32
    %dma_wait3A_65 = tpu.memref_slice %arg6[%dma_wait3A_63, %dma_wait3A_64] : memref<320x128xf32, #tpu.memory_space<vmem>> -> memref<20x128xf32, #tpu.memory_space<vmem>>
    tpu.wait_dma2 semaphore(%arg10 : memref<!tpu.dma_semaphore, #tpu.memory_space<semaphore_mem>>) src(%dma_wait3A_65 : memref<20x128xf32, #tpu.memory_space<vmem>>) dst(%dma_wait3A_62 : memref<20x128xf32, #tpu.memory_space<hbm>>)
    %add3A_66 = arith.constant 480 : i32
    %add3A_67 = arith.addi %mul3A_4, %add3A_66 : i32
    %add3A_68 = arith.constant 3 : i32
    %add3A_69 = arith.addi %add3A_67, %add3A_68 : i32
    %dma_wait3A_70 = arith.constant 60 : i32
    %dma_wait3A_71 = arith.constant 0 : i32
    %dma_wait3A_72 = tpu.memref_slice %arg6[%dma_wait3A_70, %dma_wait3A_71] : memref<320x128xf32, #tpu.memory_space<vmem>> -> memref<20x128xf32, #tpu.memory_space<vmem>>
    %dma_wait3A_73 = arith.constant 0 : i32
    %dma_wait3A_74 = arith.constant 0 : i32
    %dma_wait3A_75 = tpu.memref_slice %arg4[%add3A_69, %dma_wait3A_73, %dma_wait3A_74] : memref<16384x20x128xf32, #tpu.memory_space<hbm>> -> memref<1x20x128xf32, #tpu.memory_space<hbm>>
    %dma_wait3A_76 = tpu.memref_squeeze %dma_wait3A_75 : memref<1x20x128xf32, #tpu.memory_space<hbm>> -> memref<20x128xf32, #tpu.memory_space<hbm>>
    %dma_wait3A_77 = arith.constant 0 : i32
    %dma_wait3A_78 = arith.constant 0 : i32
    %dma_wait3A_79 = tpu.memref_slice %arg4[%add3A_69, %dma_wait3A_77, %dma_wait3A_78] : memref<16384x20x128xf32, #tpu.memory_space<hbm>> -> memref<1x20x128xf32, #tpu.memory_space<hbm>>
    %dma_wait3A_80 = tpu.memref_squeeze %dma_wait3A_79 : memref<1x20x128xf32, #tpu.memory_space<hbm>> -> memref<20x128xf32, #tpu.memory_space<hbm>>
    %dma_wait3A_81 = arith.constant 60 : i32
    %dma_wait3A_82 = arith.constant 0 : i32
    %dma_wait3A_83 = tpu.memref_slice %arg6[%dma_wait3A_81, %dma_wait3A_82] : memref<320x128xf32, #tpu.memory_space<vmem>> -> memref<20x128xf32, #tpu.memory_space<vmem>>
    tpu.wait_dma2 semaphore(%arg10 : memref<!tpu.dma_semaphore, #tpu.memory_space<semaphore_mem>>) src(%dma_wait3A_83 : memref<20x128xf32, #tpu.memory_space<vmem>>) dst(%dma_wait3A_80 : memref<20x128xf32, #tpu.memory_space<hbm>>)
    %add3A_84 = arith.constant 480 : i32
    %add3A_85 = arith.addi %mul3A_4, %add3A_84 : i32
    %add3A_86 = arith.constant 4 : i32
    %add3A_87 = arith.addi %add3A_85, %add3A_86 : i32
    %dma_wait3A_88 = arith.constant 80 : i32
    %dma_wait3A_89 = arith.constant 0 : i32
    %dma_wait3A_90 = tpu.memref_slice %arg6[%dma_wait3A_88, %dma_wait3A_89] : memref<320x128xf32, #tpu.memory_space<vmem>> -> memref<20x128xf32, #tpu.memory_space<vmem>>
    %dma_wait3A_91 = arith.constant 0 : i32
    %dma_wait3A_92 = arith.constant 0 : i32
    %dma_wait3A_93 = tpu.memref_slice %arg4[%add3A_87, %dma_wait3A_91, %dma_wait3A_92] : memref<16384x20x128xf32, #tpu.memory_space<hbm>> -> memref<1x20x128xf32, #tpu.memory_space<hbm>>
    %dma_wait3A_94 = tpu.memref_squeeze %dma_wait3A_93 : memref<1x20x128xf32, #tpu.memory_space<hbm>> -> memref<20x128xf32, #tpu.memory_space<hbm>>
    %dma_wait3A_95 = arith.constant 0 : i32
    %dma_wait3A_96 = arith.constant 0 : i32
    %dma_wait3A_97 = tpu.memref_slice %arg4[%add3A_87, %dma_wait3A_95, %dma_wait3A_96] : memref<16384x20x128xf32, #tpu.memory_space<hbm>> -> memref<1x20x128xf32, #tpu.memory_space<hbm>>
    %dma_wait3A_98 = tpu.memref_squeeze %dma_wait3A_97 : memref<1x20x128xf32, #tpu.memory_space<hbm>> -> memref<20x128xf32, #tpu.memory_space<hbm>>
    %dma_wait3A_99 = arith.constant 80 : i32
    %dma_wait3A_100 = arith.constant 0 : i32
    %dma_wait3A_101 = tpu.memref_slice %arg6[%dma_wait3A_99, %dma_wait3A_100] : memref<320x128xf32, #tpu.memory_space<vmem>> -> memref<20x128xf32, #tpu.memory_space<vmem>>
    tpu.wait_dma2 semaphore(%arg10 : memref<!tpu.dma_semaphore, #tpu.memory_space<semaphore_mem>>) src(%dma_wait3A_101 : memref<20x128xf32, #tpu.memory_space<vmem>>) dst(%dma_wait3A_98 : memref<20x128xf32, #tpu.memory_space<hbm>>)
    %add3A_102 = arith.constant 480 : i32
    %add3A_103 = arith.addi %mul3A_4, %add3A_102 : i32
    %add3A_104 = arith.constant 5 : i32
    %add3A_105 = arith.addi %add3A_103, %add3A_104 : i32
    %dma_wait3A_106 = arith.constant 100 : i32
    %dma_wait3A_107 = arith.constant 0 : i32
    %dma_wait3A_108 = tpu.memref_slice %arg6[%dma_wait3A_106, %dma_wait3A_107] : memref<320x128xf32, #tpu.memory_space<vmem>> -> memref<20x128xf32, #tpu.memory_space<vmem>>
    %dma_wait3A_109 = arith.constant 0 : i32
    %dma_wait3A_110 = arith.constant 0 : i32
    %dma_wait3A_111 = tpu.memref_slice %arg4[%add3A_105, %dma_wait3A_109, %dma_wait3A_110] : memref<16384x20x128xf32, #tpu.memory_space<hbm>> -> memref<1x20x128xf32, #tpu.memory_space<hbm>>
    %dma_wait3A_112 = tpu.memref_squeeze %dma_wait3A_111 : memref<1x20x128xf32, #tpu.memory_space<hbm>> -> memref<20x128xf32, #tpu.memory_space<hbm>>
    %dma_wait3A_113 = arith.constant 0 : i32
    %dma_wait3A_114 = arith.constant 0 : i32
    %dma_wait3A_115 = tpu.memref_slice %arg4[%add3A_105, %dma_wait3A_113, %dma_wait3A_114] : memref<16384x20x128xf32, #tpu.memory_space<hbm>> -> memref<1x20x128xf32, #tpu.memory_space<hbm>>
    %dma_wait3A_116 = tpu.memref_squeeze %dma_wait3A_115 : memref<1x20x128xf32, #tpu.memory_space<hbm>> -> memref<20x128xf32, #tpu.memory_space<hbm>>
    %dma_wait3A_117 = arith.constant 100 : i32
    %dma_wait3A_118 = arith.constant 0 : i32
    %dma_wait3A_119 = tpu.memref_slice %arg6[%dma_wait3A_117, %dma_wait3A_118] : memref<320x128xf32, #tpu.memory_space<vmem>> -> memref<20x128xf32, #tpu.memory_space<vmem>>
    tpu.wait_dma2 semaphore(%arg10 : memref<!tpu.dma_semaphore, #tpu.memory_space<semaphore_mem>>) src(%dma_wait3A_119 : memref<20x128xf32, #tpu.memory_space<vmem>>) dst(%dma_wait3A_116 : memref<20x128xf32, #tpu.memory_space<hbm>>)
    %add3A_120 = arith.constant 480 : i32
    %add3A_121 = arith.addi %mul3A_4, %add3A_120 : i32
    %add3A_122 = arith.constant 6 : i32
    %add3A_123 = arith.addi %add3A_121, %add3A_122 : i32
    %dma_wait3A_124 = arith.constant 120 : i32
    %dma_wait3A_125 = arith.constant 0 : i32
    %dma_wait3A_126 = tpu.memref_slice %arg6[%dma_wait3A_124, %dma_wait3A_125] : memref<320x128xf32, #tpu.memory_space<vmem>> -> memref<20x128xf32, #tpu.memory_space<vmem>>
    %dma_wait3A_127 = arith.constant 0 : i32
    %dma_wait3A_128 = arith.constant 0 : i32
    %dma_wait3A_129 = tpu.memref_slice %arg4[%add3A_123, %dma_wait3A_127, %dma_wait3A_128] : memref<16384x20x128xf32, #tpu.memory_space<hbm>> -> memref<1x20x128xf32, #tpu.memory_space<hbm>>
    %dma_wait3A_130 = tpu.memref_squeeze %dma_wait3A_129 : memref<1x20x128xf32, #tpu.memory_space<hbm>> -> memref<20x128xf32, #tpu.memory_space<hbm>>
    %dma_wait3A_131 = arith.constant 0 : i32
    %dma_wait3A_132 = arith.constant 0 : i32
    %dma_wait3A_133 = tpu.memref_slice %arg4[%add3A_123, %dma_wait3A_131, %dma_wait3A_132] : memref<16384x20x128xf32, #tpu.memory_space<hbm>> -> memref<1x20x128xf32, #tpu.memory_space<hbm>>
    %dma_wait3A_134 = tpu.memref_squeeze %dma_wait3A_133 : memref<1x20x128xf32, #tpu.memory_space<hbm>> -> memref<20x128xf32, #tpu.memory_space<hbm>>
    %dma_wait3A_135 = arith.constant 120 : i32
    %dma_wait3A_136 = arith.constant 0 : i32
    %dma_wait3A_137 = tpu.memref_slice %arg6[%dma_wait3A_135, %dma_wait3A_136] : memref<320x128xf32, #tpu.memory_space<vmem>> -> memref<20x128xf32, #tpu.memory_space<vmem>>
    tpu.wait_dma2 semaphore(%arg10 : memref<!tpu.dma_semaphore, #tpu.memory_space<semaphore_mem>>) src(%dma_wait3A_137 : memref<20x128xf32, #tpu.memory_space<vmem>>) dst(%dma_wait3A_134 : memref<20x128xf32, #tpu.memory_space<hbm>>)
    %add3A_138 = arith.constant 480 : i32
    %add3A_139 = arith.addi %mul3A_4, %add3A_138 : i32
    %add3A_140 = arith.constant 7 : i32
    %add3A_141 = arith.addi %add3A_139, %add3A_140 : i32
    %dma_wait3A_142 = arith.constant 140 : i32
    %dma_wait3A_143 = arith.constant 0 : i32
    %dma_wait3A_144 = tpu.memref_slice %arg6[%dma_wait3A_142, %dma_wait3A_143] : memref<320x128xf32, #tpu.memory_space<vmem>> -> memref<20x128xf32, #tpu.memory_space<vmem>>
    %dma_wait3A_145 = arith.constant 0 : i32
    %dma_wait3A_146 = arith.constant 0 : i32
    %dma_wait3A_147 = tpu.memref_slice %arg4[%add3A_141, %dma_wait3A_145, %dma_wait3A_146] : memref<16384x20x128xf32, #tpu.memory_space<hbm>> -> memref<1x20x128xf32, #tpu.memory_space<hbm>>
    %dma_wait3A_148 = tpu.memref_squeeze %dma_wait3A_147 : memref<1x20x128xf32, #tpu.memory_space<hbm>> -> memref<20x128xf32, #tpu.memory_space<hbm>>
    %dma_wait3A_149 = arith.constant 0 : i32
    %dma_wait3A_150 = arith.constant 0 : i32
    %dma_wait3A_151 = tpu.memref_slice %arg4[%add3A_141, %dma_wait3A_149, %dma_wait3A_150] : memref<16384x20x128xf32, #tpu.memory_space<hbm>> -> memref<1x20x128xf32, #tpu.memory_space<hbm>>
    %dma_wait3A_152 = tpu.memref_squeeze %dma_wait3A_151 : memref<1x20x128xf32, #tpu.memory_space<hbm>> -> memref<20x128xf32, #tpu.memory_space<hbm>>
    %dma_wait3A_153 = arith.constant 140 : i32
    %dma_wait3A_154 = arith.constant 0 : i32
    %dma_wait3A_155 = tpu.memref_slice %arg6[%dma_wait3A_153, %dma_wait3A_154] : memref<320x128xf32, #tpu.memory_space<vmem>> -> memref<20x128xf32, #tpu.memory_space<vmem>>
    tpu.wait_dma2 semaphore(%arg10 : memref<!tpu.dma_semaphore, #tpu.memory_space<semaphore_mem>>) src(%dma_wait3A_155 : memref<20x128xf32, #tpu.memory_space<vmem>>) dst(%dma_wait3A_152 : memref<20x128xf32, #tpu.memory_space<hbm>>)
    %add3A_156 = arith.constant 480 : i32
    %add3A_157 = arith.addi %mul3A_4, %add3A_156 : i32
    %add3A_158 = arith.constant 8 : i32
    %add3A_159 = arith.addi %add3A_157, %add3A_158 : i32
    %dma_wait3A_160 = arith.constant 160 : i32
    %dma_wait3A_161 = arith.constant 0 : i32
    %dma_wait3A_162 = tpu.memref_slice %arg6[%dma_wait3A_160, %dma_wait3A_161] : memref<320x128xf32, #tpu.memory_space<vmem>> -> memref<20x128xf32, #tpu.memory_space<vmem>>
    %dma_wait3A_163 = arith.constant 0 : i32
    %dma_wait3A_164 = arith.constant 0 : i32
    %dma_wait3A_165 = tpu.memref_slice %arg4[%add3A_159, %dma_wait3A_163, %dma_wait3A_164] : memref<16384x20x128xf32, #tpu.memory_space<hbm>> -> memref<1x20x128xf32, #tpu.memory_space<hbm>>
    %dma_wait3A_166 = tpu.memref_squeeze %dma_wait3A_165 : memref<1x20x128xf32, #tpu.memory_space<hbm>> -> memref<20x128xf32, #tpu.memory_space<hbm>>
    %dma_wait3A_167 = arith.constant 0 : i32
    %dma_wait3A_168 = arith.constant 0 : i32
    %dma_wait3A_169 = tpu.memref_slice %arg4[%add3A_159, %dma_wait3A_167, %dma_wait3A_168] : memref<16384x20x128xf32, #tpu.memory_space<hbm>> -> memref<1x20x128xf32, #tpu.memory_space<hbm>>
    %dma_wait3A_170 = tpu.memref_squeeze %dma_wait3A_169 : memref<1x20x128xf32, #tpu.memory_space<hbm>> -> memref<20x128xf32, #tpu.memory_space<hbm>>
    %dma_wait3A_171 = arith.constant 160 : i32
    %dma_wait3A_172 = arith.constant 0 : i32
    %dma_wait3A_173 = tpu.memref_slice %arg6[%dma_wait3A_171, %dma_wait3A_172] : memref<320x128xf32, #tpu.memory_space<vmem>> -> memref<20x128xf32, #tpu.memory_space<vmem>>
    tpu.wait_dma2 semaphore(%arg10 : memref<!tpu.dma_semaphore, #tpu.memory_space<semaphore_mem>>) src(%dma_wait3A_173 : memref<20x128xf32, #tpu.memory_space<vmem>>) dst(%dma_wait3A_170 : memref<20x128xf32, #tpu.memory_space<hbm>>)
    %add3A_174 = arith.constant 480 : i32
    %add3A_175 = arith.addi %mul3A_4, %add3A_174 : i32
    %add3A_176 = arith.constant 9 : i32
    %add3A_177 = arith.addi %add3A_175, %add3A_176 : i32
    %dma_wait3A_178 = arith.constant 180 : i32
    %dma_wait3A_179 = arith.constant 0 : i32
    %dma_wait3A_180 = tpu.memref_slice %arg6[%dma_wait3A_178, %dma_wait3A_179] : memref<320x128xf32, #tpu.memory_space<vmem>> -> memref<20x128xf32, #tpu.memory_space<vmem>>
    %dma_wait3A_181 = arith.constant 0 : i32
    %dma_wait3A_182 = arith.constant 0 : i32
    %dma_wait3A_183 = tpu.memref_slice %arg4[%add3A_177, %dma_wait3A_181, %dma_wait3A_182] : memref<16384x20x128xf32, #tpu.memory_space<hbm>> -> memref<1x20x128xf32, #tpu.memory_space<hbm>>
    %dma_wait3A_184 = tpu.memref_squeeze %dma_wait3A_183 : memref<1x20x128xf32, #tpu.memory_space<hbm>> -> memref<20x128xf32, #tpu.memory_space<hbm>>
    %dma_wait3A_185 = arith.constant 0 : i32
    %dma_wait3A_186 = arith.constant 0 : i32
    %dma_wait3A_187 = tpu.memref_slice %arg4[%add3A_177, %dma_wait3A_185, %dma_wait3A_186] : memref<16384x20x128xf32, #tpu.memory_space<hbm>> -> memref<1x20x128xf32, #tpu.memory_space<hbm>>
    %dma_wait3A_188 = tpu.memref_squeeze %dma_wait3A_187 : memref<1x20x128xf32, #tpu.memory_space<hbm>> -> memref<20x128xf32, #tpu.memory_space<hbm>>
    %dma_wait3A_189 = arith.constant 180 : i32
    %dma_wait3A_190 = arith.constant 0 : i32
    %dma_wait3A_191 = tpu.memref_slice %arg6[%dma_wait3A_189, %dma_wait3A_190] : memref<320x128xf32, #tpu.memory_space<vmem>> -> memref<20x128xf32, #tpu.memory_space<vmem>>
    tpu.wait_dma2 semaphore(%arg10 : memref<!tpu.dma_semaphore, #tpu.memory_space<semaphore_mem>>) src(%dma_wait3A_191 : memref<20x128xf32, #tpu.memory_space<vmem>>) dst(%dma_wait3A_188 : memref<20x128xf32, #tpu.memory_space<hbm>>)
    %add3A_192 = arith.constant 480 : i32
    %add3A_193 = arith.addi %mul3A_4, %add3A_192 : i32
    %add3A_194 = arith.constant 10 : i32
    %add3A_195 = arith.addi %add3A_193, %add3A_194 : i32
    %dma_wait3A_196 = arith.constant 200 : i32
    %dma_wait3A_197 = arith.constant 0 : i32
    %dma_wait3A_198 = tpu.memref_slice %arg6[%dma_wait3A_196, %dma_wait3A_197] : memref<320x128xf32, #tpu.memory_space<vmem>> -> memref<20x128xf32, #tpu.memory_space<vmem>>
    %dma_wait3A_199 = arith.constant 0 : i32
    %dma_wait3A_200 = arith.constant 0 : i32
    %dma_wait3A_201 = tpu.memref_slice %arg4[%add3A_195, %dma_wait3A_199, %dma_wait3A_200] : memref<16384x20x128xf32, #tpu.memory_space<hbm>> -> memref<1x20x128xf32, #tpu.memory_space<hbm>>
    %dma_wait3A_202 = tpu.memref_squeeze %dma_wait3A_201 : memref<1x20x128xf32, #tpu.memory_space<hbm>> -> memref<20x128xf32, #tpu.memory_space<hbm>>
    %dma_wait3A_203 = arith.constant 0 : i32
    %dma_wait3A_204 = arith.constant 0 : i32
    %dma_wait3A_205 = tpu.memref_slice %arg4[%add3A_195, %dma_wait3A_203, %dma_wait3A_204] : memref<16384x20x128xf32, #tpu.memory_space<hbm>> -> memref<1x20x128xf32, #tpu.memory_space<hbm>>
    %dma_wait3A_206 = tpu.memref_squeeze %dma_wait3A_205 : memref<1x20x128xf32, #tpu.memory_space<hbm>> -> memref<20x128xf32, #tpu.memory_space<hbm>>
    %dma_wait3A_207 = arith.constant 200 : i32
    %dma_wait3A_208 = arith.constant 0 : i32
    %dma_wait3A_209 = tpu.memref_slice %arg6[%dma_wait3A_207, %dma_wait3A_208] : memref<320x128xf32, #tpu.memory_space<vmem>> -> memref<20x128xf32, #tpu.memory_space<vmem>>
    tpu.wait_dma2 semaphore(%arg10 : memref<!tpu.dma_semaphore, #tpu.memory_space<semaphore_mem>>) src(%dma_wait3A_209 : memref<20x128xf32, #tpu.memory_space<vmem>>) dst(%dma_wait3A_206 : memref<20x128xf32, #tpu.memory_space<hbm>>)
    %add3A_210 = arith.constant 480 : i32
    %add3A_211 = arith.addi %mul3A_4, %add3A_210 : i32
    %add3A_212 = arith.constant 11 : i32
    %add3A_213 = arith.addi %add3A_211, %add3A_212 : i32
    %dma_wait3A_214 = arith.constant 220 : i32
    %dma_wait3A_215 = arith.constant 0 : i32
    %dma_wait3A_216 = tpu.memref_slice %arg6[%dma_wait3A_214, %dma_wait3A_215] : memref<320x128xf32, #tpu.memory_space<vmem>> -> memref<20x128xf32, #tpu.memory_space<vmem>>
    %dma_wait3A_217 = arith.constant 0 : i32
    %dma_wait3A_218 = arith.constant 0 : i32
    %dma_wait3A_219 = tpu.memref_slice %arg4[%add3A_213, %dma_wait3A_217, %dma_wait3A_218] : memref<16384x20x128xf32, #tpu.memory_space<hbm>> -> memref<1x20x128xf32, #tpu.memory_space<hbm>>
    %dma_wait3A_220 = tpu.memref_squeeze %dma_wait3A_219 : memref<1x20x128xf32, #tpu.memory_space<hbm>> -> memref<20x128xf32, #tpu.memory_space<hbm>>
    %dma_wait3A_221 = arith.constant 0 : i32
    %dma_wait3A_222 = arith.constant 0 : i32
    %dma_wait3A_223 = tpu.memref_slice %arg4[%add3A_213, %dma_wait3A_221, %dma_wait3A_222] : memref<16384x20x128xf32, #tpu.memory_space<hbm>> -> memref<1x20x128xf32, #tpu.memory_space<hbm>>
    %dma_wait3A_224 = tpu.memref_squeeze %dma_wait3A_223 : memref<1x20x128xf32, #tpu.memory_space<hbm>> -> memref<20x128xf32, #tpu.memory_space<hbm>>
    %dma_wait3A_225 = arith.constant 220 : i32
    %dma_wait3A_226 = arith.constant 0 : i32
    %dma_wait3A_227 = tpu.memref_slice %arg6[%dma_wait3A_225, %dma_wait3A_226] : memref<320x128xf32, #tpu.memory_space<vmem>> -> memref<20x128xf32, #tpu.memory_space<vmem>>
    tpu.wait_dma2 semaphore(%arg10 : memref<!tpu.dma_semaphore, #tpu.memory_space<semaphore_mem>>) src(%dma_wait3A_227 : memref<20x128xf32, #tpu.memory_space<vmem>>) dst(%dma_wait3A_224 : memref<20x128xf32, #tpu.memory_space<hbm>>)
    %add3A_228 = arith.constant 480 : i32
    %add3A_229 = arith.addi %mul3A_4, %add3A_228 : i32
    %add3A_230 = arith.constant 12 : i32
    %add3A_231 = arith.addi %add3A_229, %add3A_230 : i32
    %dma_wait3A_232 = arith.constant 240 : i32
    %dma_wait3A_233 = arith.constant 0 : i32
    %dma_wait3A_234 = tpu.memref_slice %arg6[%dma_wait3A_232, %dma_wait3A_233] : memref<320x128xf32, #tpu.memory_space<vmem>> -> memref<20x128xf32, #tpu.memory_space<vmem>>
    %dma_wait3A_235 = arith.constant 0 : i32
    %dma_wait3A_236 = arith.constant 0 : i32
    %dma_wait3A_237 = tpu.memref_slice %arg4[%add3A_231, %dma_wait3A_235, %dma_wait3A_236] : memref<16384x20x128xf32, #tpu.memory_space<hbm>> -> memref<1x20x128xf32, #tpu.memory_space<hbm>>
    %dma_wait3A_238 = tpu.memref_squeeze %dma_wait3A_237 : memref<1x20x128xf32, #tpu.memory_space<hbm>> -> memref<20x128xf32, #tpu.memory_space<hbm>>
    %dma_wait3A_239 = arith.constant 0 : i32
    %dma_wait3A_240 = arith.constant 0 : i32
    %dma_wait3A_241 = tpu.memref_slice %arg4[%add3A_231, %dma_wait3A_239, %dma_wait3A_240] : memref<16384x20x128xf32, #tpu.memory_space<hbm>> -> memref<1x20x128xf32, #tpu.memory_space<hbm>>
    %dma_wait3A_242 = tpu.memref_squeeze %dma_wait3A_241 : memref<1x20x128xf32, #tpu.memory_space<hbm>> -> memref<20x128xf32, #tpu.memory_space<hbm>>
    %dma_wait3A_243 = arith.constant 240 : i32
    %dma_wait3A_244 = arith.constant 0 : i32
    %dma_wait3A_245 = tpu.memref_slice %arg6[%dma_wait3A_243, %dma_wait3A_244] : memref<320x128xf32, #tpu.memory_space<vmem>> -> memref<20x128xf32, #tpu.memory_space<vmem>>
    tpu.wait_dma2 semaphore(%arg10 : memref<!tpu.dma_semaphore, #tpu.memory_space<semaphore_mem>>) src(%dma_wait3A_245 : memref<20x128xf32, #tpu.memory_space<vmem>>) dst(%dma_wait3A_242 : memref<20x128xf32, #tpu.memory_space<hbm>>)
    %add3A_246 = arith.constant 480 : i32
    %add3A_247 = arith.addi %mul3A_4, %add3A_246 : i32
    %add3A_248 = arith.constant 13 : i32
    %add3A_249 = arith.addi %add3A_247, %add3A_248 : i32
    %dma_wait3A_250 = arith.constant 260 : i32
    %dma_wait3A_251 = arith.constant 0 : i32
    %dma_wait3A_252 = tpu.memref_slice %arg6[%dma_wait3A_250, %dma_wait3A_251] : memref<320x128xf32, #tpu.memory_space<vmem>> -> memref<20x128xf32, #tpu.memory_space<vmem>>
    %dma_wait3A_253 = arith.constant 0 : i32
    %dma_wait3A_254 = arith.constant 0 : i32
    %dma_wait3A_255 = tpu.memref_slice %arg4[%add3A_249, %dma_wait3A_253, %dma_wait3A_254] : memref<16384x20x128xf32, #tpu.memory_space<hbm>> -> memref<1x20x128xf32, #tpu.memory_space<hbm>>
    %dma_wait3A_256 = tpu.memref_squeeze %dma_wait3A_255 : memref<1x20x128xf32, #tpu.memory_space<hbm>> -> memref<20x128xf32, #tpu.memory_space<hbm>>
    %dma_wait3A_257 = arith.constant 0 : i32
    %dma_wait3A_258 = arith.constant 0 : i32
    %dma_wait3A_259 = tpu.memref_slice %arg4[%add3A_249, %dma_wait3A_257, %dma_wait3A_258] : memref<16384x20x128xf32, #tpu.memory_space<hbm>> -> memref<1x20x128xf32, #tpu.memory_space<hbm>>
    %dma_wait3A_260 = tpu.memref_squeeze %dma_wait3A_259 : memref<1x20x128xf32, #tpu.memory_space<hbm>> -> memref<20x128xf32, #tpu.memory_space<hbm>>
    %dma_wait3A_261 = arith.constant 260 : i32
    %dma_wait3A_262 = arith.constant 0 : i32
    %dma_wait3A_263 = tpu.memref_slice %arg6[%dma_wait3A_261, %dma_wait3A_262] : memref<320x128xf32, #tpu.memory_space<vmem>> -> memref<20x128xf32, #tpu.memory_space<vmem>>
    tpu.wait_dma2 semaphore(%arg10 : memref<!tpu.dma_semaphore, #tpu.memory_space<semaphore_mem>>) src(%dma_wait3A_263 : memref<20x128xf32, #tpu.memory_space<vmem>>) dst(%dma_wait3A_260 : memref<20x128xf32, #tpu.memory_space<hbm>>)
    %add3A_264 = arith.constant 480 : i32
    %add3A_265 = arith.addi %mul3A_4, %add3A_264 : i32
    %add3A_266 = arith.constant 14 : i32
    %add3A_267 = arith.addi %add3A_265, %add3A_266 : i32
    %dma_wait3A_268 = arith.constant 280 : i32
    %dma_wait3A_269 = arith.constant 0 : i32
    %dma_wait3A_270 = tpu.memref_slice %arg6[%dma_wait3A_268, %dma_wait3A_269] : memref<320x128xf32, #tpu.memory_space<vmem>> -> memref<20x128xf32, #tpu.memory_space<vmem>>
    %dma_wait3A_271 = arith.constant 0 : i32
    %dma_wait3A_272 = arith.constant 0 : i32
    %dma_wait3A_273 = tpu.memref_slice %arg4[%add3A_267, %dma_wait3A_271, %dma_wait3A_272] : memref<16384x20x128xf32, #tpu.memory_space<hbm>> -> memref<1x20x128xf32, #tpu.memory_space<hbm>>
    %dma_wait3A_274 = tpu.memref_squeeze %dma_wait3A_273 : memref<1x20x128xf32, #tpu.memory_space<hbm>> -> memref<20x128xf32, #tpu.memory_space<hbm>>
    %dma_wait3A_275 = arith.constant 0 : i32
    %dma_wait3A_276 = arith.constant 0 : i32
    %dma_wait3A_277 = tpu.memref_slice %arg4[%add3A_267, %dma_wait3A_275, %dma_wait3A_276] : memref<16384x20x128xf32, #tpu.memory_space<hbm>> -> memref<1x20x128xf32, #tpu.memory_space<hbm>>
    %dma_wait3A_278 = tpu.memref_squeeze %dma_wait3A_277 : memref<1x20x128xf32, #tpu.memory_space<hbm>> -> memref<20x128xf32, #tpu.memory_space<hbm>>
    %dma_wait3A_279 = arith.constant 280 : i32
    %dma_wait3A_280 = arith.constant 0 : i32
    %dma_wait3A_281 = tpu.memref_slice %arg6[%dma_wait3A_279, %dma_wait3A_280] : memref<320x128xf32, #tpu.memory_space<vmem>> -> memref<20x128xf32, #tpu.memory_space<vmem>>
    tpu.wait_dma2 semaphore(%arg10 : memref<!tpu.dma_semaphore, #tpu.memory_space<semaphore_mem>>) src(%dma_wait3A_281 : memref<20x128xf32, #tpu.memory_space<vmem>>) dst(%dma_wait3A_278 : memref<20x128xf32, #tpu.memory_space<hbm>>)
    %add3A_282 = arith.constant 480 : i32
    %add3A_283 = arith.addi %mul3A_4, %add3A_282 : i32
    %add3A_284 = arith.constant 15 : i32
    %add3A_285 = arith.addi %add3A_283, %add3A_284 : i32
    %dma_wait3A_286 = arith.constant 300 : i32
    %dma_wait3A_287 = arith.constant 0 : i32
    %dma_wait3A_288 = tpu.memref_slice %arg6[%dma_wait3A_286, %dma_wait3A_287] : memref<320x128xf32, #tpu.memory_space<vmem>> -> memref<20x128xf32, #tpu.memory_space<vmem>>
    %dma_wait3A_289 = arith.constant 0 : i32
    %dma_wait3A_290 = arith.constant 0 : i32
    %dma_wait3A_291 = tpu.memref_slice %arg4[%add3A_285, %dma_wait3A_289, %dma_wait3A_290] : memref<16384x20x128xf32, #tpu.memory_space<hbm>> -> memref<1x20x128xf32, #tpu.memory_space<hbm>>
    %dma_wait3A_292 = tpu.memref_squeeze %dma_wait3A_291 : memref<1x20x128xf32, #tpu.memory_space<hbm>> -> memref<20x128xf32, #tpu.memory_space<hbm>>
    %dma_wait3A_293 = arith.constant 0 : i32
    %dma_wait3A_294 = arith.constant 0 : i32
    %dma_wait3A_295 = tpu.memref_slice %arg4[%add3A_285, %dma_wait3A_293, %dma_wait3A_294] : memref<16384x20x128xf32, #tpu.memory_space<hbm>> -> memref<1x20x128xf32, #tpu.memory_space<hbm>>
    %dma_wait3A_296 = tpu.memref_squeeze %dma_wait3A_295 : memref<1x20x128xf32, #tpu.memory_space<hbm>> -> memref<20x128xf32, #tpu.memory_space<hbm>>
    %dma_wait3A_297 = arith.constant 300 : i32
    %dma_wait3A_298 = arith.constant 0 : i32
    %dma_wait3A_299 = tpu.memref_slice %arg6[%dma_wait3A_297, %dma_wait3A_298] : memref<320x128xf32, #tpu.memory_space<vmem>> -> memref<20x128xf32, #tpu.memory_space<vmem>>
    tpu.wait_dma2 semaphore(%arg10 : memref<!tpu.dma_semaphore, #tpu.memory_space<semaphore_mem>>) src(%dma_wait3A_299 : memref<20x128xf32, #tpu.memory_space<vmem>>) dst(%dma_wait3A_296 : memref<20x128xf32, #tpu.memory_space<hbm>>)
    %add3A_300 = arith.constant 496 : i32
    %add3A_301 = arith.addi %mul3A_4, %add3A_300 : i32
    %add3A_302 = arith.constant 0 : i32
    %add3A_303 = arith.addi %add3A_301, %add3A_302 : i32
    %dma_wait3A_304 = arith.constant 0 : i32
    %dma_wait3A_305 = arith.constant 0 : i32
    %dma_wait3A_306 = tpu.memref_slice %arg7[%dma_wait3A_304, %dma_wait3A_305] : memref<320x128xf32, #tpu.memory_space<vmem>> -> memref<20x128xf32, #tpu.memory_space<vmem>>
    %dma_wait3A_307 = arith.constant 0 : i32
    %dma_wait3A_308 = arith.constant 0 : i32
    %dma_wait3A_309 = tpu.memref_slice %arg4[%add3A_303, %dma_wait3A_307, %dma_wait3A_308] : memref<16384x20x128xf32, #tpu.memory_space<hbm>> -> memref<1x20x128xf32, #tpu.memory_space<hbm>>
    %dma_wait3A_310 = tpu.memref_squeeze %dma_wait3A_309 : memref<1x20x128xf32, #tpu.memory_space<hbm>> -> memref<20x128xf32, #tpu.memory_space<hbm>>
    %dma_wait3A_311 = arith.constant 0 : i32
    %dma_wait3A_312 = arith.constant 0 : i32
    %dma_wait3A_313 = tpu.memref_slice %arg4[%add3A_303, %dma_wait3A_311, %dma_wait3A_312] : memref<16384x20x128xf32, #tpu.memory_space<hbm>> -> memref<1x20x128xf32, #tpu.memory_space<hbm>>
    %dma_wait3A_314 = tpu.memref_squeeze %dma_wait3A_313 : memref<1x20x128xf32, #tpu.memory_space<hbm>> -> memref<20x128xf32, #tpu.memory_space<hbm>>
    %dma_wait3A_315 = arith.constant 0 : i32
    %dma_wait3A_316 = arith.constant 0 : i32
    %dma_wait3A_317 = tpu.memref_slice %arg7[%dma_wait3A_315, %dma_wait3A_316] : memref<320x128xf32, #tpu.memory_space<vmem>> -> memref<20x128xf32, #tpu.memory_space<vmem>>
    tpu.wait_dma2 semaphore(%arg11 : memref<!tpu.dma_semaphore, #tpu.memory_space<semaphore_mem>>) src(%dma_wait3A_317 : memref<20x128xf32, #tpu.memory_space<vmem>>) dst(%dma_wait3A_314 : memref<20x128xf32, #tpu.memory_space<hbm>>)
    %add3A_318 = arith.constant 496 : i32
    %add3A_319 = arith.addi %mul3A_4, %add3A_318 : i32
    %add3A_320 = arith.constant 1 : i32
    %add3A_321 = arith.addi %add3A_319, %add3A_320 : i32
    %dma_wait3A_322 = arith.constant 20 : i32
    %dma_wait3A_323 = arith.constant 0 : i32
    %dma_wait3A_324 = tpu.memref_slice %arg7[%dma_wait3A_322, %dma_wait3A_323] : memref<320x128xf32, #tpu.memory_space<vmem>> -> memref<20x128xf32, #tpu.memory_space<vmem>>
    %dma_wait3A_325 = arith.constant 0 : i32
    %dma_wait3A_326 = arith.constant 0 : i32
    %dma_wait3A_327 = tpu.memref_slice %arg4[%add3A_321, %dma_wait3A_325, %dma_wait3A_326] : memref<16384x20x128xf32, #tpu.memory_space<hbm>> -> memref<1x20x128xf32, #tpu.memory_space<hbm>>
    %dma_wait3A_328 = tpu.memref_squeeze %dma_wait3A_327 : memref<1x20x128xf32, #tpu.memory_space<hbm>> -> memref<20x128xf32, #tpu.memory_space<hbm>>
    %dma_wait3A_329 = arith.constant 0 : i32
    %dma_wait3A_330 = arith.constant 0 : i32
    %dma_wait3A_331 = tpu.memref_slice %arg4[%add3A_321, %dma_wait3A_329, %dma_wait3A_330] : memref<16384x20x128xf32, #tpu.memory_space<hbm>> -> memref<1x20x128xf32, #tpu.memory_space<hbm>>
    %dma_wait3A_332 = tpu.memref_squeeze %dma_wait3A_331 : memref<1x20x128xf32, #tpu.memory_space<hbm>> -> memref<20x128xf32, #tpu.memory_space<hbm>>
    %dma_wait3A_333 = arith.constant 20 : i32
    %dma_wait3A_334 = arith.constant 0 : i32
    %dma_wait3A_335 = tpu.memref_slice %arg7[%dma_wait3A_333, %dma_wait3A_334] : memref<320x128xf32, #tpu.memory_space<vmem>> -> memref<20x128xf32, #tpu.memory_space<vmem>>
    tpu.wait_dma2 semaphore(%arg11 : memref<!tpu.dma_semaphore, #tpu.memory_space<semaphore_mem>>) src(%dma_wait3A_335 : memref<20x128xf32, #tpu.memory_space<vmem>>) dst(%dma_wait3A_332 : memref<20x128xf32, #tpu.memory_space<hbm>>)
    %add3A_336 = arith.constant 496 : i32
    %add3A_337 = arith.addi %mul3A_4, %add3A_336 : i32
    %add3A_338 = arith.constant 2 : i32
    %add3A_339 = arith.addi %add3A_337, %add3A_338 : i32
    %dma_wait3A_340 = arith.constant 40 : i32
    %dma_wait3A_341 = arith.constant 0 : i32
    %dma_wait3A_342 = tpu.memref_slice %arg7[%dma_wait3A_340, %dma_wait3A_341] : memref<320x128xf32, #tpu.memory_space<vmem>> -> memref<20x128xf32, #tpu.memory_space<vmem>>
    %dma_wait3A_343 = arith.constant 0 : i32
    %dma_wait3A_344 = arith.constant 0 : i32
    %dma_wait3A_345 = tpu.memref_slice %arg4[%add3A_339, %dma_wait3A_343, %dma_wait3A_344] : memref<16384x20x128xf32, #tpu.memory_space<hbm>> -> memref<1x20x128xf32, #tpu.memory_space<hbm>>
    %dma_wait3A_346 = tpu.memref_squeeze %dma_wait3A_345 : memref<1x20x128xf32, #tpu.memory_space<hbm>> -> memref<20x128xf32, #tpu.memory_space<hbm>>
    %dma_wait3A_347 = arith.constant 0 : i32
    %dma_wait3A_348 = arith.constant 0 : i32
    %dma_wait3A_349 = tpu.memref_slice %arg4[%add3A_339, %dma_wait3A_347, %dma_wait3A_348] : memref<16384x20x128xf32, #tpu.memory_space<hbm>> -> memref<1x20x128xf32, #tpu.memory_space<hbm>>
    %dma_wait3A_350 = tpu.memref_squeeze %dma_wait3A_349 : memref<1x20x128xf32, #tpu.memory_space<hbm>> -> memref<20x128xf32, #tpu.memory_space<hbm>>
    %dma_wait3A_351 = arith.constant 40 : i32
    %dma_wait3A_352 = arith.constant 0 : i32
    %dma_wait3A_353 = tpu.memref_slice %arg7[%dma_wait3A_351, %dma_wait3A_352] : memref<320x128xf32, #tpu.memory_space<vmem>> -> memref<20x128xf32, #tpu.memory_space<vmem>>
    tpu.wait_dma2 semaphore(%arg11 : memref<!tpu.dma_semaphore, #tpu.memory_space<semaphore_mem>>) src(%dma_wait3A_353 : memref<20x128xf32, #tpu.memory_space<vmem>>) dst(%dma_wait3A_350 : memref<20x128xf32, #tpu.memory_space<hbm>>)
    %add3A_354 = arith.constant 496 : i32
    %add3A_355 = arith.addi %mul3A_4, %add3A_354 : i32
    %add3A_356 = arith.constant 3 : i32
    %add3A_357 = arith.addi %add3A_355, %add3A_356 : i32
    %dma_wait3A_358 = arith.constant 60 : i32
    %dma_wait3A_359 = arith.constant 0 : i32
    %dma_wait3A_360 = tpu.memref_slice %arg7[%dma_wait3A_358, %dma_wait3A_359] : memref<320x128xf32, #tpu.memory_space<vmem>> -> memref<20x128xf32, #tpu.memory_space<vmem>>
    %dma_wait3A_361 = arith.constant 0 : i32
    %dma_wait3A_362 = arith.constant 0 : i32
    %dma_wait3A_363 = tpu.memref_slice %arg4[%add3A_357, %dma_wait3A_361, %dma_wait3A_362] : memref<16384x20x128xf32, #tpu.memory_space<hbm>> -> memref<1x20x128xf32, #tpu.memory_space<hbm>>
    %dma_wait3A_364 = tpu.memref_squeeze %dma_wait3A_363 : memref<1x20x128xf32, #tpu.memory_space<hbm>> -> memref<20x128xf32, #tpu.memory_space<hbm>>
    %dma_wait3A_365 = arith.constant 0 : i32
    %dma_wait3A_366 = arith.constant 0 : i32
    %dma_wait3A_367 = tpu.memref_slice %arg4[%add3A_357, %dma_wait3A_365, %dma_wait3A_366] : memref<16384x20x128xf32, #tpu.memory_space<hbm>> -> memref<1x20x128xf32, #tpu.memory_space<hbm>>
    %dma_wait3A_368 = tpu.memref_squeeze %dma_wait3A_367 : memref<1x20x128xf32, #tpu.memory_space<hbm>> -> memref<20x128xf32, #tpu.memory_space<hbm>>
    %dma_wait3A_369 = arith.constant 60 : i32
    %dma_wait3A_370 = arith.constant 0 : i32
    %dma_wait3A_371 = tpu.memref_slice %arg7[%dma_wait3A_369, %dma_wait3A_370] : memref<320x128xf32, #tpu.memory_space<vmem>> -> memref<20x128xf32, #tpu.memory_space<vmem>>
    tpu.wait_dma2 semaphore(%arg11 : memref<!tpu.dma_semaphore, #tpu.memory_space<semaphore_mem>>) src(%dma_wait3A_371 : memref<20x128xf32, #tpu.memory_space<vmem>>) dst(%dma_wait3A_368 : memref<20x128xf32, #tpu.memory_space<hbm>>)
    %add3A_372 = arith.constant 496 : i32
    %add3A_373 = arith.addi %mul3A_4, %add3A_372 : i32
    %add3A_374 = arith.constant 4 : i32
    %add3A_375 = arith.addi %add3A_373, %add3A_374 : i32
    %dma_wait3A_376 = arith.constant 80 : i32
    %dma_wait3A_377 = arith.constant 0 : i32
    %dma_wait3A_378 = tpu.memref_slice %arg7[%dma_wait3A_376, %dma_wait3A_377] : memref<320x128xf32, #tpu.memory_space<vmem>> -> memref<20x128xf32, #tpu.memory_space<vmem>>
    %dma_wait3A_379 = arith.constant 0 : i32
    %dma_wait3A_380 = arith.constant 0 : i32
    %dma_wait3A_381 = tpu.memref_slice %arg4[%add3A_375, %dma_wait3A_379, %dma_wait3A_380] : memref<16384x20x128xf32, #tpu.memory_space<hbm>> -> memref<1x20x128xf32, #tpu.memory_space<hbm>>
    %dma_wait3A_382 = tpu.memref_squeeze %dma_wait3A_381 : memref<1x20x128xf32, #tpu.memory_space<hbm>> -> memref<20x128xf32, #tpu.memory_space<hbm>>
    %dma_wait3A_383 = arith.constant 0 : i32
    %dma_wait3A_384 = arith.constant 0 : i32
    %dma_wait3A_385 = tpu.memref_slice %arg4[%add3A_375, %dma_wait3A_383, %dma_wait3A_384] : memref<16384x20x128xf32, #tpu.memory_space<hbm>> -> memref<1x20x128xf32, #tpu.memory_space<hbm>>
    %dma_wait3A_386 = tpu.memref_squeeze %dma_wait3A_385 : memref<1x20x128xf32, #tpu.memory_space<hbm>> -> memref<20x128xf32, #tpu.memory_space<hbm>>
    %dma_wait3A_387 = arith.constant 80 : i32
    %dma_wait3A_388 = arith.constant 0 : i32
    %dma_wait3A_389 = tpu.memref_slice %arg7[%dma_wait3A_387, %dma_wait3A_388] : memref<320x128xf32, #tpu.memory_space<vmem>> -> memref<20x128xf32, #tpu.memory_space<vmem>>
    tpu.wait_dma2 semaphore(%arg11 : memref<!tpu.dma_semaphore, #tpu.memory_space<semaphore_mem>>) src(%dma_wait3A_389 : memref<20x128xf32, #tpu.memory_space<vmem>>) dst(%dma_wait3A_386 : memref<20x128xf32, #tpu.memory_space<hbm>>)
    %add3A_390 = arith.constant 496 : i32
    %add3A_391 = arith.addi %mul3A_4, %add3A_390 : i32
    %add3A_392 = arith.constant 5 : i32
    %add3A_393 = arith.addi %add3A_391, %add3A_392 : i32
    %dma_wait3A_394 = arith.constant 100 : i32
    %dma_wait3A_395 = arith.constant 0 : i32
    %dma_wait3A_396 = tpu.memref_slice %arg7[%dma_wait3A_394, %dma_wait3A_395] : memref<320x128xf32, #tpu.memory_space<vmem>> -> memref<20x128xf32, #tpu.memory_space<vmem>>
    %dma_wait3A_397 = arith.constant 0 : i32
    %dma_wait3A_398 = arith.constant 0 : i32
    %dma_wait3A_399 = tpu.memref_slice %arg4[%add3A_393, %dma_wait3A_397, %dma_wait3A_398] : memref<16384x20x128xf32, #tpu.memory_space<hbm>> -> memref<1x20x128xf32, #tpu.memory_space<hbm>>
    %dma_wait3A_400 = tpu.memref_squeeze %dma_wait3A_399 : memref<1x20x128xf32, #tpu.memory_space<hbm>> -> memref<20x128xf32, #tpu.memory_space<hbm>>
    %dma_wait3A_401 = arith.constant 0 : i32
    %dma_wait3A_402 = arith.constant 0 : i32
    %dma_wait3A_403 = tpu.memref_slice %arg4[%add3A_393, %dma_wait3A_401, %dma_wait3A_402] : memref<16384x20x128xf32, #tpu.memory_space<hbm>> -> memref<1x20x128xf32, #tpu.memory_space<hbm>>
    %dma_wait3A_404 = tpu.memref_squeeze %dma_wait3A_403 : memref<1x20x128xf32, #tpu.memory_space<hbm>> -> memref<20x128xf32, #tpu.memory_space<hbm>>
    %dma_wait3A_405 = arith.constant 100 : i32
    %dma_wait3A_406 = arith.constant 0 : i32
    %dma_wait3A_407 = tpu.memref_slice %arg7[%dma_wait3A_405, %dma_wait3A_406] : memref<320x128xf32, #tpu.memory_space<vmem>> -> memref<20x128xf32, #tpu.memory_space<vmem>>
    tpu.wait_dma2 semaphore(%arg11 : memref<!tpu.dma_semaphore, #tpu.memory_space<semaphore_mem>>) src(%dma_wait3A_407 : memref<20x128xf32, #tpu.memory_space<vmem>>) dst(%dma_wait3A_404 : memref<20x128xf32, #tpu.memory_space<hbm>>)
    %add3A_408 = arith.constant 496 : i32
    %add3A_409 = arith.addi %mul3A_4, %add3A_408 : i32
    %add3A_410 = arith.constant 6 : i32
    %add3A_411 = arith.addi %add3A_409, %add3A_410 : i32
    %dma_wait3A_412 = arith.constant 120 : i32
    %dma_wait3A_413 = arith.constant 0 : i32
    %dma_wait3A_414 = tpu.memref_slice %arg7[%dma_wait3A_412, %dma_wait3A_413] : memref<320x128xf32, #tpu.memory_space<vmem>> -> memref<20x128xf32, #tpu.memory_space<vmem>>
    %dma_wait3A_415 = arith.constant 0 : i32
    %dma_wait3A_416 = arith.constant 0 : i32
    %dma_wait3A_417 = tpu.memref_slice %arg4[%add3A_411, %dma_wait3A_415, %dma_wait3A_416] : memref<16384x20x128xf32, #tpu.memory_space<hbm>> -> memref<1x20x128xf32, #tpu.memory_space<hbm>>
    %dma_wait3A_418 = tpu.memref_squeeze %dma_wait3A_417 : memref<1x20x128xf32, #tpu.memory_space<hbm>> -> memref<20x128xf32, #tpu.memory_space<hbm>>
    %dma_wait3A_419 = arith.constant 0 : i32
    %dma_wait3A_420 = arith.constant 0 : i32
    %dma_wait3A_421 = tpu.memref_slice %arg4[%add3A_411, %dma_wait3A_419, %dma_wait3A_420] : memref<16384x20x128xf32, #tpu.memory_space<hbm>> -> memref<1x20x128xf32, #tpu.memory_space<hbm>>
    %dma_wait3A_422 = tpu.memref_squeeze %dma_wait3A_421 : memref<1x20x128xf32, #tpu.memory_space<hbm>> -> memref<20x128xf32, #tpu.memory_space<hbm>>
    %dma_wait3A_423 = arith.constant 120 : i32
    %dma_wait3A_424 = arith.constant 0 : i32
    %dma_wait3A_425 = tpu.memref_slice %arg7[%dma_wait3A_423, %dma_wait3A_424] : memref<320x128xf32, #tpu.memory_space<vmem>> -> memref<20x128xf32, #tpu.memory_space<vmem>>
    tpu.wait_dma2 semaphore(%arg11 : memref<!tpu.dma_semaphore, #tpu.memory_space<semaphore_mem>>) src(%dma_wait3A_425 : memref<20x128xf32, #tpu.memory_space<vmem>>) dst(%dma_wait3A_422 : memref<20x128xf32, #tpu.memory_space<hbm>>)
    %add3A_426 = arith.constant 496 : i32
    %add3A_427 = arith.addi %mul3A_4, %add3A_426 : i32
    %add3A_428 = arith.constant 7 : i32
    %add3A_429 = arith.addi %add3A_427, %add3A_428 : i32
    %dma_wait3A_430 = arith.constant 140 : i32
    %dma_wait3A_431 = arith.constant 0 : i32
    %dma_wait3A_432 = tpu.memref_slice %arg7[%dma_wait3A_430, %dma_wait3A_431] : memref<320x128xf32, #tpu.memory_space<vmem>> -> memref<20x128xf32, #tpu.memory_space<vmem>>
    %dma_wait3A_433 = arith.constant 0 : i32
    %dma_wait3A_434 = arith.constant 0 : i32
    %dma_wait3A_435 = tpu.memref_slice %arg4[%add3A_429, %dma_wait3A_433, %dma_wait3A_434] : memref<16384x20x128xf32, #tpu.memory_space<hbm>> -> memref<1x20x128xf32, #tpu.memory_space<hbm>>
    %dma_wait3A_436 = tpu.memref_squeeze %dma_wait3A_435 : memref<1x20x128xf32, #tpu.memory_space<hbm>> -> memref<20x128xf32, #tpu.memory_space<hbm>>
    %dma_wait3A_437 = arith.constant 0 : i32
    %dma_wait3A_438 = arith.constant 0 : i32
    %dma_wait3A_439 = tpu.memref_slice %arg4[%add3A_429, %dma_wait3A_437, %dma_wait3A_438] : memref<16384x20x128xf32, #tpu.memory_space<hbm>> -> memref<1x20x128xf32, #tpu.memory_space<hbm>>
    %dma_wait3A_440 = tpu.memref_squeeze %dma_wait3A_439 : memref<1x20x128xf32, #tpu.memory_space<hbm>> -> memref<20x128xf32, #tpu.memory_space<hbm>>
    %dma_wait3A_441 = arith.constant 140 : i32
    %dma_wait3A_442 = arith.constant 0 : i32
    %dma_wait3A_443 = tpu.memref_slice %arg7[%dma_wait3A_441, %dma_wait3A_442] : memref<320x128xf32, #tpu.memory_space<vmem>> -> memref<20x128xf32, #tpu.memory_space<vmem>>
    tpu.wait_dma2 semaphore(%arg11 : memref<!tpu.dma_semaphore, #tpu.memory_space<semaphore_mem>>) src(%dma_wait3A_443 : memref<20x128xf32, #tpu.memory_space<vmem>>) dst(%dma_wait3A_440 : memref<20x128xf32, #tpu.memory_space<hbm>>)
    %add3A_444 = arith.constant 496 : i32
    %add3A_445 = arith.addi %mul3A_4, %add3A_444 : i32
    %add3A_446 = arith.constant 8 : i32
    %add3A_447 = arith.addi %add3A_445, %add3A_446 : i32
    %dma_wait3A_448 = arith.constant 160 : i32
    %dma_wait3A_449 = arith.constant 0 : i32
    %dma_wait3A_450 = tpu.memref_slice %arg7[%dma_wait3A_448, %dma_wait3A_449] : memref<320x128xf32, #tpu.memory_space<vmem>> -> memref<20x128xf32, #tpu.memory_space<vmem>>
    %dma_wait3A_451 = arith.constant 0 : i32
    %dma_wait3A_452 = arith.constant 0 : i32
    %dma_wait3A_453 = tpu.memref_slice %arg4[%add3A_447, %dma_wait3A_451, %dma_wait3A_452] : memref<16384x20x128xf32, #tpu.memory_space<hbm>> -> memref<1x20x128xf32, #tpu.memory_space<hbm>>
    %dma_wait3A_454 = tpu.memref_squeeze %dma_wait3A_453 : memref<1x20x128xf32, #tpu.memory_space<hbm>> -> memref<20x128xf32, #tpu.memory_space<hbm>>
    %dma_wait3A_455 = arith.constant 0 : i32
    %dma_wait3A_456 = arith.constant 0 : i32
    %dma_wait3A_457 = tpu.memref_slice %arg4[%add3A_447, %dma_wait3A_455, %dma_wait3A_456] : memref<16384x20x128xf32, #tpu.memory_space<hbm>> -> memref<1x20x128xf32, #tpu.memory_space<hbm>>
    %dma_wait3A_458 = tpu.memref_squeeze %dma_wait3A_457 : memref<1x20x128xf32, #tpu.memory_space<hbm>> -> memref<20x128xf32, #tpu.memory_space<hbm>>
    %dma_wait3A_459 = arith.constant 160 : i32
    %dma_wait3A_460 = arith.constant 0 : i32
    %dma_wait3A_461 = tpu.memref_slice %arg7[%dma_wait3A_459, %dma_wait3A_460] : memref<320x128xf32, #tpu.memory_space<vmem>> -> memref<20x128xf32, #tpu.memory_space<vmem>>
    tpu.wait_dma2 semaphore(%arg11 : memref<!tpu.dma_semaphore, #tpu.memory_space<semaphore_mem>>) src(%dma_wait3A_461 : memref<20x128xf32, #tpu.memory_space<vmem>>) dst(%dma_wait3A_458 : memref<20x128xf32, #tpu.memory_space<hbm>>)
    %add3A_462 = arith.constant 496 : i32
    %add3A_463 = arith.addi %mul3A_4, %add3A_462 : i32
    %add3A_464 = arith.constant 9 : i32
    %add3A_465 = arith.addi %add3A_463, %add3A_464 : i32
    %dma_wait3A_466 = arith.constant 180 : i32
    %dma_wait3A_467 = arith.constant 0 : i32
    %dma_wait3A_468 = tpu.memref_slice %arg7[%dma_wait3A_466, %dma_wait3A_467] : memref<320x128xf32, #tpu.memory_space<vmem>> -> memref<20x128xf32, #tpu.memory_space<vmem>>
    %dma_wait3A_469 = arith.constant 0 : i32
    %dma_wait3A_470 = arith.constant 0 : i32
    %dma_wait3A_471 = tpu.memref_slice %arg4[%add3A_465, %dma_wait3A_469, %dma_wait3A_470] : memref<16384x20x128xf32, #tpu.memory_space<hbm>> -> memref<1x20x128xf32, #tpu.memory_space<hbm>>
    %dma_wait3A_472 = tpu.memref_squeeze %dma_wait3A_471 : memref<1x20x128xf32, #tpu.memory_space<hbm>> -> memref<20x128xf32, #tpu.memory_space<hbm>>
    %dma_wait3A_473 = arith.constant 0 : i32
    %dma_wait3A_474 = arith.constant 0 : i32
    %dma_wait3A_475 = tpu.memref_slice %arg4[%add3A_465, %dma_wait3A_473, %dma_wait3A_474] : memref<16384x20x128xf32, #tpu.memory_space<hbm>> -> memref<1x20x128xf32, #tpu.memory_space<hbm>>
    %dma_wait3A_476 = tpu.memref_squeeze %dma_wait3A_475 : memref<1x20x128xf32, #tpu.memory_space<hbm>> -> memref<20x128xf32, #tpu.memory_space<hbm>>
    %dma_wait3A_477 = arith.constant 180 : i32
    %dma_wait3A_478 = arith.constant 0 : i32
    %dma_wait3A_479 = tpu.memref_slice %arg7[%dma_wait3A_477, %dma_wait3A_478] : memref<320x128xf32, #tpu.memory_space<vmem>> -> memref<20x128xf32, #tpu.memory_space<vmem>>
    tpu.wait_dma2 semaphore(%arg11 : memref<!tpu.dma_semaphore, #tpu.memory_space<semaphore_mem>>) src(%dma_wait3A_479 : memref<20x128xf32, #tpu.memory_space<vmem>>) dst(%dma_wait3A_476 : memref<20x128xf32, #tpu.memory_space<hbm>>)
    %add3A_480 = arith.constant 496 : i32
    %add3A_481 = arith.addi %mul3A_4, %add3A_480 : i32
    %add3A_482 = arith.constant 10 : i32
    %add3A_483 = arith.addi %add3A_481, %add3A_482 : i32
    %dma_wait3A_484 = arith.constant 200 : i32
    %dma_wait3A_485 = arith.constant 0 : i32
    %dma_wait3A_486 = tpu.memref_slice %arg7[%dma_wait3A_484, %dma_wait3A_485] : memref<320x128xf32, #tpu.memory_space<vmem>> -> memref<20x128xf32, #tpu.memory_space<vmem>>
    %dma_wait3A_487 = arith.constant 0 : i32
    %dma_wait3A_488 = arith.constant 0 : i32
    %dma_wait3A_489 = tpu.memref_slice %arg4[%add3A_483, %dma_wait3A_487, %dma_wait3A_488] : memref<16384x20x128xf32, #tpu.memory_space<hbm>> -> memref<1x20x128xf32, #tpu.memory_space<hbm>>
    %dma_wait3A_490 = tpu.memref_squeeze %dma_wait3A_489 : memref<1x20x128xf32, #tpu.memory_space<hbm>> -> memref<20x128xf32, #tpu.memory_space<hbm>>
    %dma_wait3A_491 = arith.constant 0 : i32
    %dma_wait3A_492 = arith.constant 0 : i32
    %dma_wait3A_493 = tpu.memref_slice %arg4[%add3A_483, %dma_wait3A_491, %dma_wait3A_492] : memref<16384x20x128xf32, #tpu.memory_space<hbm>> -> memref<1x20x128xf32, #tpu.memory_space<hbm>>
    %dma_wait3A_494 = tpu.memref_squeeze %dma_wait3A_493 : memref<1x20x128xf32, #tpu.memory_space<hbm>> -> memref<20x128xf32, #tpu.memory_space<hbm>>
    %dma_wait3A_495 = arith.constant 200 : i32
    %dma_wait3A_496 = arith.constant 0 : i32
    %dma_wait3A_497 = tpu.memref_slice %arg7[%dma_wait3A_495, %dma_wait3A_496] : memref<320x128xf32, #tpu.memory_space<vmem>> -> memref<20x128xf32, #tpu.memory_space<vmem>>
    tpu.wait_dma2 semaphore(%arg11 : memref<!tpu.dma_semaphore, #tpu.memory_space<semaphore_mem>>) src(%dma_wait3A_497 : memref<20x128xf32, #tpu.memory_space<vmem>>) dst(%dma_wait3A_494 : memref<20x128xf32, #tpu.memory_space<hbm>>)
    %add3A_498 = arith.constant 496 : i32
    %add3A_499 = arith.addi %mul3A_4, %add3A_498 : i32
    %add3A_500 = arith.constant 11 : i32
    %add3A_501 = arith.addi %add3A_499, %add3A_500 : i32
    %dma_wait3A_502 = arith.constant 220 : i32
    %dma_wait3A_503 = arith.constant 0 : i32
    %dma_wait3A_504 = tpu.memref_slice %arg7[%dma_wait3A_502, %dma_wait3A_503] : memref<320x128xf32, #tpu.memory_space<vmem>> -> memref<20x128xf32, #tpu.memory_space<vmem>>
    %dma_wait3A_505 = arith.constant 0 : i32
    %dma_wait3A_506 = arith.constant 0 : i32
    %dma_wait3A_507 = tpu.memref_slice %arg4[%add3A_501, %dma_wait3A_505, %dma_wait3A_506] : memref<16384x20x128xf32, #tpu.memory_space<hbm>> -> memref<1x20x128xf32, #tpu.memory_space<hbm>>
    %dma_wait3A_508 = tpu.memref_squeeze %dma_wait3A_507 : memref<1x20x128xf32, #tpu.memory_space<hbm>> -> memref<20x128xf32, #tpu.memory_space<hbm>>
    %dma_wait3A_509 = arith.constant 0 : i32
    %dma_wait3A_510 = arith.constant 0 : i32
    %dma_wait3A_511 = tpu.memref_slice %arg4[%add3A_501, %dma_wait3A_509, %dma_wait3A_510] : memref<16384x20x128xf32, #tpu.memory_space<hbm>> -> memref<1x20x128xf32, #tpu.memory_space<hbm>>
    %dma_wait3A_512 = tpu.memref_squeeze %dma_wait3A_511 : memref<1x20x128xf32, #tpu.memory_space<hbm>> -> memref<20x128xf32, #tpu.memory_space<hbm>>
    %dma_wait3A_513 = arith.constant 220 : i32
    %dma_wait3A_514 = arith.constant 0 : i32
    %dma_wait3A_515 = tpu.memref_slice %arg7[%dma_wait3A_513, %dma_wait3A_514] : memref<320x128xf32, #tpu.memory_space<vmem>> -> memref<20x128xf32, #tpu.memory_space<vmem>>
    tpu.wait_dma2 semaphore(%arg11 : memref<!tpu.dma_semaphore, #tpu.memory_space<semaphore_mem>>) src(%dma_wait3A_515 : memref<20x128xf32, #tpu.memory_space<vmem>>) dst(%dma_wait3A_512 : memref<20x128xf32, #tpu.memory_space<hbm>>)
    %add3A_516 = arith.constant 496 : i32
    %add3A_517 = arith.addi %mul3A_4, %add3A_516 : i32
    %add3A_518 = arith.constant 12 : i32
    %add3A_519 = arith.addi %add3A_517, %add3A_518 : i32
    %dma_wait3A_520 = arith.constant 240 : i32
    %dma_wait3A_521 = arith.constant 0 : i32
    %dma_wait3A_522 = tpu.memref_slice %arg7[%dma_wait3A_520, %dma_wait3A_521] : memref<320x128xf32, #tpu.memory_space<vmem>> -> memref<20x128xf32, #tpu.memory_space<vmem>>
    %dma_wait3A_523 = arith.constant 0 : i32
    %dma_wait3A_524 = arith.constant 0 : i32
    %dma_wait3A_525 = tpu.memref_slice %arg4[%add3A_519, %dma_wait3A_523, %dma_wait3A_524] : memref<16384x20x128xf32, #tpu.memory_space<hbm>> -> memref<1x20x128xf32, #tpu.memory_space<hbm>>
    %dma_wait3A_526 = tpu.memref_squeeze %dma_wait3A_525 : memref<1x20x128xf32, #tpu.memory_space<hbm>> -> memref<20x128xf32, #tpu.memory_space<hbm>>
    %dma_wait3A_527 = arith.constant 0 : i32
    %dma_wait3A_528 = arith.constant 0 : i32
    %dma_wait3A_529 = tpu.memref_slice %arg4[%add3A_519, %dma_wait3A_527, %dma_wait3A_528] : memref<16384x20x128xf32, #tpu.memory_space<hbm>> -> memref<1x20x128xf32, #tpu.memory_space<hbm>>
    %dma_wait3A_530 = tpu.memref_squeeze %dma_wait3A_529 : memref<1x20x128xf32, #tpu.memory_space<hbm>> -> memref<20x128xf32, #tpu.memory_space<hbm>>
    %dma_wait3A_531 = arith.constant 240 : i32
    %dma_wait3A_532 = arith.constant 0 : i32
    %dma_wait3A_533 = tpu.memref_slice %arg7[%dma_wait3A_531, %dma_wait3A_532] : memref<320x128xf32, #tpu.memory_space<vmem>> -> memref<20x128xf32, #tpu.memory_space<vmem>>
    tpu.wait_dma2 semaphore(%arg11 : memref<!tpu.dma_semaphore, #tpu.memory_space<semaphore_mem>>) src(%dma_wait3A_533 : memref<20x128xf32, #tpu.memory_space<vmem>>) dst(%dma_wait3A_530 : memref<20x128xf32, #tpu.memory_space<hbm>>)
    %add3A_534 = arith.constant 496 : i32
    %add3A_535 = arith.addi %mul3A_4, %add3A_534 : i32
    %add3A_536 = arith.constant 13 : i32
    %add3A_537 = arith.addi %add3A_535, %add3A_536 : i32
    %dma_wait3A_538 = arith.constant 260 : i32
    %dma_wait3A_539 = arith.constant 0 : i32
    %dma_wait3A_540 = tpu.memref_slice %arg7[%dma_wait3A_538, %dma_wait3A_539] : memref<320x128xf32, #tpu.memory_space<vmem>> -> memref<20x128xf32, #tpu.memory_space<vmem>>
    %dma_wait3A_541 = arith.constant 0 : i32
    %dma_wait3A_542 = arith.constant 0 : i32
    %dma_wait3A_543 = tpu.memref_slice %arg4[%add3A_537, %dma_wait3A_541, %dma_wait3A_542] : memref<16384x20x128xf32, #tpu.memory_space<hbm>> -> memref<1x20x128xf32, #tpu.memory_space<hbm>>
    %dma_wait3A_544 = tpu.memref_squeeze %dma_wait3A_543 : memref<1x20x128xf32, #tpu.memory_space<hbm>> -> memref<20x128xf32, #tpu.memory_space<hbm>>
    %dma_wait3A_545 = arith.constant 0 : i32
    %dma_wait3A_546 = arith.constant 0 : i32
    %dma_wait3A_547 = tpu.memref_slice %arg4[%add3A_537, %dma_wait3A_545, %dma_wait3A_546] : memref<16384x20x128xf32, #tpu.memory_space<hbm>> -> memref<1x20x128xf32, #tpu.memory_space<hbm>>
    %dma_wait3A_548 = tpu.memref_squeeze %dma_wait3A_547 : memref<1x20x128xf32, #tpu.memory_space<hbm>> -> memref<20x128xf32, #tpu.memory_space<hbm>>
    %dma_wait3A_549 = arith.constant 260 : i32
    %dma_wait3A_550 = arith.constant 0 : i32
    %dma_wait3A_551 = tpu.memref_slice %arg7[%dma_wait3A_549, %dma_wait3A_550] : memref<320x128xf32, #tpu.memory_space<vmem>> -> memref<20x128xf32, #tpu.memory_space<vmem>>
    tpu.wait_dma2 semaphore(%arg11 : memref<!tpu.dma_semaphore, #tpu.memory_space<semaphore_mem>>) src(%dma_wait3A_551 : memref<20x128xf32, #tpu.memory_space<vmem>>) dst(%dma_wait3A_548 : memref<20x128xf32, #tpu.memory_space<hbm>>)
    %add3A_552 = arith.constant 496 : i32
    %add3A_553 = arith.addi %mul3A_4, %add3A_552 : i32
    %add3A_554 = arith.constant 14 : i32
    %add3A_555 = arith.addi %add3A_553, %add3A_554 : i32
    %dma_wait3A_556 = arith.constant 280 : i32
    %dma_wait3A_557 = arith.constant 0 : i32
    %dma_wait3A_558 = tpu.memref_slice %arg7[%dma_wait3A_556, %dma_wait3A_557] : memref<320x128xf32, #tpu.memory_space<vmem>> -> memref<20x128xf32, #tpu.memory_space<vmem>>
    %dma_wait3A_559 = arith.constant 0 : i32
    %dma_wait3A_560 = arith.constant 0 : i32
    %dma_wait3A_561 = tpu.memref_slice %arg4[%add3A_555, %dma_wait3A_559, %dma_wait3A_560] : memref<16384x20x128xf32, #tpu.memory_space<hbm>> -> memref<1x20x128xf32, #tpu.memory_space<hbm>>
    %dma_wait3A_562 = tpu.memref_squeeze %dma_wait3A_561 : memref<1x20x128xf32, #tpu.memory_space<hbm>> -> memref<20x128xf32, #tpu.memory_space<hbm>>
    %dma_wait3A_563 = arith.constant 0 : i32
    %dma_wait3A_564 = arith.constant 0 : i32
    %dma_wait3A_565 = tpu.memref_slice %arg4[%add3A_555, %dma_wait3A_563, %dma_wait3A_564] : memref<16384x20x128xf32, #tpu.memory_space<hbm>> -> memref<1x20x128xf32, #tpu.memory_space<hbm>>
    %dma_wait3A_566 = tpu.memref_squeeze %dma_wait3A_565 : memref<1x20x128xf32, #tpu.memory_space<hbm>> -> memref<20x128xf32, #tpu.memory_space<hbm>>
    %dma_wait3A_567 = arith.constant 280 : i32
    %dma_wait3A_568 = arith.constant 0 : i32
    %dma_wait3A_569 = tpu.memref_slice %arg7[%dma_wait3A_567, %dma_wait3A_568] : memref<320x128xf32, #tpu.memory_space<vmem>> -> memref<20x128xf32, #tpu.memory_space<vmem>>
    tpu.wait_dma2 semaphore(%arg11 : memref<!tpu.dma_semaphore, #tpu.memory_space<semaphore_mem>>) src(%dma_wait3A_569 : memref<20x128xf32, #tpu.memory_space<vmem>>) dst(%dma_wait3A_566 : memref<20x128xf32, #tpu.memory_space<hbm>>)
    %add3A_570 = arith.constant 496 : i32
    %add3A_571 = arith.addi %mul3A_4, %add3A_570 : i32
    %add3A_572 = arith.constant 15 : i32
    %add3A_573 = arith.addi %add3A_571, %add3A_572 : i32
    %dma_wait3A_574 = arith.constant 300 : i32
    %dma_wait3A_575 = arith.constant 0 : i32
    %dma_wait3A_576 = tpu.memref_slice %arg7[%dma_wait3A_574, %dma_wait3A_575] : memref<320x128xf32, #tpu.memory_space<vmem>> -> memref<20x128xf32, #tpu.memory_space<vmem>>
    %dma_wait3A_577 = arith.constant 0 : i32
    %dma_wait3A_578 = arith.constant 0 : i32
    %dma_wait3A_579 = tpu.memref_slice %arg4[%add3A_573, %dma_wait3A_577, %dma_wait3A_578] : memref<16384x20x128xf32, #tpu.memory_space<hbm>> -> memref<1x20x128xf32, #tpu.memory_space<hbm>>
    %dma_wait3A_580 = tpu.memref_squeeze %dma_wait3A_579 : memref<1x20x128xf32, #tpu.memory_space<hbm>> -> memref<20x128xf32, #tpu.memory_space<hbm>>
    %dma_wait3A_581 = arith.constant 0 : i32
    %dma_wait3A_582 = arith.constant 0 : i32
    %dma_wait3A_583 = tpu.memref_slice %arg4[%add3A_573, %dma_wait3A_581, %dma_wait3A_582] : memref<16384x20x128xf32, #tpu.memory_space<hbm>> -> memref<1x20x128xf32, #tpu.memory_space<hbm>>
    %dma_wait3A_584 = tpu.memref_squeeze %dma_wait3A_583 : memref<1x20x128xf32, #tpu.memory_space<hbm>> -> memref<20x128xf32, #tpu.memory_space<hbm>>
    %dma_wait3A_585 = arith.constant 300 : i32
    %dma_wait3A_586 = arith.constant 0 : i32
    %dma_wait3A_587 = tpu.memref_slice %arg7[%dma_wait3A_585, %dma_wait3A_586] : memref<320x128xf32, #tpu.memory_space<vmem>> -> memref<20x128xf32, #tpu.memory_space<vmem>>
    tpu.wait_dma2 semaphore(%arg11 : memref<!tpu.dma_semaphore, #tpu.memory_space<semaphore_mem>>) src(%dma_wait3A_587 : memref<20x128xf32, #tpu.memory_space<vmem>>) dst(%dma_wait3A_584 : memref<20x128xf32, #tpu.memory_space<hbm>>)
    return
  }
}

</mosaic_0001>

<sc_bundles>
// kernel: kernel.3.cloned.1.call-start
scs
__scs_entry_jumppad:
0x0: {  	(pc) =	sbr.rel $0x88, $3  }
0x1: {  	(tag) =	ssettag $0x0;
	lr =	simm.s32 $0x1  }
0x2: {  	[smem:$0x3F9F] =	sst lr;
	_ =	strace $0xD0000000  }
0x3: {  	_ = 	snop  }
0x4: {  	_ = 	snop  }
0x5: {  	_ = 	snop  }
0x6: {  	_ = 	snop  }
0x7: {  	_ = 	snop  }
__scs_overlays_trampoline_lowered:
0x8: {  	[smem:$0x3FAE] =	sst s0  }
0x9: {  	[smem:$0x3FAF] =	sst s1  }
0xa: {  	[smem:$0x3FB0] =	sst s2  }
0xb: {  	[smem:$0x3FB1] =	sst s3  }
0xc: {  	[smem:$0x3FB2] =	sst s4  }
0xd: {  	[smem:$0x3FB3] =	sst s5  }
0xe: {  	[smem:$0x3FB4] =	sst s6  }
0xf: {  	[smem:$0x3FB5] =	sst s7  }
0x10: {  	[smem:$0x3FB6] =	sst s8  }
0x11: {  	[smem:$0x3FB7] =	sst s9;
	s0 =	simm.s32 @!p0 $0x0  }
0x12: {  	s1 =	sld [smem:$0x3F9D];
	s0 =	simm.s32 @p0 $0x1  }
0x13: {  	[smem:$0x3FB8] =	sst s0;
	s0 =	simm.s32 @!p1 $0x0  }
0x14: {  	s2 =	sld [smem:$0x3F9C];
	s0 =	simm.s32 @p1 $0x1  }
0x15: {  	[smem:$0x3FB9] =	sst s0;
	s0 =	simm.s32 @!p2 $0x0  }
0x16: {  	s3 =	sld [smem:$0x3FDB];
	s0 =	simm.s32 @p2 $0x1  }
0x17: {  	s4 =	simm.s32 $0x1BF5;
	[smem:$0x3FBB] =	sst s0  }
0x18: {  	s0 =	sld [smem:$0x3F9E];
	_ =	swait.ge [sflag:s4], $0x0  }
0x19: {  	s7 =	sld [smem:$0x3F9F]  }
0x1a: {  	s8 =	sadd.s32 $0xFFFFE003, lr  }
0x1b: {  	s9 =	sadd.s32 $0xFFFFFEF7, lr;
	s5 =	simm.s32 $0xFFFFFFFF;
	p2 =	slt.u32 s8, $0xFFFFF086  }
0x1c: {  	p1 =	slt.u32 s9, $0xF7A;
	s5 =	simm.s32 @!p2 $0x0  }
0x1d: {  	s5 =	simm.s32 @p1 $0x1;
	p0 =	seq.s32 s7, s2  }
0x1e: {  	s7 =	smul.u32 @!p0 $0xF7A, s2;
	p2 =	seq.s32 @!p0 s5, $0x0  }
0x1f: {  	s9 =	smul.u32 $0xF7A, s1;
	s8 =	simm.s32 @!p0 $0x1BF5;
	p2 =	por !p2, p0  }
0x20: {  	[sflag:s8] =	ssyncset.s32 @!p0 $0xFFFFF086;
	s6 =	sadd.s32 @!p0 s3, s7;
	s7 =	simm.s32 @!p0 $0x108  }
0x21: {  	s3 =	sadd.s32 s3, s9;
	s6 =	sadd.s32 @!p0 $0x88, s6;
	s7 =	simm.s32 @p2 $0x1082  }
0x22: {  	[simem:s7], [sflag:s8] =	dma.local @!p0 [hbm:s6], $0xF7A  }
0x23: {  	s9 =	sor.u32 $0xD0000000, s2;
	s6 =	simm.s32 $0x108;
	_ =	swait.ge @!p0 [sflag:s8], $0x0  }
0x24: {  	s3 =	sadd.s32 $0x88, s3;
	s6 =	simm.s32 @!p1 $0x1082;
	[sflag:s4] =	ssyncset.s32 $0xFFFFF086  }
0x25: {  	[simem:s6], [sflag:s4] =	dma.local [hbm:s3], $0xF7A  }
0x26: {  	[smem:$0x3F9F] =	sst s1;
	(tag) =	ssettag s2;
	_ =	strace s9  }
0x27: {  	s1 =	sld [smem:$0x3FAF]  }
0x28: {  	s2 =	sld [smem:$0x3FB0]  }
0x29: {  	s4 =	sld [smem:$0x3FB2]  }
0x2a: {  	p0 =	seq.s32 s5, $0x0;
	s5 =	sld [smem:$0x3FB3]  }
0x2b: {  	s6 =	sld [smem:$0x3FB4]  }
0x2c: {  	s7 =	sld [smem:$0x3FB5]  }
0x2d: {  	s3 =	simm.s32 $0x108;
	s8 =	sld [smem:$0x3FB6]  }
0x2e: {  	s3 =	simm.s32 @!p0 $0x1082;
	s9 =	sld [smem:$0x3FB7]  }
0x2f: {  	lr =	sadd.s32 s0, s3;
	s0 =	sld [smem:$0x3FAE]  }
0x30: {  	s3 =	sld [smem:$0x3FB1]  }
0x31: {  	[smem:$0x3FBA] =	sst s10  }
0x32: {  	s10 =	sld [smem:$0x3FB8];
	_ =	sdelay $0x3  }
0x33: {  	p0 =	seq.s32 s10, $0x1;
	s10 =	sld [smem:$0x3FBA];
	_ =	sdelay $0x3  }
0x34: {  	[smem:$0x3FBA] =	sst s10  }
0x35: {  	s10 =	sld [smem:$0x3FB9];
	_ =	sdelay $0x3  }
0x36: {  	p1 =	seq.s32 s10, $0x1;
	s10 =	sld [smem:$0x3FBA];
	_ =	sdelay $0x3  }
0x37: {  	[smem:$0x3FBA] =	sst s10  }
0x38: {  	s10 =	sld [smem:$0x3FBB]  }
0x39: {  	_ = 	snop;
	(pc) =	sbr.ind lr, $3  }
0x3a: {  	_ = 	snop  }
0x3b: {  	_ = 	snop  }
0x3c: {  	p2 =	seq.s32 s10, $0x1;
	s10 =	sld [smem:$0x3FBA]  }
0x3d: {  	_ =	shalt  }
0x3e: {  	_ =	shalt  }
0x3f: {  	_ =	shalt  }
0x40: {  	_ =	shalt  }
0x41: {  	_ =	shalt  }
0x42: {  	_ =	shalt  }
0x43: {  	_ =	shalt  }
0x44: {  	_ =	shalt  }
0x45: {  	_ =	shalt  }
0x46: {  	_ =	shalt  }
0x47: {  	_ =	shalt  }
0x48: {  	_ =	shalt  }
0x49: {  	_ =	shalt  }
0x4a: {  	_ =	shalt  }
0x4b: {  	_ =	shalt  }
0x4c: {  	_ =	shalt  }
0x4d: {  	_ =	shalt  }
0x4e: {  	_ =	shalt  }
0x4f: {  	_ =	shalt  }
0x50: {  	_ =	shalt  }
0x51: {  	_ =	shalt  }
0x52: {  	_ =	shalt  }
0x53: {  	_ =	shalt  }
0x54: {  	_ =	shalt  }
0x55: {  	_ =	shalt  }
0x56: {  	_ =	shalt  }
0x57: {  	_ =	shalt  }
0x58: {  	_ =	shalt  }
0x59: {  	_ =	shalt  }
0x5a: {  	_ =	shalt  }
0x5b: {  	_ =	shalt  }
0x5c: {  	_ =	shalt  }
0x5d: {  	_ =	shalt  }
0x5e: {  	_ =	shalt  }
0x5f: {  	_ =	shalt  }
0x60: {  	_ =	shalt  }
0x61: {  	_ =	shalt  }
0x62: {  	_ =	shalt  }
0x63: {  	_ =	shalt  }
0x64: {  	_ =	shalt  }
0x65: {  	_ =	shalt  }
0x66: {  	_ =	shalt  }
0x67: {  	_ =	shalt  }
0x68: {  	_ =	shalt  }
0x69: {  	_ =	shalt  }
0x6a: {  	_ =	shalt  }
0x6b: {  	_ =	shalt  }
0x6c: {  	_ =	shalt  }
0x6d: {  	_ =	shalt  }
0x6e: {  	_ =	shalt  }
0x6f: {  	_ =	shalt  }
0x70: {  	_ =	shalt  }
0x71: {  	_ =	shalt  }
0x72: {  	_ =	shalt  }
0x73: {  	_ =	shalt  }
0x74: {  	_ =	shalt  }
0x75: {  	_ =	shalt  }
0x76: {  	_ =	shalt  }
0x77: {  	_ =	shalt  }
0x78: {  	_ =	shalt  }
0x79: {  	_ =	shalt  }
0x7a: {  	_ =	shalt  }
0x7b: {  	_ =	shalt  }
0x7c: {  	_ =	shalt  }
0x7d: {  	_ =	shalt  }
0x7e: {  	_ =	shalt  }
0x7f: {  	_ =	shalt  }
0x80: {  	_ =	shalt  }
0x81: {  	_ =	shalt  }
0x82: {  	_ =	shalt  }
0x83: {  	_ =	shalt  }
0x84: {  	_ =	shalt  }
0x85: {  	_ =	shalt  }
0x86: {  	_ =	shalt  }
0x87: {  	_ =	shalt  }
.Lfunc_end0:
.L_simem_size_0:
called_computation.1_lowered:
.L_overlay_start_0:
0x88: {  	s2 =	sld [smem:$0x3FD9]  }
0x89: {  	s3 =	sld [smem:$0x3FFE];
	_ =	sdelay $0x1  }
0x8a: {  	s1 =	srdreg.scid  }
0x8b: {  	s0 =	sand.u32 $0x1, s1  }
0x8c: {  	s17 =	sshll.u32 s0, $0xA;
	s2 =	sadd.s32 s3, s2  }
0x8d: {  	s2 =	sadd.s32 s2, s17  }
0x8e: {  	[smem:$0x3FC6] =	sst s2  }
0x8f: {  	_ = 	snop  }
0x90: {  	s2 =	sld [smem:$0x3FD0];
	(tm) =	ssettm $0x1  }
0x91: {  	s18 =	sld [smem:$0x3FFB];
	_ =	sdelay $0x3  }
0x92: {  	_ =	strace s18  }
0x93: {  	s3 =	sld [smem:$0x3FFC];
	_ =	sdelay $0x3  }
0x94: {  	_ =	strace s3  }
0x95: {  	s3 =	sld [smem:$0x3FFD];
	_ =	sdelay $0x3  }
0x96: {  	_ =	strace s3  }
0x97: {  	_ =	strace $0x8FFFFFFF  }
0x98: {  	s19 =	sld [smem:$0x3FDB];
	_ =	sdelay $0x1  }
0x99: {  	s4 =	simm.s32 $_scs_section_size  }
0x9a: {  	s5 =	simm.s32 $_size__tile_overlayer_lowered;
	s6 =	simm.s32 $_tile_overlayer_lowered  }
0x9b: {  	s22 =	simm.s32 $0x1BFF;
	s21 =	sshll.u32 s6, $0x1;
	s3 =	sadd.s32 s4, s19  }
0x9c: {  	s7 =	simm.s32 $0x0;
	s20 =	sshll.u32 s5, $0x1;
	s5 =	sadd.s32 s21, s3  }
0x9d: {  	[timem:s7], [sflag:s22] =	dma.local [hbm:s5], s20  }
0x9e: {  	_ =	swait.ge [sflag:s22], s20  }
0x9f: {  	s4 =	ssub.s32 $0x0, s20;
	[sflag:s22] =	ssyncset.done $0x0  }
0xa0: {  	[sflag:s22] =	ssyncadd.s32 s4;
	_ =	sdelay $0x1  }
0xa1: {  	s23 =	simm.s32 $0x1B8B  }
0xa2: {  	_ =	swait.ge [sflag:s23], $0x1  }
0xa3: {  	[sflag:s23] =	ssyncset.done $0x0  }
0xa4: {  	s25 =	simm.s32 $0x1B8E;
	s24 =	sld [smem:$0x3FFE];
	[sflag:s23] =	ssyncadd.s32 $0xFFFFFFFF  }
0xa5: {  	s26 =	simm.s32 $execute0_lowered;
	[smem:$0x3FD2] =	sst s25  }
0xa6: {  	s5 =	sshll.u32 s26, $0x1;
	_ =	strace $0x80000046;
	[dreg:$0x1] =	wrdreg $0xFFFFFFFF  }
0xa7: {  	s28 =	simm.s32 $_size_execute0_lowered;
	s3 =	sadd.s32 s3, s5;
	[dreg:$0x0] =	wrdreg $0x0  }
0xa8: {  	s5 =	sshll.u32 s28, $0x1;
	[dreg:$0x2] =	wrdreg s3  }
0xa9: {  	[dreg:$0x3] =	wrdreg s5  }
0xaa: {  	[dreg:$0x4] =	wrdreg $0xC0  }
0xab: {  	_ =	task [dreg:s7], $0x5FFFF  }
0xac: {  	[dreg:$0x1] =	wrdreg $0xFFFFFFFF  }
0xad: {  	[dreg:$0x0] =	wrdreg $0x60  }
0xae: {  	[dreg:$0x2] =	wrdreg s2  }
0xaf: {  	[dreg:$0x3] =	wrdreg s24  }
0xb0: {  	[dreg:$0x4] =	wrdreg $0x9  }
0xb1: {  	_ =	task.clear_ibuf [dreg:s7], $0x5FFFF;
	_ =	strace $0x90000046  }
0xb2: {  	s29 =	simm.s32 $0x9;
	_ =	strace $0x80000048  }
0xb3: {  	_ =	swait.ge [sflag:s29], $0x1  }
0xb4: {  	[sflag:s29] =	ssyncadd.s32 $0xFFFFFFFF  }
0xb5: {  	_ =	strace $0x90000048  }
0xb6: {  	_ =	sfence  }
0xb7: {  	s30 =	sld [smem:$0x0];
	_ =	sdelay $0x2  }
0xb8: {  	s31 =	sshll.u32 s1, $0xD;
	s1 =	sshrl.u32 s1, $0x2  }
0xb9: {  	s3 =	sand.u32 $0x4000, s31;
	s1 =	sadd.s32 s1, s30  }
0xba: {  	s0 =	sor.u32 s3, s0;
	s1 =	sshll.u32 s1, $0x11  }
0xbb: {  	s0 =	sor.u32 s1, s0  }
0xbc: {  	s0 =	sadd.s32 $0x8F2B, s0  }
0xbd: {  	[sflag:s0] =	ssyncadd.remote.s32 $0x1  }
0xbe: {  	_ =	sfence.sel $0xFFFF  }
0xbf: {  	[dreg:$0x0] =	wrdreg $0xFFFFFFFF;
	(pc) =	sbr.abs _section_cstart, $3  }
0xc0: {  	[dreg:$0x1] =	wrdreg $0xFFFFFFFF  }
0xc1: {  	_ =	task.clear_ibuf [dreg:s7], $0x2FFFF;
	_ =	strace $0x9FFFFFFF  }
0xc2: {  	(tm) =	ssettm $0x7FFFFFFF  }
0xc3: {  	_ =	shalt  }
tec
execute0_lowered:
.L_overlay_start_1:
0x0: {  	(tag) =	ssettag $0x1  }
0x1: {  	s0 =	rddreg [dreg:$0x0]  }
0x2: {  	s1 =	rddreg [dreg:$0x1]  }
0x3: {  	s3 =	srdreg.scid;
	s10 =	stileid.u32  }
0x4: {  	s2 =	simm.s32 $0x0;
	s30 =	simm.s32 $0x15E00;
	s31 =	simm.s32 $0x3  }
0x5: {  	s4 =	sand.u32 $0x1, s3;
	s5 =	smul.u32 $0x300000, s10;
	[smem:$0x7FF] =	sst s2  }
0x6: {  	s6 =	sshll.u32 s10, $0x1;
	s3 =	sadd.s32 $0xF42E00, s1;
	s21 =	smul.u32 $0x60000, s10  }
0x7: {  	s1 =	sadd.s32 $0xA00, s1;
	s7 =	smul.u32 $0x180000, s4;
	s6 =	sor.u32 s4, s6  }
0x8: {  	_ =	strace $0x80000047;
	s8 =	ssub.s32 $0x2, s4;
	s6 =	smul.u32 $0x500, s6  }
0x9: {  	s4 =	smul.u32 $0x30000, s4;
	s14 =	sshrl.u32 s8, $0x1;
	s5 =	sadd.s32 s7, s5  }
0xa: {  	s7 =	ssub.s32 s8, s14;
	s9 =	sor.u32 $0xB400, s5;
	s0 =	sadd.s32 s0, s6  }
0xb: {  	s16 =	smax.u32 s7, $0x1;
	s17 =	sor.u32 $0xA800, s5;
	s18 =	sor.u32 $0x9C00, s5  }
0xc: {  	s19 =	sor.u32 $0x9000, s5;
	s22 =	sor.u32 $0x8400, s5;
	s11 =	sor.u32 $0x17400, s5  }
0xd: {  	s23 =	sor.u32 $0x16800, s5;
	s24 =	sor.u32 $0x15C00, s5;
	s13 =	sor.u32 $0x15000, s5  }
0xe: {  	s25 =	sor.u32 $0x14400, s5;
	s26 =	sor.u32 $0x13800, s5;
	s28 =	sor.u32 $0x12000, s5  }
0xf: {  	s29 =	sor.u32 $0x11400, s5;
	[dreg:$0x3] =	wrdreg s0;
	s15 =	sshrl.u32 s9, $0x3  }
0x10: {  	[dreg:$0x4] =	wrdreg s16;
	s0 =	sshrl.u32 s17, $0x3;
	s20 =	sshrl.u32 s18, $0x3  }
0x11: {  	s9 =	sshrl.u32 s19, $0x3;
	s10 =	sshrl.u32 s22, $0x3;
	s12 =	sshrl.u32 s11, $0x3  }
0x12: {  	s16 =	sor.u32 $0x12C00, s5;
	s5 =	sor.u32 $0x10800, s5;
	s22 =	simm.s32 $0x0  }
0x13: {  	s6 =	sadd.s32 s15, s1;
	s7 =	sadd.s32 s0, s1;
	s8 =	sadd.s32 s20, s1  }
0x14: {  	s9 =	sadd.s32 s9, s1;
	s0 =	sadd.s32 s21, s1;
	s10 =	sadd.s32 s10, s1  }
0x15: {  	s12 =	sadd.s32 s12, s1;
	s15 =	sshrl.u32 s13, $0x3;
	s18 =	sshrl.u32 s16, $0x3  }
0x16: {  	s5 =	sshrl.u32 s5, $0x3;
	s11 =	sadd.s32 s4, s0;
	s0 =	sshrl.u32 s23, $0x3  }
0x17: {  	s4 =	sshrl.u32 s24, $0x3;
	s15 =	sadd.s32 s15, s1;
	s18 =	sadd.s32 s18, s1  }
0x18: {  	s21 =	sadd.s32 s5, s1;
	s23 =	simm.s32 $0x140;
	s24 =	simm.s32 $0x2800  }
.Ltmp0:
0x19: {  	s13 =	sadd.s32 s0, s1;
	s0 =	sshrl.u32 s25, $0x3;
	(pc) =	sbr.rel .LBB2_1-.Ltmp0, $4  }
0x1a: {  	s14 =	sadd.s32 s4, s1;
	s4 =	sshrl.u32 s26, $0x3;
	s16 =	sadd.s32 s0, s1  }
0x1b: {  	s17 =	sadd.s32 s4, s1;
	s0 =	sshrl.u32 s28, $0x3;
	s4 =	sshrl.u32 s29, $0x3  }
0x1c: {  	s25 =	simm.s32 $0x1;
	s19 =	sadd.s32 s0, s1;
	s20 =	sadd.s32 s4, s1  }
0x1d: {  	s0 =	simm.s32 $0xC800;
	s1 =	simm.s32 $0x2;
	s4 =	simm.s32 $0x4  }
.LBB2_4:
0x1e: {  	_ =	swait.ge [sflag:s4], $0xA00  }
0x1f: {  	[sflag:s4] =	ssyncset.done $0x0  }
0x20: {  	[sflag:s4] =	ssyncadd.s32 $0xFFFFF600  }
0x21: {  	_ =	swait.ge [sflag:s4], $0xA00  }
0x22: {  	[sflag:s4] =	ssyncset.done $0x0  }
0x23: {  	[sflag:s4] =	ssyncadd.s32 $0xFFFFF600  }
0x24: {  	_ =	swait.ge [sflag:s4], $0xA00  }
0x25: {  	[sflag:s4] =	ssyncset.done $0x0  }
0x26: {  	[sflag:s4] =	ssyncadd.s32 $0xFFFFF600  }
0x27: {  	_ =	swait.ge [sflag:s4], $0xA00  }
0x28: {  	[sflag:s4] =	ssyncset.done $0x0  }
0x29: {  	[sflag:s4] =	ssyncadd.s32 $0xFFFFF600  }
0x2a: {  	_ =	swait.ge [sflag:s4], $0xA00  }
0x2b: {  	[sflag:s4] =	ssyncset.done $0x0  }
0x2c: {  	[sflag:s4] =	ssyncadd.s32 $0xFFFFF600  }
0x2d: {  	_ =	swait.ge [sflag:s4], $0xA00  }
0x2e: {  	[sflag:s4] =	ssyncset.done $0x0  }
0x2f: {  	[sflag:s4] =	ssyncadd.s32 $0xFFFFF600  }
0x30: {  	_ =	swait.ge [sflag:s4], $0xA00  }
0x31: {  	[sflag:s4] =	ssyncset.done $0x0  }
0x32: {  	[sflag:s4] =	ssyncadd.s32 $0xFFFFF600  }
0x33: {  	_ =	swait.ge [sflag:s4], $0xA00  }
0x34: {  	[sflag:s4] =	ssyncset.done $0x0  }
0x35: {  	[sflag:s4] =	ssyncadd.s32 $0xFFFFF600  }
0x36: {  	_ =	swait.ge [sflag:s4], $0xA00  }
0x37: {  	[sflag:s4] =	ssyncset.done $0x0  }
0x38: {  	[sflag:s4] =	ssyncadd.s32 $0xFFFFF600  }
0x39: {  	_ =	swait.ge [sflag:s4], $0xA00  }
0x3a: {  	[sflag:s4] =	ssyncset.done $0x0  }
0x3b: {  	[sflag:s4] =	ssyncadd.s32 $0xFFFFF600  }
0x3c: {  	_ =	swait.ge [sflag:s4], $0xA00  }
0x3d: {  	[sflag:s4] =	ssyncset.done $0x0  }
0x3e: {  	[sflag:s4] =	ssyncadd.s32 $0xFFFFF600  }
0x3f: {  	_ =	swait.ge [sflag:s4], $0xA00  }
0x40: {  	[sflag:s4] =	ssyncset.done $0x0  }
0x41: {  	[sflag:s4] =	ssyncadd.s32 $0xFFFFF600  }
0x42: {  	_ =	swait.ge [sflag:s4], $0xA00  }
0x43: {  	[sflag:s4] =	ssyncset.done $0x0  }
0x44: {  	[sflag:s4] =	ssyncadd.s32 $0xFFFFF600  }
0x45: {  	_ =	swait.ge [sflag:s4], $0xA00  }
0x46: {  	[sflag:s4] =	ssyncset.done $0x0  }
0x47: {  	[sflag:s4] =	ssyncadd.s32 $0xFFFFF600  }
0x48: {  	_ =	swait.ge [sflag:s4], $0xA00  }
0x49: {  	[sflag:s4] =	ssyncset.done $0x0  }
0x4a: {  	[sflag:s4] =	ssyncadd.s32 $0xFFFFF600  }
0x4b: {  	_ =	swait.ge [sflag:s4], $0xA00  }
0x4c: {  	s22 =	rddreg [dreg:$0x5]  }
0x4d: {  	s5 =	rddreg [dreg:$0x4];
	s22 =	sadd.s32 $0x1, s22  }
0x4e: {  	p0 =	sne.s32 s22, s5  }
.Ltmp1:
0x4f: {  	_ = 	snop;
	(pc) =	sbr.rel @!p0 .LBB2_5-.Ltmp1, $3  }
0x50: {  	_ =	sdelay $0x1  }
0x51: {  	[sflag:s4] =	ssyncset.done $0x0  }
0x52: {  	[sflag:s4] =	ssyncadd.s32 $0xFFFFF600  }
.LBB2_1:
0x53: {  	[dreg:$0x5] =	wrdreg s22  }
0x54: {  	s5 =	rddreg [dreg:$0x3];
	s29 =	simm.s32 $0x5  }
0x55: {  	[tilespmem:s2], [sflag:$0x5] =	stream.linear.gather [hbm4b:s5+s2], $0x2800, $0x38;
	[tilespmem:$0x16800] =	vst v63  }
0x56: {  	_ =	swait.ge [sflag:s29], $0x2800  }
0x57: {  	[sflag:s29] =	ssyncset.done $0x0  }
0x58: {  	s22 =	simm.s32 $0x0;
	s5 =	simm.s32 $0x280;
	[sflag:s29] =	ssyncadd.s32 $0xFFFFD800  }
0x59: {  	[tilespmem:s24], [sflag:$0x1] =	stream.indirect.gather [hbm4b:s3+s23], $0x80, s2, s23, $0xb8;
	[tilespmem:$0x16800] =	vst v63  }
.LBB2_2:
0x5a: {  	_ =	swait.ge [sflag:s25], $0xA000  }
0x5b: {  	[sflag:s25] =	ssyncset.done $0x0  }
0x5c: {  	s26 =	sadd.s32 s22, s11;
	[sflag:s25] =	ssyncadd.s32 $0xFFFF6000  }
0x5d: {  	[hbm4b:s26+s2] =	stream.linear.scatter [tilespmem:s24], [sflag:$0x3], $0xA00, $0x38;
	[tilespmem:$0x16800] =	vst v63  }
0x5e: {  	s29 =	simm.s32 $0x3200;
	s28 =	sadd.s32 $0x180, s26  }
0x5f: {  	[hbm4b:s28+s2] =	stream.linear.scatter [tilespmem:s29], [sflag:$0x3], $0xA00, $0x38;
	[tilespmem:$0x16800] =	vst v63  }
0x60: {  	s28 =	sadd.s32 $0x300, s26;
	s29 =	simm.s32 $0x3C00  }
0x61: {  	[hbm4b:s28+s2] =	stream.linear.scatter [tilespmem:s29], [sflag:$0x3], $0xA00, $0x38;
	[tilespmem:$0x16800] =	vst v63  }
0x62: {  	s28 =	sadd.s32 $0x480, s26;
	s29 =	simm.s32 $0x4600  }
0x63: {  	[hbm4b:s28+s2] =	stream.linear.scatter [tilespmem:s29], [sflag:$0x3], $0xA00, $0x38;
	[tilespmem:$0x16800] =	vst v63  }
0x64: {  	s28 =	sadd.s32 $0x600, s26;
	s29 =	simm.s32 $0x5000  }
0x65: {  	[hbm4b:s28+s2] =	stream.linear.scatter [tilespmem:s29], [sflag:$0x3], $0xA00, $0x38;
	[tilespmem:$0x16800] =	vst v63  }
0x66: {  	s28 =	sadd.s32 $0x780, s26;
	s29 =	simm.s32 $0x5A00  }
0x67: {  	[hbm4b:s28+s2] =	stream.linear.scatter [tilespmem:s29], [sflag:$0x3], $0xA00, $0x38;
	[tilespmem:$0x16800] =	vst v63  }
0x68: {  	s28 =	sadd.s32 $0x900, s26;
	s29 =	simm.s32 $0x6400  }
0x69: {  	[hbm4b:s28+s2] =	stream.linear.scatter [tilespmem:s29], [sflag:$0x3], $0xA00, $0x38;
	[tilespmem:$0x16800] =	vst v63  }
0x6a: {  	s28 =	sadd.s32 $0xA80, s26;
	s29 =	simm.s32 $0x6E00  }
0x6b: {  	[hbm4b:s28+s2] =	stream.linear.scatter [tilespmem:s29], [sflag:$0x3], $0xA00, $0x38;
	[tilespmem:$0x16800] =	vst v63  }
0x6c: {  	s28 =	sadd.s32 $0xC00, s26;
	s29 =	simm.s32 $0x7800  }
0x6d: {  	[hbm4b:s28+s2] =	stream.linear.scatter [tilespmem:s29], [sflag:$0x3], $0xA00, $0x38;
	[tilespmem:$0x16800] =	vst v63  }
0x6e: {  	s28 =	sadd.s32 $0xD80, s26;
	s29 =	simm.s32 $0x8200  }
0x6f: {  	[hbm4b:s28+s2] =	stream.linear.scatter [tilespmem:s29], [sflag:$0x3], $0xA00, $0x38;
	[tilespmem:$0x16800] =	vst v63  }
0x70: {  	s28 =	sadd.s32 $0xF00, s26;
	s29 =	simm.s32 $0x8C00  }
0x71: {  	[hbm4b:s28+s2] =	stream.linear.scatter [tilespmem:s29], [sflag:$0x3], $0xA00, $0x38;
	[tilespmem:$0x16800] =	vst v63  }
0x72: {  	s28 =	sadd.s32 s22, s10;
	s29 =	simm.s32 $0x9600  }
0x73: {  	[hbm4b:s28+s2] =	stream.linear.scatter [tilespmem:s29], [sflag:$0x3], $0xA00, $0x38;
	[tilespmem:$0x16800] =	vst v63  }
0x74: {  	s28 =	sadd.s32 s22, s9;
	s29 =	simm.s32 $0xA000  }
0x75: {  	[hbm4b:s28+s2] =	stream.linear.scatter [tilespmem:s29], [sflag:$0x3], $0xA00, $0x38;
	[tilespmem:$0x16800] =	vst v63  }
0x76: {  	s28 =	sadd.s32 s22, s8;
	s29 =	simm.s32 $0xAA00  }
0x77: {  	[hbm4b:s28+s2] =	stream.linear.scatter [tilespmem:s29], [sflag:$0x3], $0xA00, $0x38;
	[tilespmem:$0x16800] =	vst v63  }
0x78: {  	s28 =	sadd.s32 s22, s7;
	s29 =	simm.s32 $0xB400  }
0x79: {  	[hbm4b:s28+s2] =	stream.linear.scatter [tilespmem:s29], [sflag:$0x3], $0xA00, $0x38;
	[tilespmem:$0x16800] =	vst v63  }
0x7a: {  	p0 =	seq.s32 s22, $0x0;
	s28 =	sadd.s32 s22, s6;
	s29 =	simm.s32 $0xBE00  }
0x7b: {  	[hbm4b:s28+s2] =	stream.linear.scatter [tilespmem:s29], [sflag:$0x3], $0xA00, $0x38;
	[tilespmem:$0x16800] =	vst v63  }
0x7c: {  	s28 =	simm.s32 @!p0 $0x4  }
0x7d: {  	_ =	swait.ge @!p0 [sflag:s28], $0xA00  }
0x7e: {  	[sflag:s28] =	ssyncset.done @!p0 $0x0  }
0x7f: {  	[sflag:s28] =	ssyncadd.s32 @!p0 $0xFFFFF600  }
0x80: {  	_ =	swait.ge @!p0 [sflag:s28], $0xA00  }
0x81: {  	[sflag:s28] =	ssyncset.done @!p0 $0x0  }
0x82: {  	[sflag:s28] =	ssyncadd.s32 @!p0 $0xFFFFF600  }
0x83: {  	_ =	swait.ge @!p0 [sflag:s28], $0xA00  }
0x84: {  	[sflag:s28] =	ssyncset.done @!p0 $0x0  }
0x85: {  	[sflag:s28] =	ssyncadd.s32 @!p0 $0xFFFFF600  }
0x86: {  	_ =	swait.ge @!p0 [sflag:s28], $0xA00  }
0x87: {  	[sflag:s28] =	ssyncset.done @!p0 $0x0  }
0x88: {  	[sflag:s28] =	ssyncadd.s32 @!p0 $0xFFFFF600  }
0x89: {  	_ =	swait.ge @!p0 [sflag:s28], $0xA00  }
0x8a: {  	[sflag:s28] =	ssyncset.done @!p0 $0x0  }
0x8b: {  	[sflag:s28] =	ssyncadd.s32 @!p0 $0xFFFFF600  }
0x8c: {  	_ =	swait.ge @!p0 [sflag:s28], $0xA00  }
0x8d: {  	[sflag:s28] =	ssyncset.done @!p0 $0x0  }
0x8e: {  	[sflag:s28] =	ssyncadd.s32 @!p0 $0xFFFFF600  }
0x8f: {  	_ =	swait.ge @!p0 [sflag:s28], $0xA00  }
0x90: {  	[sflag:s28] =	ssyncset.done @!p0 $0x0  }
0x91: {  	[sflag:s28] =	ssyncadd.s32 @!p0 $0xFFFFF600  }
0x92: {  	_ =	swait.ge @!p0 [sflag:s28], $0xA00  }
0x93: {  	[sflag:s28] =	ssyncset.done @!p0 $0x0  }
0x94: {  	[sflag:s28] =	ssyncadd.s32 @!p0 $0xFFFFF600  }
0x95: {  	_ =	swait.ge @!p0 [sflag:s28], $0xA00  }
0x96: {  	[sflag:s28] =	ssyncset.done @!p0 $0x0  }
0x97: {  	[sflag:s28] =	ssyncadd.s32 @!p0 $0xFFFFF600  }
0x98: {  	_ =	swait.ge @!p0 [sflag:s28], $0xA00  }
0x99: {  	[sflag:s28] =	ssyncset.done @!p0 $0x0  }
0x9a: {  	[sflag:s28] =	ssyncadd.s32 @!p0 $0xFFFFF600  }
0x9b: {  	_ =	swait.ge @!p0 [sflag:s28], $0xA00  }
0x9c: {  	[sflag:s28] =	ssyncset.done @!p0 $0x0  }
0x9d: {  	[sflag:s28] =	ssyncadd.s32 @!p0 $0xFFFFF600  }
0x9e: {  	_ =	swait.ge @!p0 [sflag:s28], $0xA00  }
0x9f: {  	[sflag:s28] =	ssyncset.done @!p0 $0x0  }
0xa0: {  	[sflag:s28] =	ssyncadd.s32 @!p0 $0xFFFFF600  }
0xa1: {  	_ =	swait.ge @!p0 [sflag:s28], $0xA00  }
0xa2: {  	[sflag:s28] =	ssyncset.done @!p0 $0x0  }
0xa3: {  	[sflag:s28] =	ssyncadd.s32 @!p0 $0xFFFFF600  }
0xa4: {  	_ =	swait.ge @!p0 [sflag:s28], $0xA00  }
0xa5: {  	[sflag:s28] =	ssyncset.done @!p0 $0x0  }
0xa6: {  	[sflag:s28] =	ssyncadd.s32 @!p0 $0xFFFFF600  }
0xa7: {  	_ =	swait.ge @!p0 [sflag:s28], $0xA00  }
0xa8: {  	[sflag:s28] =	ssyncset.done @!p0 $0x0  }
0xa9: {  	[sflag:s28] =	ssyncadd.s32 @!p0 $0xFFFFF600  }
0xaa: {  	_ =	swait.ge @!p0 [sflag:s28], $0xA00  }
0xab: {  	[sflag:s28] =	ssyncset.done @!p0 $0x0  }
0xac: {  	s29 =	sadd.s32 $0xFFFFFEC0, s5;
	[sflag:s28] =	ssyncadd.s32 @!p0 $0xFFFFF600  }
0xad: {  	[tilespmem:s0], [sflag:$0x2] =	stream.indirect.gather [hbm4b:s3+s23], $0x80, s29, s23, $0xb8;
	[tilespmem:$0x16800] =	vst v63  }
0xae: {  	_ =	swait.ge [sflag:s1], $0xA000  }
0xaf: {  	[sflag:s1] =	ssyncset.done $0x0  }
0xb0: {  	s29 =	sadd.s32 $0x1800, s26;
	[sflag:s1] =	ssyncadd.s32 $0xFFFF6000  }
0xb1: {  	[hbm4b:s29+s2] =	stream.linear.scatter [tilespmem:s0], [sflag:$0x4], $0xA00, $0x38;
	[tilespmem:$0x16800] =	vst v63  }
0xb2: {  	s28 =	sadd.s32 $0x1980, s26;
	s29 =	simm.s32 $0xD200  }
0xb3: {  	[hbm4b:s28+s2] =	stream.linear.scatter [tilespmem:s29], [sflag:$0x4], $0xA00, $0x38;
	[tilespmem:$0x16800] =	vst v63  }
0xb4: {  	s28 =	sadd.s32 $0x1B00, s26;
	s29 =	simm.s32 $0xDC00  }
0xb5: {  	[hbm4b:s28+s2] =	stream.linear.scatter [tilespmem:s29], [sflag:$0x4], $0xA00, $0x38;
	[tilespmem:$0x16800] =	vst v63  }
0xb6: {  	s28 =	sadd.s32 $0x1C80, s26;
	s29 =	simm.s32 $0xE600  }
0xb7: {  	[hbm4b:s28+s2] =	stream.linear.scatter [tilespmem:s29], [sflag:$0x4], $0xA00, $0x38;
	[tilespmem:$0x16800] =	vst v63  }
0xb8: {  	s28 =	sadd.s32 $0x1E00, s26;
	s29 =	simm.s32 $0xF000  }
0xb9: {  	[hbm4b:s28+s2] =	stream.linear.scatter [tilespmem:s29], [sflag:$0x4], $0xA00, $0x38;
	[tilespmem:$0x16800] =	vst v63  }
0xba: {  	s26 =	sadd.s32 $0x1F80, s26;
	s29 =	simm.s32 $0xFA00  }
0xbb: {  	[hbm4b:s26+s2] =	stream.linear.scatter [tilespmem:s29], [sflag:$0x4], $0xA00, $0x38;
	[tilespmem:$0x16800] =	vst v63  }
0xbc: {  	s26 =	sadd.s32 s22, s21;
	s29 =	simm.s32 $0x10400  }
0xbd: {  	[hbm4b:s26+s2] =	stream.linear.scatter [tilespmem:s29], [sflag:$0x4], $0xA00, $0x38;
	[tilespmem:$0x16800] =	vst v63  }
0xbe: {  	s26 =	sadd.s32 s22, s20;
	s29 =	simm.s32 $0x10E00  }
0xbf: {  	[hbm4b:s26+s2] =	stream.linear.scatter [tilespmem:s29], [sflag:$0x4], $0xA00, $0x38;
	[tilespmem:$0x16800] =	vst v63  }
0xc0: {  	s26 =	sadd.s32 s22, s19;
	s29 =	simm.s32 $0x11800  }
0xc1: {  	[hbm4b:s26+s2] =	stream.linear.scatter [tilespmem:s29], [sflag:$0x4], $0xA00, $0x38;
	[tilespmem:$0x16800] =	vst v63  }
0xc2: {  	s26 =	sadd.s32 s22, s18;
	s29 =	simm.s32 $0x12200  }
0xc3: {  	[hbm4b:s26+s2] =	stream.linear.scatter [tilespmem:s29], [sflag:$0x4], $0xA00, $0x38;
	[tilespmem:$0x16800] =	vst v63  }
0xc4: {  	s26 =	sadd.s32 s22, s17;
	s29 =	simm.s32 $0x12C00  }
0xc5: {  	[hbm4b:s26+s2] =	stream.linear.scatter [tilespmem:s29], [sflag:$0x4], $0xA00, $0x38;
	[tilespmem:$0x16800] =	vst v63  }
0xc6: {  	s26 =	sadd.s32 s22, s16;
	s29 =	simm.s32 $0x13600  }
0xc7: {  	[hbm4b:s26+s2] =	stream.linear.scatter [tilespmem:s29], [sflag:$0x4], $0xA00, $0x38;
	[tilespmem:$0x16800] =	vst v63  }
0xc8: {  	s26 =	sadd.s32 s22, s15;
	s29 =	simm.s32 $0x14000  }
0xc9: {  	[hbm4b:s26+s2] =	stream.linear.scatter [tilespmem:s29], [sflag:$0x4], $0xA00, $0x38;
	[tilespmem:$0x16800] =	vst v63  }
0xca: {  	s26 =	sadd.s32 s22, s14;
	s29 =	simm.s32 $0x14A00  }
0xcb: {  	[hbm4b:s26+s2] =	stream.linear.scatter [tilespmem:s29], [sflag:$0x4], $0xA00, $0x38;
	[tilespmem:$0x16800] =	vst v63  }
0xcc: {  	s26 =	sadd.s32 s22, s13;
	s29 =	simm.s32 $0x15400  }
0xcd: {  	[hbm4b:s26+s2] =	stream.linear.scatter [tilespmem:s29], [sflag:$0x4], $0xA00, $0x38;
	[tilespmem:$0x16800] =	vst v63  }
0xce: {  	s29 =	sadd.s32 s22, s12  }
0xcf: {  	[hbm4b:s29+s2] =	stream.linear.scatter [tilespmem:s30], [sflag:$0x4], $0xA00, $0x38;
	[tilespmem:$0x16800] =	vst v63  }
0xd0: {  	_ =	swait.ge [sflag:s31], $0xA00  }
0xd1: {  	[sflag:s31] =	ssyncset.done $0x0  }
0xd2: {  	[sflag:s31] =	ssyncadd.s32 $0xFFFFF600  }
0xd3: {  	_ =	swait.ge [sflag:s31], $0xA00  }
0xd4: {  	[sflag:s31] =	ssyncset.done $0x0  }
0xd5: {  	[sflag:s31] =	ssyncadd.s32 $0xFFFFF600  }
0xd6: {  	_ =	swait.ge [sflag:s31], $0xA00  }
0xd7: {  	[sflag:s31] =	ssyncset.done $0x0  }
0xd8: {  	[sflag:s31] =	ssyncadd.s32 $0xFFFFF600  }
0xd9: {  	_ =	swait.ge [sflag:s31], $0xA00  }
0xda: {  	[sflag:s31] =	ssyncset.done $0x0  }
0xdb: {  	[sflag:s31] =	ssyncadd.s32 $0xFFFFF600  }
0xdc: {  	_ =	swait.ge [sflag:s31], $0xA00  }
0xdd: {  	[sflag:s31] =	ssyncset.done $0x0  }
0xde: {  	[sflag:s31] =	ssyncadd.s32 $0xFFFFF600  }
0xdf: {  	_ =	swait.ge [sflag:s31], $0xA00  }
0xe0: {  	[sflag:s31] =	ssyncset.done $0x0  }
0xe1: {  	[sflag:s31] =	ssyncadd.s32 $0xFFFFF600  }
0xe2: {  	_ =	swait.ge [sflag:s31], $0xA00  }
0xe3: {  	[sflag:s31] =	ssyncset.done $0x0  }
0xe4: {  	[sflag:s31] =	ssyncadd.s32 $0xFFFFF600  }
0xe5: {  	_ =	swait.ge [sflag:s31], $0xA00  }
0xe6: {  	[sflag:s31] =	ssyncset.done $0x0  }
0xe7: {  	[sflag:s31] =	ssyncadd.s32 $0xFFFFF600  }
0xe8: {  	_ =	swait.ge [sflag:s31], $0xA00  }
0xe9: {  	[sflag:s31] =	ssyncset.done $0x0  }
0xea: {  	[sflag:s31] =	ssyncadd.s32 $0xFFFFF600  }
0xeb: {  	_ =	swait.ge [sflag:s31], $0xA00  }
0xec: {  	[sflag:s31] =	ssyncset.done $0x0  }
0xed: {  	[sflag:s31] =	ssyncadd.s32 $0xFFFFF600  }
0xee: {  	_ =	swait.ge [sflag:s31], $0xA00  }
0xef: {  	[sflag:s31] =	ssyncset.done $0x0  }
0xf0: {  	[sflag:s31] =	ssyncadd.s32 $0xFFFFF600  }
0xf1: {  	_ =	swait.ge [sflag:s31], $0xA00  }
0xf2: {  	[sflag:s31] =	ssyncset.done $0x0  }
0xf3: {  	[sflag:s31] =	ssyncadd.s32 $0xFFFFF600  }
0xf4: {  	_ =	swait.ge [sflag:s31], $0xA00  }
0xf5: {  	[sflag:s31] =	ssyncset.done $0x0  }
0xf6: {  	[sflag:s31] =	ssyncadd.s32 $0xFFFFF600  }
0xf7: {  	_ =	swait.ge [sflag:s31], $0xA00  }
0xf8: {  	[sflag:s31] =	ssyncset.done $0x0  }
0xf9: {  	[sflag:s31] =	ssyncadd.s32 $0xFFFFF600  }
0xfa: {  	p0 =	seq.s32 s22, $0x2D000;
	_ =	swait.ge [sflag:s31], $0xA00  }
.Ltmp2:
0xfb: {  	[sflag:s31] =	ssyncset.done $0x0;
	(pc) =	sbr.rel @p0 .LBB2_4-.Ltmp2, $4  }
0xfc: {  	[sflag:s31] =	ssyncadd.s32 $0xFFFFF600  }
0xfd: {  	_ =	swait.ge [sflag:s31], $0xA00  }
0xfe: {  	[sflag:s31] =	ssyncset.done $0x0  }
0xff: {  	[sflag:s31] =	ssyncadd.s32 $0xFFFFF600  }
.Ltmp3:
0x100: {  	(pc) =	sbr.rel .LBB2_2-.Ltmp3, $3  }
0x101: {  	_ =	sdelay $0x1  }
0x102: {  	[tilespmem:s24], [sflag:$0x1] =	stream.indirect.gather [hbm4b:s3+s23], $0x80, s5, s23, $0xb8;
	[tilespmem:$0x16800] =	vst v63  }
0x103: {  	s5 =	sadd.s32 $0x280, s5;
	s22 =	sadd.s32 $0x3000, s22  }
.LBB2_5:
0x104: {  	_ =	sfence.sel $0x180000  }
0x105: {  	[bflag:$0x0] =	sbarrier.arrive $0xFFFF  }
0x106: {  	_ =	strace $0x90000047  }
0x107: {  	s0 =	stileid.u32;
	[bflag:$0x2] =	sbarrier.arrive $0xFFFF  }
0x108: {  	p0 =	sne.s32 s0, $0x0;
	s0 =	rddreg [dreg:$0x2]  }
0x109: {  	s0 =	sadd.s32 @!p0 $0x100000, s0  }
0x10a: {  	[sflag:s0] =	ssyncadd.tile.s32 @!p0 $0x1;
	_ =	shalt  }
.Lfunc_end2:
_tile_overlayer_lowered:
.L_overlay_start_2:
0x10b: {  	(tag) =	ssettag $0x2  }
0x10c: {  	s0 =	rddreg [dreg:$0x0];
	s2 =	stileid.u32  }
0x10d: {  	s1 =	rddreg [dreg:$0x1];
	p0 =	sne.s32 s2, $0x0  }
0x10e: {  	s3 =	rddreg [dreg:$0x2];
	[bflag:$0x3] =	sbarrier.arrive $0xFFFF;
	s2 =	simm.s32 @!p0 $0x1C05  }
0x10f: {  	[timem:s3], [sflag:s2] =	dma.local @!p0 [hbm:s0], s1  }
0x110: {  	s0 =	simm.s32 @!p0 $0x5  }
0x111: {  	_ =	swait.ge @!p0 [sflag:s0], s1  }
0x112: {  	s1 =	ssub.s32 @!p0 $0x0, s1;
	[sflag:s0] =	ssyncset.done @!p0 $0x0  }
0x113: {  	[sflag:s0] =	ssyncadd.s32 @!p0 s1  }
0x114: {  	[bflag:$0x3] =	sbarrier.arrive $0xFFFF  }
0x115: {  	_ =	shalt  }

// kernel: sparse-core-data-format-call.cloned.1.call-start
scs
called_computation_lowered:
.L_overlay_start_0:
0x0: {  	s2 =	sld [smem:$0x3FD9]  }
0x1: {  	s3 =	sld [smem:$0x3FFE];
	_ =	sdelay $0x1  }
0x2: {  	s1 =	srdreg.scid  }
0x3: {  	s0 =	sand.u32 $0x1, s1  }
0x4: {  	s18 =	sshll.u32 s0, $0xA;
	s2 =	sadd.s32 s3, s2  }
0x5: {  	s2 =	sadd.s32 s2, s18  }
0x6: {  	[smem:$0x3FC6] =	sst s2  }
0x7: {  	_ = 	snop  }
0x8: {  	s2 =	sld [smem:$0x3FD0];
	(tm) =	ssettm $0x1  }
0x9: {  	s19 =	sld [smem:$0x3FFB];
	_ =	sdelay $0x3  }
0xa: {  	_ =	strace s19  }
0xb: {  	s3 =	sld [smem:$0x3FFC];
	_ =	sdelay $0x3  }
0xc: {  	_ =	strace s3  }
0xd: {  	s3 =	sld [smem:$0x3FFD];
	_ =	sdelay $0x3  }
0xe: {  	_ =	strace s3  }
0xf: {  	_ =	strace $0x8FFFFFFF  }
0x10: {  	s20 =	sld [smem:$0x3FDB];
	_ =	sdelay $0x1  }
0x11: {  	s4 =	simm.s32 $_scs_section_size  }
0x12: {  	s5 =	simm.s32 $_size__tile_overlayer_lowered;
	s6 =	simm.s32 $_tile_overlayer_lowered  }
0x13: {  	s23 =	simm.s32 $0x1BFF;
	s22 =	sshll.u32 s6, $0x1;
	s3 =	sadd.s32 s4, s20  }
0x14: {  	s7 =	simm.s32 $0x0;
	s21 =	sshll.u32 s5, $0x1;
	s5 =	sadd.s32 s22, s3  }
0x15: {  	[timem:s7], [sflag:s23] =	dma.local [hbm:s5], s21  }
0x16: {  	_ =	swait.ge [sflag:s23], s21  }
0x17: {  	s4 =	ssub.s32 $0x0, s21;
	[sflag:s23] =	ssyncset.done $0x0  }
0x18: {  	[sflag:s23] =	ssyncadd.s32 s4;
	_ =	sdelay $0x1  }
0x19: {  	s24 =	simm.s32 $0x1B8B  }
0x1a: {  	_ =	swait.ge [sflag:s24], $0x1  }
0x1b: {  	[sflag:s24] =	ssyncset.done $0x0  }
0x1c: {  	s26 =	simm.s32 $0x1B8E;
	s25 =	sld [smem:$0x3FFE];
	[sflag:s24] =	ssyncadd.s32 $0xFFFFFFFF  }
0x1d: {  	s27 =	simm.s32 $execute0_lowered;
	[smem:$0x3FD2] =	sst s26  }
0x1e: {  	s5 =	sshll.u32 s27, $0x1;
	_ =	strace $0x80000049;
	[dreg:$0x1] =	wrdreg $0xFFFFFFFF  }
0x1f: {  	s28 =	simm.s32 $_size_execute0_lowered;
	s3 =	sadd.s32 s3, s5;
	[dreg:$0x0] =	wrdreg $0x0  }
0x20: {  	s5 =	sshll.u32 s28, $0x1;
	[dreg:$0x2] =	wrdreg s3  }
0x21: {  	[dreg:$0x3] =	wrdreg s5  }
0x22: {  	[dreg:$0x4] =	wrdreg $0xC0  }
0x23: {  	_ =	task [dreg:s7], $0x5FFFF  }
0x24: {  	[dreg:$0x1] =	wrdreg $0xFFFFFFFF  }
0x25: {  	[dreg:$0x0] =	wrdreg $0x60  }
0x26: {  	[dreg:$0x2] =	wrdreg s25  }
0x27: {  	[dreg:$0x3] =	wrdreg s2  }
0x28: {  	[dreg:$0x4] =	wrdreg $0x9  }
0x29: {  	_ =	task.clear_ibuf [dreg:s7], $0x5FFFF;
	_ =	strace $0x90000049  }
0x2a: {  	s29 =	simm.s32 $0x9;
	_ =	strace $0x8000004B  }
0x2b: {  	_ =	swait.ge [sflag:s29], $0x1  }
0x2c: {  	[sflag:s29] =	ssyncadd.s32 $0xFFFFFFFF  }
0x2d: {  	_ =	strace $0x9000004B  }
0x2e: {  	_ =	sfence  }
0x2f: {  	s30 =	sld [smem:$0x0];
	_ =	sdelay $0x2  }
0x30: {  	s31 =	sshll.u32 s1, $0xD;
	s1 =	sshrl.u32 s1, $0x2  }
0x31: {  	s3 =	sand.u32 $0x4000, s31;
	s1 =	sadd.s32 s1, s30  }
0x32: {  	s0 =	sor.u32 s3, s0;
	s1 =	sshll.u32 s1, $0x11  }
0x33: {  	s0 =	sor.u32 s1, s0  }
0x34: {  	s0 =	sadd.s32 $0x8F2B, s0  }
0x35: {  	[sflag:s0] =	ssyncadd.remote.s32 $0x1  }
0x36: {  	_ =	sfence.sel $0xFFFF  }
0x37: {  	[dreg:$0x0] =	wrdreg $0xFFFFFFFF;
	(pc) =	sbr.abs _section_cstart, $3  }
0x38: {  	[dreg:$0x1] =	wrdreg $0xFFFFFFFF  }
0x39: {  	_ =	task.clear_ibuf [dreg:s7], $0x2FFFF;
	_ =	strace $0x9FFFFFFF  }
0x3a: {  	(tm) =	ssettm $0x7FFFFFFF  }
0x3b: {  	_ =	shalt  }
tec
execute0_lowered:
.L_overlay_start_1:
0x0: {  	(tag) =	ssettag $0x1  }
0x1: {  	s0 =	srdreg.scid  }
0x2: {  	s1 =	sshll.u32 s0, $0x4  }
0x3: {  	s0 =	stileid.u32;
	s1 =	sand.u32 $0x10, s1  }
0x4: {  	s1 =	sor.u32 s0, s1  }
0x5: {  	s6 =	rddreg [dreg:$0x0];
	s4 =	simm.s32 $0x1;
	s2 =	sshll.u32 s1, $0x7  }
0x6: {  	s7 =	simm.s32 $0x2;
	s12 =	simm.s32 $0x0;
	s1 =	ssub.s32 $0x4000, s2  }
0x7: {  	s8 =	simm.s32 $0x20000;
	s13 =	simm.s32 $0x0;
	s3 =	sand.u32 $0xF80, s1  }
0x8: {  	s9 =	simm.s32 $0x0;
	s5 =	sshrl.u32 s1, $0xC;
	p0 =	sne.s32 s3, $0x0  }
.Ltmp0:
0x9: {  	s1 =	rddreg [dreg:$0x2];
	s4 =	simm.s32 @!p0 $0x0;
	(pc) =	sbr.rel .LBB1_1-.Ltmp0, $4  }
0xa: {  	s11 =	simm.s32 $0x0;
	s3 =	rddreg [dreg:$0x1];
	s5 =	sadd.s32 s4, s5  }
0xb: {  	_ =	strace $0x8000004A;
	s4 =	simm.s32 $0x1;
	s5 =	smul.u32 $0x14, s5  }
0xc: {  	s6 =	sadd.s32 $0xA00, s6;
	s10 =	smov.u32 s2;
	[sflag:s4] =	ssyncpa.u1 $0x0  }
0xd: {  	p0 =	por $0x0, $0x0;
	[sflag:s7] =	ssyncpa.u1 $0x0;
	s7 =	sor.u32 $0x1, s5  }
.LBB1_4:
0xe: {  	s16 =	sshll.u32 s13, $0x3;
	s17 =	sand.u32 $0x78, s13  }
0xf: {  	s30 =	sand.u32 $0x1F800, s13;
	s12 =	sshll.u32 s12, $0x11;
	s16 =	sand.u32 $0x3C00, s16  }
0x10: {  	[tilespmem:s15+$0x810 ss:$0x81] =	vst.msk $0xffff, v2;
	s31 =	sand.u32 $0x7, s13;
	s16 =	sor.u32 s17, s16;
	s17 =	sadd.s32 s3, s30  }
0x11: {  	[tilespmem:s15+$0x1020 ss:$0x81] =	vst.msk $0xffff, v0;
	s13 =	sshll.u32 s31, $0x12;
	s12 =	sadd.s32 s12, s17;
	s16 =	sshrl.u32 s16, $0x3  }
0x12: {  	[tilespmem:s15+$0x0 ss:$0x81] =	vst.msk $0xffff, v1;
	s13 =	sor.u32 $0x400, s13;
	s12 =	sadd.s32 s16, s12  }
0x13: {  	[hbm4b:s12+s13] =	stream.strided.scatter [tilespmem:s14], [sflag:$0x2], $0x2000, s8, s13, $0x20;
	[tilespmem:$0x8080] =	vst v63  }
.LBB1_5:
0x14: {  	s14 =	sadd.s32 $0x1, s9  }
0x15: {  	s12 =	sadd.s32 $0x1000, s10;
	s16 =	smov.u32 s10;
	p2 =	sgt.s32 s14, $0x13  }
0x16: {  	s16 =	smov.u32 @p2 s12  }
0x17: {  	s14 =	simm.s32 @p2 $0x0;
	p2 =	sgt.s32 s16, $0x3FFF  }
0x18: {  	s16 =	smov.u32 @p2 s2;
	p2 =	sne.s32 s11, s7  }
.Ltmp1:
0x19: {  	p1 =	slt.u32 s11, $0x2;
	(pc) =	sbr.rel @!p2 .LBB1_6-.Ltmp1, $4  }
0x1a: {  	s15 =	simm.s32 @!p1 $0x2  }
0x1b: {  	s13 =	smov.u32 s10;
	p0 =	por !p0, !p0;
	_ =	swait.ge @!p1 [sflag:s15], $0x2000  }
0x1c: {  	s12 =	smov.u32 s9;
	[sflag:s15] =	ssyncset.done @!p1 $0x0;
	s9 =	smov.u32 s14  }
0x1d: {  	s11 =	sadd.s32 $0x1, s11;
	[sflag:s15] =	ssyncadd.s32 @!p1 $0xFFFFE000;
	s10 =	smov.u32 s16  }
.LBB1_1:
0x1e: {  	p1 =	sge.u32 s11, s5  }
0x1f: {  	s14 =	sand.u32 @!p1 $0x1FFFFFF, s9  }
0x20: {  	s15 =	smulhi.u32 @!p1 $0xAAAAAAB, s14;
	_ =	sdelay $0x1  }
0x21: {  	s15 =	smul.u32 @!p1 $0x18, s15  }
0x22: {  	s16 =	sxor.u32 @!p1 $0xFFFFFFFF, s11;
	s17 =	smul.u32 @!p1 $0x180, s10  }
0x23: {  	s31 =	sadd.s32 $0xFFFFFFFF, s11;
	s16 =	sshll.u32 @!p1 s16, $0xD;
	s14 =	ssub.s32 @!p1 s14, s15  }
0x24: {  	s15 =	sand.u32 @!p1 $0x2000, s16;
	s16 =	sadd.s32 @!p1 s6, s17;
	s14 =	sshll.u32 @!p1 s14, $0x4  }
0x25: {  	s17 =	simm.s32 @!p1 $0xC00;
	s14 =	sadd.s32 @!p1 s14, s16;
	s16 =	simm.s32 @!p1 $0x40  }
0x26: {  	[tilespmem:s15], [sflag:$0x1] =	stream.strided.gather @!p1 [hbm4b:s14+s16], $0x2000, s17, s16, $0x38;
	[tilespmem:$0x8080] =	vst v63  }
0x27: {  	p1 =	sge.u32 s31, s5  }
.Ltmp2:
0x28: {  	_ = 	snop;
	(pc) =	sbr.rel @p1 .LBB1_5-.Ltmp2, $1  }
0x29: {  	_ =	sdelay $0x3  }
0x2a: {  	s14 =	simm.s32 $0x1  }
0x2b: {  	_ =	swait.ge [sflag:s4], $0x2000;
	s14 =	simm.s32 @!p0 $0x0  }
0x2c: {  	[sflag:s4] =	ssyncset.done $0x0;
	s15 =	sshll.u32 s14, $0xD  }
0x2d: {  	[sflag:s4] =	ssyncadd.s32 $0xFFFFE000;
	s18 =	sor.u32 $0x20, s15  }
0x2e: {  	s14 =	smul.u32 $0x8100, s14;
	v3 =	vld [tilespmem:s18+$0x10]  }
0x2f: {  	s30 =	sand.u32 $0x1, s11;
	v2 =	vld [tilespmem:s18+$0xFFFFFFF0]  }
0x30: {  	s15 =	smul.u32 $0x8100, s30;
	s14 =	sshrl.u32 s14, $0x2;
	v0 =	vld [tilespmem:s18+$0x0]  }
0x31: {  	v1 =	vld [tilespmem:s18+$0xFFFFFFE0];
	s16 =	sor.u32 $0x4000, s14  }
0x32: {  	s31 =	sshrl.u32 s15, $0x2;
	s15 =	sadd.s32 $0x0, s16  }
0x33: {  	s17 =	simm.s32 $0x4;
	s18 =	sadd.s32 $0x40, s18;
	s14 =	sor.u32 $0x4000, s31;
	[tilespmem:s15+$0x1830 ss:$0x81] =	vst.msk $0xffff, v3  }
.LBB1_3:
0x34: {  	v3 =	vld [tilespmem:s18+$0x10];
	p1 =	sne.s32 s17, $0x1FC;
	[tilespmem:s15+$0x810 ss:$0x81] =	vst.msk $0xffff, v2;
	s19 =	smov.u32 s17;
	s17 =	sadd.s32 $0x4, s17  }
.Ltmp3:
0x35: {  	v2 =	vld [tilespmem:s18+$0xFFFFFFF0];
	[tilespmem:s15+$0x1020 ss:$0x81] =	vst.msk $0xffff, v0;
	(pc) =	sbr.rel @p1 .LBB1_3-.Ltmp3, $4  }
0x36: {  	v0 =	vld [tilespmem:s18+$0x0];
	[tilespmem:s15+$0x0 ss:$0x81] =	vst.msk $0xffff, v1  }
0x37: {  	s15 =	sshra.s32 s19, $0x2;
	v1 =	vld [tilespmem:s18+$0xFFFFFFE0]  }
0x38: {  	s15 =	sadd.s32 s15, s16  }
0x39: {  	s18 =	sadd.s32 $0x40, s18;
	[tilespmem:s15+$0x1830 ss:$0x81] =	vst.msk $0xffff, v3  }
.Ltmp4:
0x3a: {  	_ = 	snop;
	(pc) =	sbr.rel .LBB1_4-.Ltmp4, $1  }
0x3b: {  	_ =	sdelay $0x3  }
.LBB1_6:
0x3c: {  	_ =	sfence.sel $0x180000  }
0x3d: {  	s2 =	simm.s32 $0x1;
	[bflag:$0x0] =	sbarrier.arrive $0xFFFF  }
0x3e: {  	s31 =	simm.s32 $0x2;
	[sflag:s2] =	ssyncpa.u1 $0x1  }
0x3f: {  	[sflag:s31] =	ssyncpa.u1 $0x1  }
0x40: {  	p0 =	sne.s32 s0, $0x0;
	_ =	strace $0x9000004A  }
0x41: {  	s0 =	sadd.s32 @!p0 $0x100000, s1;
	[bflag:$0x2] =	sbarrier.arrive $0xFFFF  }
0x42: {  	[sflag:s0] =	ssyncadd.tile.s32 @!p0 $0x1;
	_ =	shalt  }
.Lfunc_end1:
_tile_overlayer_lowered:
.L_overlay_start_2:
0x43: {  	(tag) =	ssettag $0x2  }
0x44: {  	s0 =	rddreg [dreg:$0x0];
	s2 =	stileid.u32  }
0x45: {  	s1 =	rddreg [dreg:$0x1];
	p0 =	sne.s32 s2, $0x0  }
0x46: {  	s3 =	rddreg [dreg:$0x2];
	[bflag:$0x3] =	sbarrier.arrive $0xFFFF;
	s2 =	simm.s32 @!p0 $0x1C01  }
0x47: {  	[timem:s3], [sflag:s2] =	dma.local @!p0 [hbm:s0], s1  }
0x48: {  	s0 =	simm.s32 @!p0 $0x1  }
0x49: {  	_ =	swait.ge @!p0 [sflag:s0], s1  }
0x4a: {  	s1 =	ssub.s32 @!p0 $0x0, s1;
	[sflag:s0] =	ssyncset.done @!p0 $0x0  }
0x4b: {  	[sflag:s0] =	ssyncadd.s32 @!p0 s1  }
0x4c: {  	[bflag:$0x3] =	sbarrier.arrive $0xFFFF  }
0x4d: {  	_ =	shalt  }

</sc_bundles>
